<compile_context>
chip_gen: v7x
topology: tpu7x:2x2x1
jax: 0.10.2.dev20260603
libtpu: 0.0.44.dev20260713+nightly
codegen_flags: <defaults>
</compile_context>

<pallas_src>
import functools

import jax
import jax.numpy as jnp
from jax import lax
from jax.experimental import pallas as pl
from jax.experimental.pallas import tpu as pltpu
from jax.experimental.pallas import tpu_sc as plsc


_GELU_Q = (-4.5212428e-07, 2.6004855e-05, -6.155766e-04, 7.9248846e-03,
           -6.311591e-02, 3.9731035e-01)
_GELU_XC = 4.0


def _gelu(x):
    xc = jnp.clip(x, -_GELU_XC, _GELU_XC)
    s = xc * xc
    acc = jnp.full_like(s, _GELU_Q[0])
    for c in _GELU_Q[1:]:
        acc = acc * s + c
    return x * (acc * xc + 0.5)


def _stage1_body(h_ref, p_ref, w1_ref, b1_ref, a_ref, g_ref):
    C = h_ref.shape[1]
    hb = h_ref[...]
    w1a = w1_ref[0:C, :]
    w1b = w1_ref[C:2 * C, :]
    r = (p_ref[:, 0:1] * w1_ref[2 * C:2 * C + 1, :]
         + p_ref[:, 1:2] * w1_ref[2 * C + 1:2 * C + 2, :]
         + p_ref[:, 2:3] * w1_ref[2 * C + 2:2 * C + 3, :])
    g_ref[...] = jnp.dot(hb, w1b, preferred_element_type=jnp.float32) + r
    a_ref[...] = (jnp.dot(hb, w1a - w1b, preferred_element_type=jnp.float32)
                  + b1_ref[...] - r)


def _stage3_body(nodes, k, h_out, gath_ref, a_ref, w2_ref, b2_ref,
                 gm_ref, bt_ref, o_ref):
    z = gath_ref[...] + a_ref[...][None]
    x1 = _gelu(z).reshape(k * nodes, h_out)
    y = jnp.dot(x1, w2_ref[...], preferred_element_type=jnp.float32)
    y3 = y.reshape(k, nodes, h_out)
    ymax = jnp.max(y3, axis=0) + b2_ref[...]
    ymin = jnp.min(y3, axis=0) + b2_ref[...]
    m = jnp.maximum(_gelu(ymax), _gelu(ymin))
    mu = jnp.mean(m, axis=-1, keepdims=True)
    var = jnp.mean((m - mu) ** 2, axis=-1, keepdims=True)
    o_ref[...] = (m - mu) * lax.rsqrt(var + 1e-5) * gm_ref[...] + bt_ref[...]


def _make_sc_gather(n_edges, H, NC, NS, row_off, n_rows):
    NW = NC * NS
    per_w = n_edges // NW
    CHUNK = 80
    NBUF = 5
    n_groups = per_w // (CHUNK * NBUF)
    tail = []
    o = n_groups * CHUNK * NBUF
    while o < per_w:
        c = min(CHUNK, per_w - o)
        assert c % 8 == 0
        tail.append((o, c))
        o += c
    assert len(tail) <= NBUF

    mesh = plsc.VectorSubcoreMesh(core_axis_name="c", subcore_axis_name="s")

    @functools.partial(
        pl.kernel,
        out_type=jax.ShapeDtypeStruct((n_edges, H), jnp.float32),
        mesh=mesh,
        scratch_types=[
            pltpu.VMEM((per_w,), jnp.int32),
            pltpu.VMEM((2, NBUF, CHUNK, H), jnp.float32),
            pltpu.SemaphoreType.DMA,
            pltpu.SemaphoreType.DMA,
        ],
    )
    def _gather(idx_hbm, g_full_hbm, out_hbm, idx_v, rows_v, sem_g, sem_s):
        wid = lax.axis_index("s") * NC + lax.axis_index("c")
        base0 = wid * per_w
        g_hbm = g_full_hbm.at[pl.ds(row_off, n_rows)]
        pltpu.sync_copy(idx_hbm.at[pl.ds(base0, per_w)], idx_v)

        def drain_stores(par):
            for b in range(NBUF):
                pltpu.make_async_copy(
                    rows_v.at[par, b],
                    out_hbm.at[pl.ds(base0, CHUNK)], sem_s).wait()

        def body(t, carry):
            par = lax.rem(t, 2)
            @pl.when(t >= 2)
            def _():
                drain_stores(par)
            gets = []
            for b in range(NBUF):
                off = (t * NBUF + b) * CHUNK
                gets.append(pltpu.async_copy(
                    g_hbm.at[idx_v.at[pl.ds(off, CHUNK)]],
                    rows_v.at[par, b], sem_g))
            for c in gets:
                c.wait()
            for b in range(NBUF):
                off = (t * NBUF + b) * CHUNK
                pltpu.async_copy(rows_v.at[par, b],
                                 out_hbm.at[pl.ds(base0 + off, CHUNK)], sem_s)
            return carry

        lax.fori_loop(0, n_groups, body, 0)
        drain_stores(lax.rem(jnp.int32(n_groups), 2))
        if n_groups >= 2:
            drain_stores(lax.rem(jnp.int32(n_groups) + 1, 2))
        if tail:
            gets = []
            for j, (off, cnt) in enumerate(tail):
                gets.append(pltpu.async_copy(
                    g_hbm.at[idx_v.at[pl.ds(off, cnt)]],
                    rows_v.at[0, j, pl.ds(0, cnt)], sem_g))
            for c in gets:
                c.wait()
            puts = []
            for j, (off, cnt) in enumerate(tail):
                puts.append(pltpu.async_copy(
                    rows_v.at[0, j, pl.ds(0, cnt)],
                    out_hbm.at[pl.ds(base0 + off, cnt)], sem_s))
            for c in puts:
                c.wait()

    return _gather


def kernel(h, pos, idx, W1, b1, W2, b2, gamma, beta):
    B, N, C = h.shape
    K = idx.shape[-1]
    H = W1.shape[1]
    OUT = W2.shape[1]
    BN = B * N

    hf = h.reshape(BN, C)
    pf = pos.reshape(BN, 3)

    BLK1 = 1000
    grid1 = BN // BLK1
    a, g = pl.pallas_call(
        _stage1_body,
        grid=(grid1,),
        in_specs=[
            pl.BlockSpec((BLK1, C), lambda i: (i, 0)),
            pl.BlockSpec((BLK1, 3), lambda i: (i, 0)),
            pl.BlockSpec((2 * C + 3, H), lambda i: (0, 0)),
            pl.BlockSpec((1, H), lambda i: (0, 0)),
        ],
        out_specs=[
            pl.BlockSpec((BLK1, H), lambda i: (i, 0)),
            pl.BlockSpec((BLK1, H), lambda i: (i, 0)),
        ],
        out_shape=[
            jax.ShapeDtypeStruct((BN, H), jnp.float32),
            jax.ShapeDtypeStruct((BN, H), jnp.float32),
        ],
    )(hf, pf, W1, b1.reshape(1, H))

    info = plsc.get_sparse_core_info()
    NC, NS = info.num_cores, info.num_subcores
    E_b = N * K
    gathered = []
    for b in range(B):
        idxT_b = idx[b].T.reshape(E_b)
        sc_gather = _make_sc_gather(E_b, H, NC, NS, b * N, N)
        gathered.append(sc_gather(idxT_b, g))

    BLKN = 200
    grid3 = N // BLKN
    b2r = b2.reshape(1, OUT)
    gmr = gamma.reshape(1, OUT)
    btr = beta.reshape(1, OUT)

    outs = []
    for b in range(B):
        nblk = N // BLKN
        out_b = pl.pallas_call(
            functools.partial(_stage3_body, BLKN, K, H),
            grid=(grid3,),
            in_specs=[
                pl.BlockSpec((K, BLKN, H), lambda i: (0, i, 0)),
                pl.BlockSpec((BLKN, H), lambda i, o=b * nblk: (i + o, 0)),
                pl.BlockSpec((H, OUT), lambda i: (0, 0)),
                pl.BlockSpec((1, OUT), lambda i: (0, 0)),
                pl.BlockSpec((1, OUT), lambda i: (0, 0)),
                pl.BlockSpec((1, OUT), lambda i: (0, 0)),
            ],
            out_specs=pl.BlockSpec((BLKN, OUT), lambda i: (i, 0)),
            out_shape=jax.ShapeDtypeStruct((N, OUT), jnp.float32),
        )(gathered[b].reshape(K, N, H), a, W2, b2r, gmr, btr)
        outs.append(out_b)

    return jnp.stack(outs)

# --- scband reference (transcript-rebuilt; emitter-appended) ---
"""Pipeline reference for scband-edge-conv-29944511988097 (READ-ONLY COPY).

The authoritative reference and input builder live on the scoring server;
editing this copy changes nothing except your own understanding.
"""

import jax, jax.numpy as jnp
import numpy as np

B, N, K, C, H, OUT = 2, 10000, 16, 128, 128, 128


def setup_inputs(seed: int = 0) -> dict:
    key = jax.random.key(seed)
    ks = jax.random.split(key, 8)
    h = jax.random.normal(ks[0], (B, N, C), dtype=jnp.float32)
    pos = jax.random.normal(ks[1], (B, N, 3), dtype=jnp.float32)
    idx = jax.random.randint(ks[2], (B, N, K), 0, N).astype(jnp.int32)
    W1 = jax.random.normal(ks[3], (2 * C + 3, H), dtype=jnp.float32) * (1.0 / np.sqrt(2 * C + 3))
    b1 = jnp.zeros((H,), dtype=jnp.float32)
    W2 = jax.random.normal(ks[4], (H, OUT), dtype=jnp.float32) * (1.0 / np.sqrt(H))
    b2 = jnp.zeros((OUT,), dtype=jnp.float32)
    gamma = jnp.ones((OUT,), dtype=jnp.float32)
    beta = jnp.zeros((OUT,), dtype=jnp.float32)
    return {"h": h, "pos": pos, "idx": idx, "W1": W1, "b1": b1, "W2": W2, "b2": b2, "gamma": gamma, "beta": beta}


def reference(h, pos, idx, W1, b1, W2, b2, gamma, beta):
    Bn, Nn, Cn = h.shape
    bidx = jnp.arange(Bn)[:, None, None]
    # gather neighbor features and positions: (B, N, k, C) / (B, N, k, 3)
    h_j = h[bidx, idx]
    p_j = pos[bidx, idx]
    h_i = jnp.broadcast_to(h[:, :, None, :], h_j.shape)
    rel = p_j - pos[:, :, None, :]
    msg = jnp.concatenate([h_i, h_j - h_i, rel], axis=-1)
    x = jax.nn.gelu(msg @ W1 + b1, approximate=False)
    x = jax.nn.gelu(x @ W2 + b2, approximate=False)
    out = jnp.max(x, axis=2)
    mu = jnp.mean(out, axis=-1, keepdims=True)
    var = jnp.mean((out - mu) ** 2, axis=-1, keepdims=True)
    out = (out - mu) / jnp.sqrt(var + 1e-5) * gamma + beta
    return out

if __name__ == "__main__":
    import jax
    _d = setup_inputs()
    print(jax.jit(kernel)(*tuple(_d.values())))

</pallas_src>

<mosaic_0001>
#map = affine_map<(d0, d1) -> (0)>
#map1 = affine_map<(d0, d1) -> (0, 0)>
module attributes {stable_mosaic.version = 14 : i64} {
  func.func @_gather(%arg0: i32, %arg1: i32, %arg2: memref<160000xi32, #tpu.memory_space<hbm>>, %arg3: memref<20000x128xf32, #tpu.memory_space<hbm>>, %arg4: memref<160000x128xf32, #tpu.memory_space<hbm>>, %arg5: memref<5000xi32, #tpu.memory_space<vmem>>, %arg6: memref<2x5x80x128xf32, #tpu.memory_space<vmem>>, %arg7: memref<!tpu.dma_semaphore, #tpu.memory_space<semaphore_mem>>, %arg8: memref<!tpu.dma_semaphore, #tpu.memory_space<semaphore_mem>>) attributes {dimension_semantics = [#tpu.dimension_semantics<core_parallel>, #tpu.dimension_semantics<subcore_parallel>], iteration_bounds = array<i64: 2, 16>, scalar_prefetch = 0 : i64, scratch_operands = 4 : i64, tpu.core_type = #tpu.core_type<sc_vector_subcore>, window_params = [{transform_indices = #map}, {transform_indices = #map1}, {transform_indices = #map1}]} {
    %mul3A = arith.constant 2 : i32
    %mul3A_0 = arith.muli %arg1, %mul3A : i32
    %add3A = arith.addi %mul3A_0, %arg0 : i32
    %mul3A_1 = arith.constant 5000 : i32
    %mul3A_2 = arith.muli %add3A, %mul3A_1 : i32
    "tpu.region"() ({
      %run_scoped3A = tpu.sem_alloc : memref<!tpu.dma_semaphore, #tpu.memory_space<semaphore_mem>>
      %dma_start3A_317 = tpu.memref_slice %arg2[%mul3A_2] : memref<160000xi32, #tpu.memory_space<hbm>> -> memref<5000xi32, #tpu.memory_space<hbm>>
      %dma_start3A_318 = tpu.memref_slice %arg2[%mul3A_2] : memref<160000xi32, #tpu.memory_space<hbm>> -> memref<5000xi32, #tpu.memory_space<hbm>>
      tpu.enqueue_dma source(%dma_start3A_318 : memref<5000xi32, #tpu.memory_space<hbm>>) target(%arg5 : memref<5000xi32, #tpu.memory_space<vmem>>) target_semaphore(%run_scoped3A : memref<!tpu.dma_semaphore, #tpu.memory_space<semaphore_mem>>)
      %dma_wait3A_319 = tpu.memref_slice %arg2[%mul3A_2] : memref<160000xi32, #tpu.memory_space<hbm>> -> memref<5000xi32, #tpu.memory_space<hbm>>
      %dma_wait3A_320 = tpu.memref_slice %arg2[%mul3A_2] : memref<160000xi32, #tpu.memory_space<hbm>> -> memref<5000xi32, #tpu.memory_space<hbm>>
      tpu.wait_dma2 semaphore(%run_scoped3A : memref<!tpu.dma_semaphore, #tpu.memory_space<semaphore_mem>>) src(%dma_wait3A_320 : memref<5000xi32, #tpu.memory_space<hbm>>) dst(%arg5 : memref<5000xi32, #tpu.memory_space<vmem>>)
      tpu.yield
    }) : () -> ()
    %scan3A = arith.constant 0 : i32
    %scan3A_3 = arith.constant 0 : i32
    %scan3A_4 = arith.constant 12 : i32
    %scan3A_5 = arith.addi %scan3A_3, %scan3A_4 : i32
    %scan3A_6 = arith.constant 1 : i32
    scf.for %scan3A_317 = %scan3A_3 to %scan3A_5 step %scan3A_6  : i32 {
      %rem3A_318 = arith.constant 2 : i32
      %rem3A_319 = arith.remsi %scan3A_317, %rem3A_318 : i32
      %ge3A = arith.constant 2 : i32
      %ge3A_320 = arith.cmpi sge, %scan3A_317, %ge3A : i32
      %convert_element_type3A = arith.extui %ge3A_320 : i1 to i32
      %cond3A = arith.constant 0 : i32
      %cond3A_321 = arith.cmpi ne, %convert_element_type3A, %cond3A : i32
      scf.if %cond3A_321 {
        %dma_wait3A_572 = arith.constant 0 : i32
        %dma_wait3A_573 = arith.constant 0 : i32
        %dma_wait3A_574 = arith.constant 0 : i32
        %dma_wait3A_575 = tpu.memref_slice %arg6[%rem3A_319, %dma_wait3A_572, %dma_wait3A_573, %dma_wait3A_574] : memref<2x5x80x128xf32, #tpu.memory_space<vmem>> -> memref<1x1x80x128xf32, #tpu.memory_space<vmem>>
        %dma_wait3A_576 = tpu.memref_squeeze %dma_wait3A_575 : memref<1x1x80x128xf32, #tpu.memory_space<vmem>> -> memref<80x128xf32, #tpu.memory_space<vmem>>
        %dma_wait3A_577 = arith.constant 0 : i32
        %dma_wait3A_578 = tpu.memref_slice %arg4[%mul3A_2, %dma_wait3A_577] : memref<160000x128xf32, #tpu.memory_space<hbm>> -> memref<80x128xf32, #tpu.memory_space<hbm>>
        %dma_wait3A_579 = arith.constant 0 : i32
        %dma_wait3A_580 = tpu.memref_slice %arg4[%mul3A_2, %dma_wait3A_579] : memref<160000x128xf32, #tpu.memory_space<hbm>> -> memref<80x128xf32, #tpu.memory_space<hbm>>
        %dma_wait3A_581 = arith.constant 0 : i32
        %dma_wait3A_582 = arith.constant 0 : i32
        %dma_wait3A_583 = tpu.memref_slice %arg6[%rem3A_319, %dma_wait3A_572, %dma_wait3A_581, %dma_wait3A_582] : memref<2x5x80x128xf32, #tpu.memory_space<vmem>> -> memref<1x1x80x128xf32, #tpu.memory_space<vmem>>
        %dma_wait3A_584 = tpu.memref_squeeze %dma_wait3A_583 : memref<1x1x80x128xf32, #tpu.memory_space<vmem>> -> memref<80x128xf32, #tpu.memory_space<vmem>>
        tpu.wait_dma2 semaphore(%arg8 : memref<!tpu.dma_semaphore, #tpu.memory_space<semaphore_mem>>) src(%dma_wait3A_584 : memref<80x128xf32, #tpu.memory_space<vmem>>) dst(%dma_wait3A_580 : memref<80x128xf32, #tpu.memory_space<hbm>>)
        %dma_wait3A_585 = arith.constant 1 : i32
        %dma_wait3A_586 = arith.constant 0 : i32
        %dma_wait3A_587 = arith.constant 0 : i32
        %dma_wait3A_588 = tpu.memref_slice %arg6[%rem3A_319, %dma_wait3A_585, %dma_wait3A_586, %dma_wait3A_587] : memref<2x5x80x128xf32, #tpu.memory_space<vmem>> -> memref<1x1x80x128xf32, #tpu.memory_space<vmem>>
        %dma_wait3A_589 = tpu.memref_squeeze %dma_wait3A_588 : memref<1x1x80x128xf32, #tpu.memory_space<vmem>> -> memref<80x128xf32, #tpu.memory_space<vmem>>
        %dma_wait3A_590 = arith.constant 0 : i32
        %dma_wait3A_591 = tpu.memref_slice %arg4[%mul3A_2, %dma_wait3A_590] : memref<160000x128xf32, #tpu.memory_space<hbm>> -> memref<80x128xf32, #tpu.memory_space<hbm>>
        %dma_wait3A_592 = arith.constant 0 : i32
        %dma_wait3A_593 = tpu.memref_slice %arg4[%mul3A_2, %dma_wait3A_592] : memref<160000x128xf32, #tpu.memory_space<hbm>> -> memref<80x128xf32, #tpu.memory_space<hbm>>
        %dma_wait3A_594 = arith.constant 0 : i32
        %dma_wait3A_595 = arith.constant 0 : i32
        %dma_wait3A_596 = tpu.memref_slice %arg6[%rem3A_319, %dma_wait3A_585, %dma_wait3A_594, %dma_wait3A_595] : memref<2x5x80x128xf32, #tpu.memory_space<vmem>> -> memref<1x1x80x128xf32, #tpu.memory_space<vmem>>
        %dma_wait3A_597 = tpu.memref_squeeze %dma_wait3A_596 : memref<1x1x80x128xf32, #tpu.memory_space<vmem>> -> memref<80x128xf32, #tpu.memory_space<vmem>>
        tpu.wait_dma2 semaphore(%arg8 : memref<!tpu.dma_semaphore, #tpu.memory_space<semaphore_mem>>) src(%dma_wait3A_597 : memref<80x128xf32, #tpu.memory_space<vmem>>) dst(%dma_wait3A_593 : memref<80x128xf32, #tpu.memory_space<hbm>>)
        %dma_wait3A_598 = arith.constant 2 : i32
        %dma_wait3A_599 = arith.constant 0 : i32
        %dma_wait3A_600 = arith.constant 0 : i32
        %dma_wait3A_601 = tpu.memref_slice %arg6[%rem3A_319, %dma_wait3A_598, %dma_wait3A_599, %dma_wait3A_600] : memref<2x5x80x128xf32, #tpu.memory_space<vmem>> -> memref<1x1x80x128xf32, #tpu.memory_space<vmem>>
        %dma_wait3A_602 = tpu.memref_squeeze %dma_wait3A_601 : memref<1x1x80x128xf32, #tpu.memory_space<vmem>> -> memref<80x128xf32, #tpu.memory_space<vmem>>
        %dma_wait3A_603 = arith.constant 0 : i32
        %dma_wait3A_604 = tpu.memref_slice %arg4[%mul3A_2, %dma_wait3A_603] : memref<160000x128xf32, #tpu.memory_space<hbm>> -> memref<80x128xf32, #tpu.memory_space<hbm>>
        %dma_wait3A_605 = arith.constant 0 : i32
        %dma_wait3A_606 = tpu.memref_slice %arg4[%mul3A_2, %dma_wait3A_605] : memref<160000x128xf32, #tpu.memory_space<hbm>> -> memref<80x128xf32, #tpu.memory_space<hbm>>
        %dma_wait3A_607 = arith.constant 0 : i32
        %dma_wait3A_608 = arith.constant 0 : i32
        %dma_wait3A_609 = tpu.memref_slice %arg6[%rem3A_319, %dma_wait3A_598, %dma_wait3A_607, %dma_wait3A_608] : memref<2x5x80x128xf32, #tpu.memory_space<vmem>> -> memref<1x1x80x128xf32, #tpu.memory_space<vmem>>
        %dma_wait3A_610 = tpu.memref_squeeze %dma_wait3A_609 : memref<1x1x80x128xf32, #tpu.memory_space<vmem>> -> memref<80x128xf32, #tpu.memory_space<vmem>>
        tpu.wait_dma2 semaphore(%arg8 : memref<!tpu.dma_semaphore, #tpu.memory_space<semaphore_mem>>) src(%dma_wait3A_610 : memref<80x128xf32, #tpu.memory_space<vmem>>) dst(%dma_wait3A_606 : memref<80x128xf32, #tpu.memory_space<hbm>>)
        %dma_wait3A_611 = arith.constant 3 : i32
        %dma_wait3A_612 = arith.constant 0 : i32
        %dma_wait3A_613 = arith.constant 0 : i32
        %dma_wait3A_614 = tpu.memref_slice %arg6[%rem3A_319, %dma_wait3A_611, %dma_wait3A_612, %dma_wait3A_613] : memref<2x5x80x128xf32, #tpu.memory_space<vmem>> -> memref<1x1x80x128xf32, #tpu.memory_space<vmem>>
        %dma_wait3A_615 = tpu.memref_squeeze %dma_wait3A_614 : memref<1x1x80x128xf32, #tpu.memory_space<vmem>> -> memref<80x128xf32, #tpu.memory_space<vmem>>
        %dma_wait3A_616 = arith.constant 0 : i32
        %dma_wait3A_617 = tpu.memref_slice %arg4[%mul3A_2, %dma_wait3A_616] : memref<160000x128xf32, #tpu.memory_space<hbm>> -> memref<80x128xf32, #tpu.memory_space<hbm>>
        %dma_wait3A_618 = arith.constant 0 : i32
        %dma_wait3A_619 = tpu.memref_slice %arg4[%mul3A_2, %dma_wait3A_618] : memref<160000x128xf32, #tpu.memory_space<hbm>> -> memref<80x128xf32, #tpu.memory_space<hbm>>
        %dma_wait3A_620 = arith.constant 0 : i32
        %dma_wait3A_621 = arith.constant 0 : i32
        %dma_wait3A_622 = tpu.memref_slice %arg6[%rem3A_319, %dma_wait3A_611, %dma_wait3A_620, %dma_wait3A_621] : memref<2x5x80x128xf32, #tpu.memory_space<vmem>> -> memref<1x1x80x128xf32, #tpu.memory_space<vmem>>
        %dma_wait3A_623 = tpu.memref_squeeze %dma_wait3A_622 : memref<1x1x80x128xf32, #tpu.memory_space<vmem>> -> memref<80x128xf32, #tpu.memory_space<vmem>>
        tpu.wait_dma2 semaphore(%arg8 : memref<!tpu.dma_semaphore, #tpu.memory_space<semaphore_mem>>) src(%dma_wait3A_623 : memref<80x128xf32, #tpu.memory_space<vmem>>) dst(%dma_wait3A_619 : memref<80x128xf32, #tpu.memory_space<hbm>>)
        %dma_wait3A_624 = arith.constant 4 : i32
        %dma_wait3A_625 = arith.constant 0 : i32
        %dma_wait3A_626 = arith.constant 0 : i32
        %dma_wait3A_627 = tpu.memref_slice %arg6[%rem3A_319, %dma_wait3A_624, %dma_wait3A_625, %dma_wait3A_626] : memref<2x5x80x128xf32, #tpu.memory_space<vmem>> -> memref<1x1x80x128xf32, #tpu.memory_space<vmem>>
        %dma_wait3A_628 = tpu.memref_squeeze %dma_wait3A_627 : memref<1x1x80x128xf32, #tpu.memory_space<vmem>> -> memref<80x128xf32, #tpu.memory_space<vmem>>
        %dma_wait3A_629 = arith.constant 0 : i32
        %dma_wait3A_630 = tpu.memref_slice %arg4[%mul3A_2, %dma_wait3A_629] : memref<160000x128xf32, #tpu.memory_space<hbm>> -> memref<80x128xf32, #tpu.memory_space<hbm>>
        %dma_wait3A_631 = arith.constant 0 : i32
        %dma_wait3A_632 = tpu.memref_slice %arg4[%mul3A_2, %dma_wait3A_631] : memref<160000x128xf32, #tpu.memory_space<hbm>> -> memref<80x128xf32, #tpu.memory_space<hbm>>
        %dma_wait3A_633 = arith.constant 0 : i32
        %dma_wait3A_634 = arith.constant 0 : i32
        %dma_wait3A_635 = tpu.memref_slice %arg6[%rem3A_319, %dma_wait3A_624, %dma_wait3A_633, %dma_wait3A_634] : memref<2x5x80x128xf32, #tpu.memory_space<vmem>> -> memref<1x1x80x128xf32, #tpu.memory_space<vmem>>
        %dma_wait3A_636 = tpu.memref_squeeze %dma_wait3A_635 : memref<1x1x80x128xf32, #tpu.memory_space<vmem>> -> memref<80x128xf32, #tpu.memory_space<vmem>>
        tpu.wait_dma2 semaphore(%arg8 : memref<!tpu.dma_semaphore, #tpu.memory_space<semaphore_mem>>) src(%dma_wait3A_636 : memref<80x128xf32, #tpu.memory_space<vmem>>) dst(%dma_wait3A_632 : memref<80x128xf32, #tpu.memory_space<hbm>>)
      } else {
      }
      %mul3A_322 = arith.constant 5 : i32
      %mul3A_323 = arith.muli %scan3A_317, %mul3A_322 : i32
      %add3A_324 = arith.constant 0 : i32
      %add3A_325 = arith.addi %mul3A_323, %add3A_324 : i32
      %mul3A_326 = arith.constant 80 : i32
      %mul3A_327 = arith.muli %add3A_325, %mul3A_326 : i32
      %dma_start3A_328 = arith.constant 0 : i32
      %dma_start3A_329 = arith.constant 0 : i32
      %dma_start3A_330 = arith.constant 0 : i32
      %dma_start3A_331 = tpu.memref_slice %arg6[%rem3A_319, %dma_start3A_328, %dma_start3A_329, %dma_start3A_330] : memref<2x5x80x128xf32, #tpu.memory_space<vmem>> -> memref<1x1x80x128xf32, #tpu.memory_space<vmem>>
      %dma_start3A_332 = tpu.memref_squeeze %dma_start3A_331 : memref<1x1x80x128xf32, #tpu.memory_space<vmem>> -> memref<80x128xf32, #tpu.memory_space<vmem>>
      %dma_start3A_333 = tpu.memref_slice %arg5[%mul3A_327] : memref<5000xi32, #tpu.memory_space<vmem>> -> memref<80xi32, #tpu.memory_space<vmem>>
      %dma_start3A_334 = arith.constant 10000 : i32
      %dma_start3A_335 = arith.constant 0 : i32
      %dma_start3A_336 = tpu.memref_slice %arg3[%dma_start3A_334, %dma_start3A_335] : memref<20000x128xf32, #tpu.memory_space<hbm>> -> memref<10000x128xf32, #tpu.memory_space<hbm>>
      %dma_start3A_337 = arith.constant 0 : i32
      %dma_start3A_338 = arith.constant 0 : i32
      %dma_start3A_339 = tpu.memref_slice %dma_start3A_336[%dma_start3A_337, %dma_start3A_338] : memref<10000x128xf32, #tpu.memory_space<hbm>> -> memref<10000x128xf32, #tpu.memory_space<hbm>>
      tpu.enqueue_indirect_dma source(%dma_start3A_339 : memref<10000x128xf32, #tpu.memory_space<hbm>>) target(%dma_start3A_332 : memref<80x128xf32, #tpu.memory_space<vmem>>) offsets(%dma_start3A_333 : memref<80xi32, #tpu.memory_space<vmem>>) semaphore(%arg7 : memref<!tpu.dma_semaphore, #tpu.memory_space<semaphore_mem>>)
      %mul3A_340 = arith.constant 5 : i32
      %mul3A_341 = arith.muli %scan3A_317, %mul3A_340 : i32
      %add3A_342 = arith.constant 1 : i32
      %add3A_343 = arith.addi %mul3A_341, %add3A_342 : i32
      %mul3A_344 = arith.constant 80 : i32
      %mul3A_345 = arith.muli %add3A_343, %mul3A_344 : i32
      %dma_start3A_346 = arith.constant 1 : i32
      %dma_start3A_347 = arith.constant 0 : i32
      %dma_start3A_348 = arith.constant 0 : i32
      %dma_start3A_349 = tpu.memref_slice %arg6[%rem3A_319, %dma_start3A_346, %dma_start3A_347, %dma_start3A_348] : memref<2x5x80x128xf32, #tpu.memory_space<vmem>> -> memref<1x1x80x128xf32, #tpu.memory_space<vmem>>
      %dma_start3A_350 = tpu.memref_squeeze %dma_start3A_349 : memref<1x1x80x128xf32, #tpu.memory_space<vmem>> -> memref<80x128xf32, #tpu.memory_space<vmem>>
      %dma_start3A_351 = tpu.memref_slice %arg5[%mul3A_345] : memref<5000xi32, #tpu.memory_space<vmem>> -> memref<80xi32, #tpu.memory_space<vmem>>
      %dma_start3A_352 = arith.constant 10000 : i32
      %dma_start3A_353 = arith.constant 0 : i32
      %dma_start3A_354 = tpu.memref_slice %arg3[%dma_start3A_352, %dma_start3A_353] : memref<20000x128xf32, #tpu.memory_space<hbm>> -> memref<10000x128xf32, #tpu.memory_space<hbm>>
      %dma_start3A_355 = arith.constant 0 : i32
      %dma_start3A_356 = arith.constant 0 : i32
      %dma_start3A_357 = tpu.memref_slice %dma_start3A_354[%dma_start3A_355, %dma_start3A_356] : memref<10000x128xf32, #tpu.memory_space<hbm>> -> memref<10000x128xf32, #tpu.memory_space<hbm>>
      tpu.enqueue_indirect_dma source(%dma_start3A_357 : memref<10000x128xf32, #tpu.memory_space<hbm>>) target(%dma_start3A_350 : memref<80x128xf32, #tpu.memory_space<vmem>>) offsets(%dma_start3A_351 : memref<80xi32, #tpu.memory_space<vmem>>) semaphore(%arg7 : memref<!tpu.dma_semaphore, #tpu.memory_space<semaphore_mem>>)
      %mul3A_358 = arith.constant 5 : i32
      %mul3A_359 = arith.muli %scan3A_317, %mul3A_358 : i32
      %add3A_360 = arith.constant 2 : i32
      %add3A_361 = arith.addi %mul3A_359, %add3A_360 : i32
      %mul3A_362 = arith.constant 80 : i32
      %mul3A_363 = arith.muli %add3A_361, %mul3A_362 : i32
      %dma_start3A_364 = arith.constant 2 : i32
      %dma_start3A_365 = arith.constant 0 : i32
      %dma_start3A_366 = arith.constant 0 : i32
      %dma_start3A_367 = tpu.memref_slice %arg6[%rem3A_319, %dma_start3A_364, %dma_start3A_365, %dma_start3A_366] : memref<2x5x80x128xf32, #tpu.memory_space<vmem>> -> memref<1x1x80x128xf32, #tpu.memory_space<vmem>>
      %dma_start3A_368 = tpu.memref_squeeze %dma_start3A_367 : memref<1x1x80x128xf32, #tpu.memory_space<vmem>> -> memref<80x128xf32, #tpu.memory_space<vmem>>
      %dma_start3A_369 = tpu.memref_slice %arg5[%mul3A_363] : memref<5000xi32, #tpu.memory_space<vmem>> -> memref<80xi32, #tpu.memory_space<vmem>>
      %dma_start3A_370 = arith.constant 10000 : i32
      %dma_start3A_371 = arith.constant 0 : i32
      %dma_start3A_372 = tpu.memref_slice %arg3[%dma_start3A_370, %dma_start3A_371] : memref<20000x128xf32, #tpu.memory_space<hbm>> -> memref<10000x128xf32, #tpu.memory_space<hbm>>
      %dma_start3A_373 = arith.constant 0 : i32
      %dma_start3A_374 = arith.constant 0 : i32
      %dma_start3A_375 = tpu.memref_slice %dma_start3A_372[%dma_start3A_373, %dma_start3A_374] : memref<10000x128xf32, #tpu.memory_space<hbm>> -> memref<10000x128xf32, #tpu.memory_space<hbm>>
      tpu.enqueue_indirect_dma source(%dma_start3A_375 : memref<10000x128xf32, #tpu.memory_space<hbm>>) target(%dma_start3A_368 : memref<80x128xf32, #tpu.memory_space<vmem>>) offsets(%dma_start3A_369 : memref<80xi32, #tpu.memory_space<vmem>>) semaphore(%arg7 : memref<!tpu.dma_semaphore, #tpu.memory_space<semaphore_mem>>)
      %mul3A_376 = arith.constant 5 : i32
      %mul3A_377 = arith.muli %scan3A_317, %mul3A_376 : i32
      %add3A_378 = arith.constant 3 : i32
      %add3A_379 = arith.addi %mul3A_377, %add3A_378 : i32
      %mul3A_380 = arith.constant 80 : i32
      %mul3A_381 = arith.muli %add3A_379, %mul3A_380 : i32
      %dma_start3A_382 = arith.constant 3 : i32
      %dma_start3A_383 = arith.constant 0 : i32
      %dma_start3A_384 = arith.constant 0 : i32
      %dma_start3A_385 = tpu.memref_slice %arg6[%rem3A_319, %dma_start3A_382, %dma_start3A_383, %dma_start3A_384] : memref<2x5x80x128xf32, #tpu.memory_space<vmem>> -> memref<1x1x80x128xf32, #tpu.memory_space<vmem>>
      %dma_start3A_386 = tpu.memref_squeeze %dma_start3A_385 : memref<1x1x80x128xf32, #tpu.memory_space<vmem>> -> memref<80x128xf32, #tpu.memory_space<vmem>>
      %dma_start3A_387 = tpu.memref_slice %arg5[%mul3A_381] : memref<5000xi32, #tpu.memory_space<vmem>> -> memref<80xi32, #tpu.memory_space<vmem>>
      %dma_start3A_388 = arith.constant 10000 : i32
      %dma_start3A_389 = arith.constant 0 : i32
      %dma_start3A_390 = tpu.memref_slice %arg3[%dma_start3A_388, %dma_start3A_389] : memref<20000x128xf32, #tpu.memory_space<hbm>> -> memref<10000x128xf32, #tpu.memory_space<hbm>>
      %dma_start3A_391 = arith.constant 0 : i32
      %dma_start3A_392 = arith.constant 0 : i32
      %dma_start3A_393 = tpu.memref_slice %dma_start3A_390[%dma_start3A_391, %dma_start3A_392] : memref<10000x128xf32, #tpu.memory_space<hbm>> -> memref<10000x128xf32, #tpu.memory_space<hbm>>
      tpu.enqueue_indirect_dma source(%dma_start3A_393 : memref<10000x128xf32, #tpu.memory_space<hbm>>) target(%dma_start3A_386 : memref<80x128xf32, #tpu.memory_space<vmem>>) offsets(%dma_start3A_387 : memref<80xi32, #tpu.memory_space<vmem>>) semaphore(%arg7 : memref<!tpu.dma_semaphore, #tpu.memory_space<semaphore_mem>>)
      %mul3A_394 = arith.constant 5 : i32
      %mul3A_395 = arith.muli %scan3A_317, %mul3A_394 : i32
      %add3A_396 = arith.constant 4 : i32
      %add3A_397 = arith.addi %mul3A_395, %add3A_396 : i32
      %mul3A_398 = arith.constant 80 : i32
      %mul3A_399 = arith.muli %add3A_397, %mul3A_398 : i32
      %dma_start3A_400 = arith.constant 4 : i32
      %dma_start3A_401 = arith.constant 0 : i32
      %dma_start3A_402 = arith.constant 0 : i32
      %dma_start3A_403 = tpu.memref_slice %arg6[%rem3A_319, %dma_start3A_400, %dma_start3A_401, %dma_start3A_402] : memref<2x5x80x128xf32, #tpu.memory_space<vmem>> -> memref<1x1x80x128xf32, #tpu.memory_space<vmem>>
      %dma_start3A_404 = tpu.memref_squeeze %dma_start3A_403 : memref<1x1x80x128xf32, #tpu.memory_space<vmem>> -> memref<80x128xf32, #tpu.memory_space<vmem>>
      %dma_start3A_405 = tpu.memref_slice %arg5[%mul3A_399] : memref<5000xi32, #tpu.memory_space<vmem>> -> memref<80xi32, #tpu.memory_space<vmem>>
      %dma_start3A_406 = arith.constant 10000 : i32
      %dma_start3A_407 = arith.constant 0 : i32
      %dma_start3A_408 = tpu.memref_slice %arg3[%dma_start3A_406, %dma_start3A_407] : memref<20000x128xf32, #tpu.memory_space<hbm>> -> memref<10000x128xf32, #tpu.memory_space<hbm>>
      %dma_start3A_409 = arith.constant 0 : i32
      %dma_start3A_410 = arith.constant 0 : i32
      %dma_start3A_411 = tpu.memref_slice %dma_start3A_408[%dma_start3A_409, %dma_start3A_410] : memref<10000x128xf32, #tpu.memory_space<hbm>> -> memref<10000x128xf32, #tpu.memory_space<hbm>>
      tpu.enqueue_indirect_dma source(%dma_start3A_411 : memref<10000x128xf32, #tpu.memory_space<hbm>>) target(%dma_start3A_404 : memref<80x128xf32, #tpu.memory_space<vmem>>) offsets(%dma_start3A_405 : memref<80xi32, #tpu.memory_space<vmem>>) semaphore(%arg7 : memref<!tpu.dma_semaphore, #tpu.memory_space<semaphore_mem>>)
      %dma_wait3A_412 = arith.constant 0 : i32
      %dma_wait3A_413 = arith.constant 0 : i32
      %dma_wait3A_414 = arith.constant 0 : i32
      %dma_wait3A_415 = tpu.memref_slice %arg6[%rem3A_319, %dma_wait3A_412, %dma_wait3A_413, %dma_wait3A_414] : memref<2x5x80x128xf32, #tpu.memory_space<vmem>> -> memref<1x1x80x128xf32, #tpu.memory_space<vmem>>
      %dma_wait3A_416 = tpu.memref_squeeze %dma_wait3A_415 : memref<1x1x80x128xf32, #tpu.memory_space<vmem>> -> memref<80x128xf32, #tpu.memory_space<vmem>>
      %dma_wait3A_417 = tpu.memref_slice %arg5[%mul3A_327] : memref<5000xi32, #tpu.memory_space<vmem>> -> memref<80xi32, #tpu.memory_space<vmem>>
      %dma_wait3A_418 = arith.constant 10000 : i32
      %dma_wait3A_419 = arith.constant 0 : i32
      %dma_wait3A_420 = tpu.memref_slice %arg3[%dma_wait3A_418, %dma_wait3A_419] : memref<20000x128xf32, #tpu.memory_space<hbm>> -> memref<10000x128xf32, #tpu.memory_space<hbm>>
      %dma_wait3A_421 = arith.constant 0 : i32
      %dma_wait3A_422 = arith.constant 0 : i32
      %dma_wait3A_423 = tpu.memref_slice %dma_wait3A_420[%dma_wait3A_421, %dma_wait3A_422] : memref<10000x128xf32, #tpu.memory_space<hbm>> -> memref<10000x128xf32, #tpu.memory_space<hbm>>
      tpu.wait_indirect_dma semaphore(%arg7 : memref<!tpu.dma_semaphore, #tpu.memory_space<semaphore_mem>>) src(%dma_wait3A_423 : memref<10000x128xf32, #tpu.memory_space<hbm>>) dst(%dma_wait3A_416 : memref<80x128xf32, #tpu.memory_space<vmem>>)
      %dma_wait3A_424 = arith.constant 1 : i32
      %dma_wait3A_425 = arith.constant 0 : i32
      %dma_wait3A_426 = arith.constant 0 : i32
      %dma_wait3A_427 = tpu.memref_slice %arg6[%rem3A_319, %dma_wait3A_424, %dma_wait3A_425, %dma_wait3A_426] : memref<2x5x80x128xf32, #tpu.memory_space<vmem>> -> memref<1x1x80x128xf32, #tpu.memory_space<vmem>>
      %dma_wait3A_428 = tpu.memref_squeeze %dma_wait3A_427 : memref<1x1x80x128xf32, #tpu.memory_space<vmem>> -> memref<80x128xf32, #tpu.memory_space<vmem>>
      %dma_wait3A_429 = tpu.memref_slice %arg5[%mul3A_345] : memref<5000xi32, #tpu.memory_space<vmem>> -> memref<80xi32, #tpu.memory_space<vmem>>
      %dma_wait3A_430 = arith.constant 10000 : i32
      %dma_wait3A_431 = arith.constant 0 : i32
      %dma_wait3A_432 = tpu.memref_slice %arg3[%dma_wait3A_430, %dma_wait3A_431] : memref<20000x128xf32, #tpu.memory_space<hbm>> -> memref<10000x128xf32, #tpu.memory_space<hbm>>
      %dma_wait3A_433 = arith.constant 0 : i32
      %dma_wait3A_434 = arith.constant 0 : i32
      %dma_wait3A_435 = tpu.memref_slice %dma_wait3A_432[%dma_wait3A_433, %dma_wait3A_434] : memref<10000x128xf32, #tpu.memory_space<hbm>> -> memref<10000x128xf32, #tpu.memory_space<hbm>>
      tpu.wait_indirect_dma semaphore(%arg7 : memref<!tpu.dma_semaphore, #tpu.memory_space<semaphore_mem>>) src(%dma_wait3A_435 : memref<10000x128xf32, #tpu.memory_space<hbm>>) dst(%dma_wait3A_428 : memref<80x128xf32, #tpu.memory_space<vmem>>)
      %dma_wait3A_436 = arith.constant 2 : i32
      %dma_wait3A_437 = arith.constant 0 : i32
      %dma_wait3A_438 = arith.constant 0 : i32
      %dma_wait3A_439 = tpu.memref_slice %arg6[%rem3A_319, %dma_wait3A_436, %dma_wait3A_437, %dma_wait3A_438] : memref<2x5x80x128xf32, #tpu.memory_space<vmem>> -> memref<1x1x80x128xf32, #tpu.memory_space<vmem>>
      %dma_wait3A_440 = tpu.memref_squeeze %dma_wait3A_439 : memref<1x1x80x128xf32, #tpu.memory_space<vmem>> -> memref<80x128xf32, #tpu.memory_space<vmem>>
      %dma_wait3A_441 = tpu.memref_slice %arg5[%mul3A_363] : memref<5000xi32, #tpu.memory_space<vmem>> -> memref<80xi32, #tpu.memory_space<vmem>>
      %dma_wait3A_442 = arith.constant 10000 : i32
      %dma_wait3A_443 = arith.constant 0 : i32
      %dma_wait3A_444 = tpu.memref_slice %arg3[%dma_wait3A_442, %dma_wait3A_443] : memref<20000x128xf32, #tpu.memory_space<hbm>> -> memref<10000x128xf32, #tpu.memory_space<hbm>>
      %dma_wait3A_445 = arith.constant 0 : i32
      %dma_wait3A_446 = arith.constant 0 : i32
      %dma_wait3A_447 = tpu.memref_slice %dma_wait3A_444[%dma_wait3A_445, %dma_wait3A_446] : memref<10000x128xf32, #tpu.memory_space<hbm>> -> memref<10000x128xf32, #tpu.memory_space<hbm>>
      tpu.wait_indirect_dma semaphore(%arg7 : memref<!tpu.dma_semaphore, #tpu.memory_space<semaphore_mem>>) src(%dma_wait3A_447 : memref<10000x128xf32, #tpu.memory_space<hbm>>) dst(%dma_wait3A_440 : memref<80x128xf32, #tpu.memory_space<vmem>>)
      %dma_wait3A_448 = arith.constant 3 : i32
      %dma_wait3A_449 = arith.constant 0 : i32
      %dma_wait3A_450 = arith.constant 0 : i32
      %dma_wait3A_451 = tpu.memref_slice %arg6[%rem3A_319, %dma_wait3A_448, %dma_wait3A_449, %dma_wait3A_450] : memref<2x5x80x128xf32, #tpu.memory_space<vmem>> -> memref<1x1x80x128xf32, #tpu.memory_space<vmem>>
      %dma_wait3A_452 = tpu.memref_squeeze %dma_wait3A_451 : memref<1x1x80x128xf32, #tpu.memory_space<vmem>> -> memref<80x128xf32, #tpu.memory_space<vmem>>
      %dma_wait3A_453 = tpu.memref_slice %arg5[%mul3A_381] : memref<5000xi32, #tpu.memory_space<vmem>> -> memref<80xi32, #tpu.memory_space<vmem>>
      %dma_wait3A_454 = arith.constant 10000 : i32
      %dma_wait3A_455 = arith.constant 0 : i32
      %dma_wait3A_456 = tpu.memref_slice %arg3[%dma_wait3A_454, %dma_wait3A_455] : memref<20000x128xf32, #tpu.memory_space<hbm>> -> memref<10000x128xf32, #tpu.memory_space<hbm>>
      %dma_wait3A_457 = arith.constant 0 : i32
      %dma_wait3A_458 = arith.constant 0 : i32
      %dma_wait3A_459 = tpu.memref_slice %dma_wait3A_456[%dma_wait3A_457, %dma_wait3A_458] : memref<10000x128xf32, #tpu.memory_space<hbm>> -> memref<10000x128xf32, #tpu.memory_space<hbm>>
      tpu.wait_indirect_dma semaphore(%arg7 : memref<!tpu.dma_semaphore, #tpu.memory_space<semaphore_mem>>) src(%dma_wait3A_459 : memref<10000x128xf32, #tpu.memory_space<hbm>>) dst(%dma_wait3A_452 : memref<80x128xf32, #tpu.memory_space<vmem>>)
      %dma_wait3A_460 = arith.constant 4 : i32
      %dma_wait3A_461 = arith.constant 0 : i32
      %dma_wait3A_462 = arith.constant 0 : i32
      %dma_wait3A_463 = tpu.memref_slice %arg6[%rem3A_319, %dma_wait3A_460, %dma_wait3A_461, %dma_wait3A_462] : memref<2x5x80x128xf32, #tpu.memory_space<vmem>> -> memref<1x1x80x128xf32, #tpu.memory_space<vmem>>
      %dma_wait3A_464 = tpu.memref_squeeze %dma_wait3A_463 : memref<1x1x80x128xf32, #tpu.memory_space<vmem>> -> memref<80x128xf32, #tpu.memory_space<vmem>>
      %dma_wait3A_465 = tpu.memref_slice %arg5[%mul3A_399] : memref<5000xi32, #tpu.memory_space<vmem>> -> memref<80xi32, #tpu.memory_space<vmem>>
      %dma_wait3A_466 = arith.constant 10000 : i32
      %dma_wait3A_467 = arith.constant 0 : i32
      %dma_wait3A_468 = tpu.memref_slice %arg3[%dma_wait3A_466, %dma_wait3A_467] : memref<20000x128xf32, #tpu.memory_space<hbm>> -> memref<10000x128xf32, #tpu.memory_space<hbm>>
      %dma_wait3A_469 = arith.constant 0 : i32
      %dma_wait3A_470 = arith.constant 0 : i32
      %dma_wait3A_471 = tpu.memref_slice %dma_wait3A_468[%dma_wait3A_469, %dma_wait3A_470] : memref<10000x128xf32, #tpu.memory_space<hbm>> -> memref<10000x128xf32, #tpu.memory_space<hbm>>
      tpu.wait_indirect_dma semaphore(%arg7 : memref<!tpu.dma_semaphore, #tpu.memory_space<semaphore_mem>>) src(%dma_wait3A_471 : memref<10000x128xf32, #tpu.memory_space<hbm>>) dst(%dma_wait3A_464 : memref<80x128xf32, #tpu.memory_space<vmem>>)
      %mul3A_472 = arith.constant 5 : i32
      %mul3A_473 = arith.muli %scan3A_317, %mul3A_472 : i32
      %add3A_474 = arith.constant 0 : i32
      %add3A_475 = arith.addi %mul3A_473, %add3A_474 : i32
      %mul3A_476 = arith.constant 80 : i32
      %mul3A_477 = arith.muli %add3A_475, %mul3A_476 : i32
      %add3A_478 = arith.addi %mul3A_2, %mul3A_477 : i32
      %dma_start3A_479 = arith.constant 0 : i32
      %dma_start3A_480 = arith.constant 0 : i32
      %dma_start3A_481 = arith.constant 0 : i32
      %dma_start3A_482 = tpu.memref_slice %arg6[%rem3A_319, %dma_start3A_479, %dma_start3A_480, %dma_start3A_481] : memref<2x5x80x128xf32, #tpu.memory_space<vmem>> -> memref<1x1x80x128xf32, #tpu.memory_space<vmem>>
      %dma_start3A_483 = tpu.memref_squeeze %dma_start3A_482 : memref<1x1x80x128xf32, #tpu.memory_space<vmem>> -> memref<80x128xf32, #tpu.memory_space<vmem>>
      %dma_start3A_484 = arith.constant 0 : i32
      %dma_start3A_485 = tpu.memref_slice %arg4[%add3A_478, %dma_start3A_484] : memref<160000x128xf32, #tpu.memory_space<hbm>> -> memref<80x128xf32, #tpu.memory_space<hbm>>
      %dma_start3A_486 = arith.constant 0 : i32
      %dma_start3A_487 = tpu.memref_slice %arg4[%add3A_478, %dma_start3A_486] : memref<160000x128xf32, #tpu.memory_space<hbm>> -> memref<80x128xf32, #tpu.memory_space<hbm>>
      %dma_start3A_488 = arith.constant 0 : i32
      %dma_start3A_489 = arith.constant 0 : i32
      %dma_start3A_490 = tpu.memref_slice %arg6[%rem3A_319, %dma_start3A_479, %dma_start3A_488, %dma_start3A_489] : memref<2x5x80x128xf32, #tpu.memory_space<vmem>> -> memref<1x1x80x128xf32, #tpu.memory_space<vmem>>
      %dma_start3A_491 = tpu.memref_squeeze %dma_start3A_490 : memref<1x1x80x128xf32, #tpu.memory_space<vmem>> -> memref<80x128xf32, #tpu.memory_space<vmem>>
      tpu.enqueue_dma source(%dma_start3A_491 : memref<80x128xf32, #tpu.memory_space<vmem>>) target(%dma_start3A_487 : memref<80x128xf32, #tpu.memory_space<hbm>>) target_semaphore(%arg8 : memref<!tpu.dma_semaphore, #tpu.memory_space<semaphore_mem>>)
      %mul3A_492 = arith.constant 5 : i32
      %mul3A_493 = arith.muli %scan3A_317, %mul3A_492 : i32
      %add3A_494 = arith.constant 1 : i32
      %add3A_495 = arith.addi %mul3A_493, %add3A_494 : i32
      %mul3A_496 = arith.constant 80 : i32
      %mul3A_497 = arith.muli %add3A_495, %mul3A_496 : i32
      %add3A_498 = arith.addi %mul3A_2, %mul3A_497 : i32
      %dma_start3A_499 = arith.constant 1 : i32
      %dma_start3A_500 = arith.constant 0 : i32
      %dma_start3A_501 = arith.constant 0 : i32
      %dma_start3A_502 = tpu.memref_slice %arg6[%rem3A_319, %dma_start3A_499, %dma_start3A_500, %dma_start3A_501] : memref<2x5x80x128xf32, #tpu.memory_space<vmem>> -> memref<1x1x80x128xf32, #tpu.memory_space<vmem>>
      %dma_start3A_503 = tpu.memref_squeeze %dma_start3A_502 : memref<1x1x80x128xf32, #tpu.memory_space<vmem>> -> memref<80x128xf32, #tpu.memory_space<vmem>>
      %dma_start3A_504 = arith.constant 0 : i32
      %dma_start3A_505 = tpu.memref_slice %arg4[%add3A_498, %dma_start3A_504] : memref<160000x128xf32, #tpu.memory_space<hbm>> -> memref<80x128xf32, #tpu.memory_space<hbm>>
      %dma_start3A_506 = arith.constant 0 : i32
      %dma_start3A_507 = tpu.memref_slice %arg4[%add3A_498, %dma_start3A_506] : memref<160000x128xf32, #tpu.memory_space<hbm>> -> memref<80x128xf32, #tpu.memory_space<hbm>>
      %dma_start3A_508 = arith.constant 0 : i32
      %dma_start3A_509 = arith.constant 0 : i32
      %dma_start3A_510 = tpu.memref_slice %arg6[%rem3A_319, %dma_start3A_499, %dma_start3A_508, %dma_start3A_509] : memref<2x5x80x128xf32, #tpu.memory_space<vmem>> -> memref<1x1x80x128xf32, #tpu.memory_space<vmem>>
      %dma_start3A_511 = tpu.memref_squeeze %dma_start3A_510 : memref<1x1x80x128xf32, #tpu.memory_space<vmem>> -> memref<80x128xf32, #tpu.memory_space<vmem>>
      tpu.enqueue_dma source(%dma_start3A_511 : memref<80x128xf32, #tpu.memory_space<vmem>>) target(%dma_start3A_507 : memref<80x128xf32, #tpu.memory_space<hbm>>) target_semaphore(%arg8 : memref<!tpu.dma_semaphore, #tpu.memory_space<semaphore_mem>>)
      %mul3A_512 = arith.constant 5 : i32
      %mul3A_513 = arith.muli %scan3A_317, %mul3A_512 : i32
      %add3A_514 = arith.constant 2 : i32
      %add3A_515 = arith.addi %mul3A_513, %add3A_514 : i32
      %mul3A_516 = arith.constant 80 : i32
      %mul3A_517 = arith.muli %add3A_515, %mul3A_516 : i32
      %add3A_518 = arith.addi %mul3A_2, %mul3A_517 : i32
      %dma_start3A_519 = arith.constant 2 : i32
      %dma_start3A_520 = arith.constant 0 : i32
      %dma_start3A_521 = arith.constant 0 : i32
      %dma_start3A_522 = tpu.memref_slice %arg6[%rem3A_319, %dma_start3A_519, %dma_start3A_520, %dma_start3A_521] : memref<2x5x80x128xf32, #tpu.memory_space<vmem>> -> memref<1x1x80x128xf32, #tpu.memory_space<vmem>>
      %dma_start3A_523 = tpu.memref_squeeze %dma_start3A_522 : memref<1x1x80x128xf32, #tpu.memory_space<vmem>> -> memref<80x128xf32, #tpu.memory_space<vmem>>
      %dma_start3A_524 = arith.constant 0 : i32
      %dma_start3A_525 = tpu.memref_slice %arg4[%add3A_518, %dma_start3A_524] : memref<160000x128xf32, #tpu.memory_space<hbm>> -> memref<80x128xf32, #tpu.memory_space<hbm>>
      %dma_start3A_526 = arith.constant 0 : i32
      %dma_start3A_527 = tpu.memref_slice %arg4[%add3A_518, %dma_start3A_526] : memref<160000x128xf32, #tpu.memory_space<hbm>> -> memref<80x128xf32, #tpu.memory_space<hbm>>
      %dma_start3A_528 = arith.constant 0 : i32
      %dma_start3A_529 = arith.constant 0 : i32
      %dma_start3A_530 = tpu.memref_slice %arg6[%rem3A_319, %dma_start3A_519, %dma_start3A_528, %dma_start3A_529] : memref<2x5x80x128xf32, #tpu.memory_space<vmem>> -> memref<1x1x80x128xf32, #tpu.memory_space<vmem>>
      %dma_start3A_531 = tpu.memref_squeeze %dma_start3A_530 : memref<1x1x80x128xf32, #tpu.memory_space<vmem>> -> memref<80x128xf32, #tpu.memory_space<vmem>>
      tpu.enqueue_dma source(%dma_start3A_531 : memref<80x128xf32, #tpu.memory_space<vmem>>) target(%dma_start3A_527 : memref<80x128xf32, #tpu.memory_space<hbm>>) target_semaphore(%arg8 : memref<!tpu.dma_semaphore, #tpu.memory_space<semaphore_mem>>)
      %mul3A_532 = arith.constant 5 : i32
      %mul3A_533 = arith.muli %scan3A_317, %mul3A_532 : i32
      %add3A_534 = arith.constant 3 : i32
      %add3A_535 = arith.addi %mul3A_533, %add3A_534 : i32
      %mul3A_536 = arith.constant 80 : i32
      %mul3A_537 = arith.muli %add3A_535, %mul3A_536 : i32
      %add3A_538 = arith.addi %mul3A_2, %mul3A_537 : i32
      %dma_start3A_539 = arith.constant 3 : i32
      %dma_start3A_540 = arith.constant 0 : i32
      %dma_start3A_541 = arith.constant 0 : i32
      %dma_start3A_542 = tpu.memref_slice %arg6[%rem3A_319, %dma_start3A_539, %dma_start3A_540, %dma_start3A_541] : memref<2x5x80x128xf32, #tpu.memory_space<vmem>> -> memref<1x1x80x128xf32, #tpu.memory_space<vmem>>
      %dma_start3A_543 = tpu.memref_squeeze %dma_start3A_542 : memref<1x1x80x128xf32, #tpu.memory_space<vmem>> -> memref<80x128xf32, #tpu.memory_space<vmem>>
      %dma_start3A_544 = arith.constant 0 : i32
      %dma_start3A_545 = tpu.memref_slice %arg4[%add3A_538, %dma_start3A_544] : memref<160000x128xf32, #tpu.memory_space<hbm>> -> memref<80x128xf32, #tpu.memory_space<hbm>>
      %dma_start3A_546 = arith.constant 0 : i32
      %dma_start3A_547 = tpu.memref_slice %arg4[%add3A_538, %dma_start3A_546] : memref<160000x128xf32, #tpu.memory_space<hbm>> -> memref<80x128xf32, #tpu.memory_space<hbm>>
      %dma_start3A_548 = arith.constant 0 : i32
      %dma_start3A_549 = arith.constant 0 : i32
      %dma_start3A_550 = tpu.memref_slice %arg6[%rem3A_319, %dma_start3A_539, %dma_start3A_548, %dma_start3A_549] : memref<2x5x80x128xf32, #tpu.memory_space<vmem>> -> memref<1x1x80x128xf32, #tpu.memory_space<vmem>>
      %dma_start3A_551 = tpu.memref_squeeze %dma_start3A_550 : memref<1x1x80x128xf32, #tpu.memory_space<vmem>> -> memref<80x128xf32, #tpu.memory_space<vmem>>
      tpu.enqueue_dma source(%dma_start3A_551 : memref<80x128xf32, #tpu.memory_space<vmem>>) target(%dma_start3A_547 : memref<80x128xf32, #tpu.memory_space<hbm>>) target_semaphore(%arg8 : memref<!tpu.dma_semaphore, #tpu.memory_space<semaphore_mem>>)
      %mul3A_552 = arith.constant 5 : i32
      %mul3A_553 = arith.muli %scan3A_317, %mul3A_552 : i32
      %add3A_554 = arith.constant 4 : i32
      %add3A_555 = arith.addi %mul3A_553, %add3A_554 : i32
      %mul3A_556 = arith.constant 80 : i32
      %mul3A_557 = arith.muli %add3A_555, %mul3A_556 : i32
      %add3A_558 = arith.addi %mul3A_2, %mul3A_557 : i32
      %dma_start3A_559 = arith.constant 4 : i32
      %dma_start3A_560 = arith.constant 0 : i32
      %dma_start3A_561 = arith.constant 0 : i32
      %dma_start3A_562 = tpu.memref_slice %arg6[%rem3A_319, %dma_start3A_559, %dma_start3A_560, %dma_start3A_561] : memref<2x5x80x128xf32, #tpu.memory_space<vmem>> -> memref<1x1x80x128xf32, #tpu.memory_space<vmem>>
      %dma_start3A_563 = tpu.memref_squeeze %dma_start3A_562 : memref<1x1x80x128xf32, #tpu.memory_space<vmem>> -> memref<80x128xf32, #tpu.memory_space<vmem>>
      %dma_start3A_564 = arith.constant 0 : i32
      %dma_start3A_565 = tpu.memref_slice %arg4[%add3A_558, %dma_start3A_564] : memref<160000x128xf32, #tpu.memory_space<hbm>> -> memref<80x128xf32, #tpu.memory_space<hbm>>
      %dma_start3A_566 = arith.constant 0 : i32
      %dma_start3A_567 = tpu.memref_slice %arg4[%add3A_558, %dma_start3A_566] : memref<160000x128xf32, #tpu.memory_space<hbm>> -> memref<80x128xf32, #tpu.memory_space<hbm>>
      %dma_start3A_568 = arith.constant 0 : i32
      %dma_start3A_569 = arith.constant 0 : i32
      %dma_start3A_570 = tpu.memref_slice %arg6[%rem3A_319, %dma_start3A_559, %dma_start3A_568, %dma_start3A_569] : memref<2x5x80x128xf32, #tpu.memory_space<vmem>> -> memref<1x1x80x128xf32, #tpu.memory_space<vmem>>
      %dma_start3A_571 = tpu.memref_squeeze %dma_start3A_570 : memref<1x1x80x128xf32, #tpu.memory_space<vmem>> -> memref<80x128xf32, #tpu.memory_space<vmem>>
      tpu.enqueue_dma source(%dma_start3A_571 : memref<80x128xf32, #tpu.memory_space<vmem>>) target(%dma_start3A_567 : memref<80x128xf32, #tpu.memory_space<hbm>>) target_semaphore(%arg8 : memref<!tpu.dma_semaphore, #tpu.memory_space<semaphore_mem>>)
    }
    %scan3A_7 = arith.constant 12 : i32
    %rem3A = arith.constant 12 : i32
    %rem3A_8 = arith.constant 2 : i32
    %rem3A_9 = arith.remsi %rem3A, %rem3A_8 : i32
    %dma_wait3A = arith.constant 0 : i32
    %dma_wait3A_10 = arith.constant 0 : i32
    %dma_wait3A_11 = arith.constant 0 : i32
    %dma_wait3A_12 = tpu.memref_slice %arg6[%rem3A_9, %dma_wait3A, %dma_wait3A_10, %dma_wait3A_11] : memref<2x5x80x128xf32, #tpu.memory_space<vmem>> -> memref<1x1x80x128xf32, #tpu.memory_space<vmem>>
    %dma_wait3A_13 = tpu.memref_squeeze %dma_wait3A_12 : memref<1x1x80x128xf32, #tpu.memory_space<vmem>> -> memref<80x128xf32, #tpu.memory_space<vmem>>
    %dma_wait3A_14 = arith.constant 0 : i32
    %dma_wait3A_15 = tpu.memref_slice %arg4[%mul3A_2, %dma_wait3A_14] : memref<160000x128xf32, #tpu.memory_space<hbm>> -> memref<80x128xf32, #tpu.memory_space<hbm>>
    %dma_wait3A_16 = arith.constant 0 : i32
    %dma_wait3A_17 = tpu.memref_slice %arg4[%mul3A_2, %dma_wait3A_16] : memref<160000x128xf32, #tpu.memory_space<hbm>> -> memref<80x128xf32, #tpu.memory_space<hbm>>
    %dma_wait3A_18 = arith.constant 0 : i32
    %dma_wait3A_19 = arith.constant 0 : i32
    %dma_wait3A_20 = tpu.memref_slice %arg6[%rem3A_9, %dma_wait3A, %dma_wait3A_18, %dma_wait3A_19] : memref<2x5x80x128xf32, #tpu.memory_space<vmem>> -> memref<1x1x80x128xf32, #tpu.memory_space<vmem>>
    %dma_wait3A_21 = tpu.memref_squeeze %dma_wait3A_20 : memref<1x1x80x128xf32, #tpu.memory_space<vmem>> -> memref<80x128xf32, #tpu.memory_space<vmem>>
    tpu.wait_dma2 semaphore(%arg8 : memref<!tpu.dma_semaphore, #tpu.memory_space<semaphore_mem>>) src(%dma_wait3A_21 : memref<80x128xf32, #tpu.memory_space<vmem>>) dst(%dma_wait3A_17 : memref<80x128xf32, #tpu.memory_space<hbm>>)
    %dma_wait3A_22 = arith.constant 1 : i32
    %dma_wait3A_23 = arith.constant 0 : i32
    %dma_wait3A_24 = arith.constant 0 : i32
    %dma_wait3A_25 = tpu.memref_slice %arg6[%rem3A_9, %dma_wait3A_22, %dma_wait3A_23, %dma_wait3A_24] : memref<2x5x80x128xf32, #tpu.memory_space<vmem>> -> memref<1x1x80x128xf32, #tpu.memory_space<vmem>>
    %dma_wait3A_26 = tpu.memref_squeeze %dma_wait3A_25 : memref<1x1x80x128xf32, #tpu.memory_space<vmem>> -> memref<80x128xf32, #tpu.memory_space<vmem>>
    %dma_wait3A_27 = arith.constant 0 : i32
    %dma_wait3A_28 = tpu.memref_slice %arg4[%mul3A_2, %dma_wait3A_27] : memref<160000x128xf32, #tpu.memory_space<hbm>> -> memref<80x128xf32, #tpu.memory_space<hbm>>
    %dma_wait3A_29 = arith.constant 0 : i32
    %dma_wait3A_30 = tpu.memref_slice %arg4[%mul3A_2, %dma_wait3A_29] : memref<160000x128xf32, #tpu.memory_space<hbm>> -> memref<80x128xf32, #tpu.memory_space<hbm>>
    %dma_wait3A_31 = arith.constant 0 : i32
    %dma_wait3A_32 = arith.constant 0 : i32
    %dma_wait3A_33 = tpu.memref_slice %arg6[%rem3A_9, %dma_wait3A_22, %dma_wait3A_31, %dma_wait3A_32] : memref<2x5x80x128xf32, #tpu.memory_space<vmem>> -> memref<1x1x80x128xf32, #tpu.memory_space<vmem>>
    %dma_wait3A_34 = tpu.memref_squeeze %dma_wait3A_33 : memref<1x1x80x128xf32, #tpu.memory_space<vmem>> -> memref<80x128xf32, #tpu.memory_space<vmem>>
    tpu.wait_dma2 semaphore(%arg8 : memref<!tpu.dma_semaphore, #tpu.memory_space<semaphore_mem>>) src(%dma_wait3A_34 : memref<80x128xf32, #tpu.memory_space<vmem>>) dst(%dma_wait3A_30 : memref<80x128xf32, #tpu.memory_space<hbm>>)
    %dma_wait3A_35 = arith.constant 2 : i32
    %dma_wait3A_36 = arith.constant 0 : i32
    %dma_wait3A_37 = arith.constant 0 : i32
    %dma_wait3A_38 = tpu.memref_slice %arg6[%rem3A_9, %dma_wait3A_35, %dma_wait3A_36, %dma_wait3A_37] : memref<2x5x80x128xf32, #tpu.memory_space<vmem>> -> memref<1x1x80x128xf32, #tpu.memory_space<vmem>>
    %dma_wait3A_39 = tpu.memref_squeeze %dma_wait3A_38 : memref<1x1x80x128xf32, #tpu.memory_space<vmem>> -> memref<80x128xf32, #tpu.memory_space<vmem>>
    %dma_wait3A_40 = arith.constant 0 : i32
    %dma_wait3A_41 = tpu.memref_slice %arg4[%mul3A_2, %dma_wait3A_40] : memref<160000x128xf32, #tpu.memory_space<hbm>> -> memref<80x128xf32, #tpu.memory_space<hbm>>
    %dma_wait3A_42 = arith.constant 0 : i32
    %dma_wait3A_43 = tpu.memref_slice %arg4[%mul3A_2, %dma_wait3A_42] : memref<160000x128xf32, #tpu.memory_space<hbm>> -> memref<80x128xf32, #tpu.memory_space<hbm>>
    %dma_wait3A_44 = arith.constant 0 : i32
    %dma_wait3A_45 = arith.constant 0 : i32
    %dma_wait3A_46 = tpu.memref_slice %arg6[%rem3A_9, %dma_wait3A_35, %dma_wait3A_44, %dma_wait3A_45] : memref<2x5x80x128xf32, #tpu.memory_space<vmem>> -> memref<1x1x80x128xf32, #tpu.memory_space<vmem>>
    %dma_wait3A_47 = tpu.memref_squeeze %dma_wait3A_46 : memref<1x1x80x128xf32, #tpu.memory_space<vmem>> -> memref<80x128xf32, #tpu.memory_space<vmem>>
    tpu.wait_dma2 semaphore(%arg8 : memref<!tpu.dma_semaphore, #tpu.memory_space<semaphore_mem>>) src(%dma_wait3A_47 : memref<80x128xf32, #tpu.memory_space<vmem>>) dst(%dma_wait3A_43 : memref<80x128xf32, #tpu.memory_space<hbm>>)
    %dma_wait3A_48 = arith.constant 3 : i32
    %dma_wait3A_49 = arith.constant 0 : i32
    %dma_wait3A_50 = arith.constant 0 : i32
    %dma_wait3A_51 = tpu.memref_slice %arg6[%rem3A_9, %dma_wait3A_48, %dma_wait3A_49, %dma_wait3A_50] : memref<2x5x80x128xf32, #tpu.memory_space<vmem>> -> memref<1x1x80x128xf32, #tpu.memory_space<vmem>>
    %dma_wait3A_52 = tpu.memref_squeeze %dma_wait3A_51 : memref<1x1x80x128xf32, #tpu.memory_space<vmem>> -> memref<80x128xf32, #tpu.memory_space<vmem>>
    %dma_wait3A_53 = arith.constant 0 : i32
    %dma_wait3A_54 = tpu.memref_slice %arg4[%mul3A_2, %dma_wait3A_53] : memref<160000x128xf32, #tpu.memory_space<hbm>> -> memref<80x128xf32, #tpu.memory_space<hbm>>
    %dma_wait3A_55 = arith.constant 0 : i32
    %dma_wait3A_56 = tpu.memref_slice %arg4[%mul3A_2, %dma_wait3A_55] : memref<160000x128xf32, #tpu.memory_space<hbm>> -> memref<80x128xf32, #tpu.memory_space<hbm>>
    %dma_wait3A_57 = arith.constant 0 : i32
    %dma_wait3A_58 = arith.constant 0 : i32
    %dma_wait3A_59 = tpu.memref_slice %arg6[%rem3A_9, %dma_wait3A_48, %dma_wait3A_57, %dma_wait3A_58] : memref<2x5x80x128xf32, #tpu.memory_space<vmem>> -> memref<1x1x80x128xf32, #tpu.memory_space<vmem>>
    %dma_wait3A_60 = tpu.memref_squeeze %dma_wait3A_59 : memref<1x1x80x128xf32, #tpu.memory_space<vmem>> -> memref<80x128xf32, #tpu.memory_space<vmem>>
    tpu.wait_dma2 semaphore(%arg8 : memref<!tpu.dma_semaphore, #tpu.memory_space<semaphore_mem>>) src(%dma_wait3A_60 : memref<80x128xf32, #tpu.memory_space<vmem>>) dst(%dma_wait3A_56 : memref<80x128xf32, #tpu.memory_space<hbm>>)
    %dma_wait3A_61 = arith.constant 4 : i32
    %dma_wait3A_62 = arith.constant 0 : i32
    %dma_wait3A_63 = arith.constant 0 : i32
    %dma_wait3A_64 = tpu.memref_slice %arg6[%rem3A_9, %dma_wait3A_61, %dma_wait3A_62, %dma_wait3A_63] : memref<2x5x80x128xf32, #tpu.memory_space<vmem>> -> memref<1x1x80x128xf32, #tpu.memory_space<vmem>>
    %dma_wait3A_65 = tpu.memref_squeeze %dma_wait3A_64 : memref<1x1x80x128xf32, #tpu.memory_space<vmem>> -> memref<80x128xf32, #tpu.memory_space<vmem>>
    %dma_wait3A_66 = arith.constant 0 : i32
    %dma_wait3A_67 = tpu.memref_slice %arg4[%mul3A_2, %dma_wait3A_66] : memref<160000x128xf32, #tpu.memory_space<hbm>> -> memref<80x128xf32, #tpu.memory_space<hbm>>
    %dma_wait3A_68 = arith.constant 0 : i32
    %dma_wait3A_69 = tpu.memref_slice %arg4[%mul3A_2, %dma_wait3A_68] : memref<160000x128xf32, #tpu.memory_space<hbm>> -> memref<80x128xf32, #tpu.memory_space<hbm>>
    %dma_wait3A_70 = arith.constant 0 : i32
    %dma_wait3A_71 = arith.constant 0 : i32
    %dma_wait3A_72 = tpu.memref_slice %arg6[%rem3A_9, %dma_wait3A_61, %dma_wait3A_70, %dma_wait3A_71] : memref<2x5x80x128xf32, #tpu.memory_space<vmem>> -> memref<1x1x80x128xf32, #tpu.memory_space<vmem>>
    %dma_wait3A_73 = tpu.memref_squeeze %dma_wait3A_72 : memref<1x1x80x128xf32, #tpu.memory_space<vmem>> -> memref<80x128xf32, #tpu.memory_space<vmem>>
    tpu.wait_dma2 semaphore(%arg8 : memref<!tpu.dma_semaphore, #tpu.memory_space<semaphore_mem>>) src(%dma_wait3A_73 : memref<80x128xf32, #tpu.memory_space<vmem>>) dst(%dma_wait3A_69 : memref<80x128xf32, #tpu.memory_space<hbm>>)
    %add3A_74 = arith.constant 12 : i32
    %add3A_75 = arith.constant 1 : i32
    %add3A_76 = arith.addi %add3A_74, %add3A_75 : i32
    %rem3A_77 = arith.constant 2 : i32
    %rem3A_78 = arith.remsi %add3A_76, %rem3A_77 : i32
    %dma_wait3A_79 = arith.constant 0 : i32
    %dma_wait3A_80 = arith.constant 0 : i32
    %dma_wait3A_81 = arith.constant 0 : i32
    %dma_wait3A_82 = tpu.memref_slice %arg6[%rem3A_78, %dma_wait3A_79, %dma_wait3A_80, %dma_wait3A_81] : memref<2x5x80x128xf32, #tpu.memory_space<vmem>> -> memref<1x1x80x128xf32, #tpu.memory_space<vmem>>
    %dma_wait3A_83 = tpu.memref_squeeze %dma_wait3A_82 : memref<1x1x80x128xf32, #tpu.memory_space<vmem>> -> memref<80x128xf32, #tpu.memory_space<vmem>>
    %dma_wait3A_84 = arith.constant 0 : i32
    %dma_wait3A_85 = tpu.memref_slice %arg4[%mul3A_2, %dma_wait3A_84] : memref<160000x128xf32, #tpu.memory_space<hbm>> -> memref<80x128xf32, #tpu.memory_space<hbm>>
    %dma_wait3A_86 = arith.constant 0 : i32
    %dma_wait3A_87 = tpu.memref_slice %arg4[%mul3A_2, %dma_wait3A_86] : memref<160000x128xf32, #tpu.memory_space<hbm>> -> memref<80x128xf32, #tpu.memory_space<hbm>>
    %dma_wait3A_88 = arith.constant 0 : i32
    %dma_wait3A_89 = arith.constant 0 : i32
    %dma_wait3A_90 = tpu.memref_slice %arg6[%rem3A_78, %dma_wait3A_79, %dma_wait3A_88, %dma_wait3A_89] : memref<2x5x80x128xf32, #tpu.memory_space<vmem>> -> memref<1x1x80x128xf32, #tpu.memory_space<vmem>>
    %dma_wait3A_91 = tpu.memref_squeeze %dma_wait3A_90 : memref<1x1x80x128xf32, #tpu.memory_space<vmem>> -> memref<80x128xf32, #tpu.memory_space<vmem>>
    tpu.wait_dma2 semaphore(%arg8 : memref<!tpu.dma_semaphore, #tpu.memory_space<semaphore_mem>>) src(%dma_wait3A_91 : memref<80x128xf32, #tpu.memory_space<vmem>>) dst(%dma_wait3A_87 : memref<80x128xf32, #tpu.memory_space<hbm>>)
    %dma_wait3A_92 = arith.constant 1 : i32
    %dma_wait3A_93 = arith.constant 0 : i32
    %dma_wait3A_94 = arith.constant 0 : i32
    %dma_wait3A_95 = tpu.memref_slice %arg6[%rem3A_78, %dma_wait3A_92, %dma_wait3A_93, %dma_wait3A_94] : memref<2x5x80x128xf32, #tpu.memory_space<vmem>> -> memref<1x1x80x128xf32, #tpu.memory_space<vmem>>
    %dma_wait3A_96 = tpu.memref_squeeze %dma_wait3A_95 : memref<1x1x80x128xf32, #tpu.memory_space<vmem>> -> memref<80x128xf32, #tpu.memory_space<vmem>>
    %dma_wait3A_97 = arith.constant 0 : i32
    %dma_wait3A_98 = tpu.memref_slice %arg4[%mul3A_2, %dma_wait3A_97] : memref<160000x128xf32, #tpu.memory_space<hbm>> -> memref<80x128xf32, #tpu.memory_space<hbm>>
    %dma_wait3A_99 = arith.constant 0 : i32
    %dma_wait3A_100 = tpu.memref_slice %arg4[%mul3A_2, %dma_wait3A_99] : memref<160000x128xf32, #tpu.memory_space<hbm>> -> memref<80x128xf32, #tpu.memory_space<hbm>>
    %dma_wait3A_101 = arith.constant 0 : i32
    %dma_wait3A_102 = arith.constant 0 : i32
    %dma_wait3A_103 = tpu.memref_slice %arg6[%rem3A_78, %dma_wait3A_92, %dma_wait3A_101, %dma_wait3A_102] : memref<2x5x80x128xf32, #tpu.memory_space<vmem>> -> memref<1x1x80x128xf32, #tpu.memory_space<vmem>>
    %dma_wait3A_104 = tpu.memref_squeeze %dma_wait3A_103 : memref<1x1x80x128xf32, #tpu.memory_space<vmem>> -> memref<80x128xf32, #tpu.memory_space<vmem>>
    tpu.wait_dma2 semaphore(%arg8 : memref<!tpu.dma_semaphore, #tpu.memory_space<semaphore_mem>>) src(%dma_wait3A_104 : memref<80x128xf32, #tpu.memory_space<vmem>>) dst(%dma_wait3A_100 : memref<80x128xf32, #tpu.memory_space<hbm>>)
    %dma_wait3A_105 = arith.constant 2 : i32
    %dma_wait3A_106 = arith.constant 0 : i32
    %dma_wait3A_107 = arith.constant 0 : i32
    %dma_wait3A_108 = tpu.memref_slice %arg6[%rem3A_78, %dma_wait3A_105, %dma_wait3A_106, %dma_wait3A_107] : memref<2x5x80x128xf32, #tpu.memory_space<vmem>> -> memref<1x1x80x128xf32, #tpu.memory_space<vmem>>
    %dma_wait3A_109 = tpu.memref_squeeze %dma_wait3A_108 : memref<1x1x80x128xf32, #tpu.memory_space<vmem>> -> memref<80x128xf32, #tpu.memory_space<vmem>>
    %dma_wait3A_110 = arith.constant 0 : i32
    %dma_wait3A_111 = tpu.memref_slice %arg4[%mul3A_2, %dma_wait3A_110] : memref<160000x128xf32, #tpu.memory_space<hbm>> -> memref<80x128xf32, #tpu.memory_space<hbm>>
    %dma_wait3A_112 = arith.constant 0 : i32
    %dma_wait3A_113 = tpu.memref_slice %arg4[%mul3A_2, %dma_wait3A_112] : memref<160000x128xf32, #tpu.memory_space<hbm>> -> memref<80x128xf32, #tpu.memory_space<hbm>>
    %dma_wait3A_114 = arith.constant 0 : i32
    %dma_wait3A_115 = arith.constant 0 : i32
    %dma_wait3A_116 = tpu.memref_slice %arg6[%rem3A_78, %dma_wait3A_105, %dma_wait3A_114, %dma_wait3A_115] : memref<2x5x80x128xf32, #tpu.memory_space<vmem>> -> memref<1x1x80x128xf32, #tpu.memory_space<vmem>>
    %dma_wait3A_117 = tpu.memref_squeeze %dma_wait3A_116 : memref<1x1x80x128xf32, #tpu.memory_space<vmem>> -> memref<80x128xf32, #tpu.memory_space<vmem>>
    tpu.wait_dma2 semaphore(%arg8 : memref<!tpu.dma_semaphore, #tpu.memory_space<semaphore_mem>>) src(%dma_wait3A_117 : memref<80x128xf32, #tpu.memory_space<vmem>>) dst(%dma_wait3A_113 : memref<80x128xf32, #tpu.memory_space<hbm>>)
    %dma_wait3A_118 = arith.constant 3 : i32
    %dma_wait3A_119 = arith.constant 0 : i32
    %dma_wait3A_120 = arith.constant 0 : i32
    %dma_wait3A_121 = tpu.memref_slice %arg6[%rem3A_78, %dma_wait3A_118, %dma_wait3A_119, %dma_wait3A_120] : memref<2x5x80x128xf32, #tpu.memory_space<vmem>> -> memref<1x1x80x128xf32, #tpu.memory_space<vmem>>
    %dma_wait3A_122 = tpu.memref_squeeze %dma_wait3A_121 : memref<1x1x80x128xf32, #tpu.memory_space<vmem>> -> memref<80x128xf32, #tpu.memory_space<vmem>>
    %dma_wait3A_123 = arith.constant 0 : i32
    %dma_wait3A_124 = tpu.memref_slice %arg4[%mul3A_2, %dma_wait3A_123] : memref<160000x128xf32, #tpu.memory_space<hbm>> -> memref<80x128xf32, #tpu.memory_space<hbm>>
    %dma_wait3A_125 = arith.constant 0 : i32
    %dma_wait3A_126 = tpu.memref_slice %arg4[%mul3A_2, %dma_wait3A_125] : memref<160000x128xf32, #tpu.memory_space<hbm>> -> memref<80x128xf32, #tpu.memory_space<hbm>>
    %dma_wait3A_127 = arith.constant 0 : i32
    %dma_wait3A_128 = arith.constant 0 : i32
    %dma_wait3A_129 = tpu.memref_slice %arg6[%rem3A_78, %dma_wait3A_118, %dma_wait3A_127, %dma_wait3A_128] : memref<2x5x80x128xf32, #tpu.memory_space<vmem>> -> memref<1x1x80x128xf32, #tpu.memory_space<vmem>>
    %dma_wait3A_130 = tpu.memref_squeeze %dma_wait3A_129 : memref<1x1x80x128xf32, #tpu.memory_space<vmem>> -> memref<80x128xf32, #tpu.memory_space<vmem>>
    tpu.wait_dma2 semaphore(%arg8 : memref<!tpu.dma_semaphore, #tpu.memory_space<semaphore_mem>>) src(%dma_wait3A_130 : memref<80x128xf32, #tpu.memory_space<vmem>>) dst(%dma_wait3A_126 : memref<80x128xf32, #tpu.memory_space<hbm>>)
    %dma_wait3A_131 = arith.constant 4 : i32
    %dma_wait3A_132 = arith.constant 0 : i32
    %dma_wait3A_133 = arith.constant 0 : i32
    %dma_wait3A_134 = tpu.memref_slice %arg6[%rem3A_78, %dma_wait3A_131, %dma_wait3A_132, %dma_wait3A_133] : memref<2x5x80x128xf32, #tpu.memory_space<vmem>> -> memref<1x1x80x128xf32, #tpu.memory_space<vmem>>
    %dma_wait3A_135 = tpu.memref_squeeze %dma_wait3A_134 : memref<1x1x80x128xf32, #tpu.memory_space<vmem>> -> memref<80x128xf32, #tpu.memory_space<vmem>>
    %dma_wait3A_136 = arith.constant 0 : i32
    %dma_wait3A_137 = tpu.memref_slice %arg4[%mul3A_2, %dma_wait3A_136] : memref<160000x128xf32, #tpu.memory_space<hbm>> -> memref<80x128xf32, #tpu.memory_space<hbm>>
    %dma_wait3A_138 = arith.constant 0 : i32
    %dma_wait3A_139 = tpu.memref_slice %arg4[%mul3A_2, %dma_wait3A_138] : memref<160000x128xf32, #tpu.memory_space<hbm>> -> memref<80x128xf32, #tpu.memory_space<hbm>>
    %dma_wait3A_140 = arith.constant 0 : i32
    %dma_wait3A_141 = arith.constant 0 : i32
    %dma_wait3A_142 = tpu.memref_slice %arg6[%rem3A_78, %dma_wait3A_131, %dma_wait3A_140, %dma_wait3A_141] : memref<2x5x80x128xf32, #tpu.memory_space<vmem>> -> memref<1x1x80x128xf32, #tpu.memory_space<vmem>>
    %dma_wait3A_143 = tpu.memref_squeeze %dma_wait3A_142 : memref<1x1x80x128xf32, #tpu.memory_space<vmem>> -> memref<80x128xf32, #tpu.memory_space<vmem>>
    tpu.wait_dma2 semaphore(%arg8 : memref<!tpu.dma_semaphore, #tpu.memory_space<semaphore_mem>>) src(%dma_wait3A_143 : memref<80x128xf32, #tpu.memory_space<vmem>>) dst(%dma_wait3A_139 : memref<80x128xf32, #tpu.memory_space<hbm>>)
    %dma_start3A = arith.constant 0 : i32
    %dma_start3A_144 = arith.constant 0 : i32
    %dma_start3A_145 = arith.constant 0 : i32
    %dma_start3A_146 = arith.constant 0 : i32
    %dma_start3A_147 = tpu.memref_slice %arg6[%dma_start3A, %dma_start3A_144, %dma_start3A_145, %dma_start3A_146] : memref<2x5x80x128xf32, #tpu.memory_space<vmem>> -> memref<1x1x80x128xf32, #tpu.memory_space<vmem>>
    %dma_start3A_148 = tpu.memref_squeeze %dma_start3A_147 : memref<1x1x80x128xf32, #tpu.memory_space<vmem>> -> memref<80x128xf32, #tpu.memory_space<vmem>>
    %dma_start3A_149 = arith.constant 4800 : i32
    %dma_start3A_150 = tpu.memref_slice %arg5[%dma_start3A_149] : memref<5000xi32, #tpu.memory_space<vmem>> -> memref<80xi32, #tpu.memory_space<vmem>>
    %dma_start3A_151 = arith.constant 10000 : i32
    %dma_start3A_152 = arith.constant 0 : i32
    %dma_start3A_153 = tpu.memref_slice %arg3[%dma_start3A_151, %dma_start3A_152] : memref<20000x128xf32, #tpu.memory_space<hbm>> -> memref<10000x128xf32, #tpu.memory_space<hbm>>
    %dma_start3A_154 = arith.constant 0 : i32
    %dma_start3A_155 = arith.constant 0 : i32
    %dma_start3A_156 = tpu.memref_slice %dma_start3A_153[%dma_start3A_154, %dma_start3A_155] : memref<10000x128xf32, #tpu.memory_space<hbm>> -> memref<10000x128xf32, #tpu.memory_space<hbm>>
    tpu.enqueue_indirect_dma source(%dma_start3A_156 : memref<10000x128xf32, #tpu.memory_space<hbm>>) target(%dma_start3A_148 : memref<80x128xf32, #tpu.memory_space<vmem>>) offsets(%dma_start3A_150 : memref<80xi32, #tpu.memory_space<vmem>>) semaphore(%arg7 : memref<!tpu.dma_semaphore, #tpu.memory_space<semaphore_mem>>)
    %dma_start3A_157 = arith.constant 0 : i32
    %dma_start3A_158 = arith.constant 1 : i32
    %dma_start3A_159 = arith.constant 0 : i32
    %dma_start3A_160 = arith.constant 0 : i32
    %dma_start3A_161 = tpu.memref_slice %arg6[%dma_start3A_157, %dma_start3A_158, %dma_start3A_159, %dma_start3A_160] : memref<2x5x80x128xf32, #tpu.memory_space<vmem>> -> memref<1x1x80x128xf32, #tpu.memory_space<vmem>>
    %dma_start3A_162 = tpu.memref_squeeze %dma_start3A_161 : memref<1x1x80x128xf32, #tpu.memory_space<vmem>> -> memref<80x128xf32, #tpu.memory_space<vmem>>
    %dma_start3A_163 = arith.constant 4880 : i32
    %dma_start3A_164 = tpu.memref_slice %arg5[%dma_start3A_163] : memref<5000xi32, #tpu.memory_space<vmem>> -> memref<80xi32, #tpu.memory_space<vmem>>
    %dma_start3A_165 = arith.constant 10000 : i32
    %dma_start3A_166 = arith.constant 0 : i32
    %dma_start3A_167 = tpu.memref_slice %arg3[%dma_start3A_165, %dma_start3A_166] : memref<20000x128xf32, #tpu.memory_space<hbm>> -> memref<10000x128xf32, #tpu.memory_space<hbm>>
    %dma_start3A_168 = arith.constant 0 : i32
    %dma_start3A_169 = arith.constant 0 : i32
    %dma_start3A_170 = tpu.memref_slice %dma_start3A_167[%dma_start3A_168, %dma_start3A_169] : memref<10000x128xf32, #tpu.memory_space<hbm>> -> memref<10000x128xf32, #tpu.memory_space<hbm>>
    tpu.enqueue_indirect_dma source(%dma_start3A_170 : memref<10000x128xf32, #tpu.memory_space<hbm>>) target(%dma_start3A_162 : memref<80x128xf32, #tpu.memory_space<vmem>>) offsets(%dma_start3A_164 : memref<80xi32, #tpu.memory_space<vmem>>) semaphore(%arg7 : memref<!tpu.dma_semaphore, #tpu.memory_space<semaphore_mem>>)
    %dma_start3A_171 = arith.constant 0 : i32
    %dma_start3A_172 = arith.constant 2 : i32
    %dma_start3A_173 = arith.constant 0 : i32
    %dma_start3A_174 = arith.constant 0 : i32
    %dma_start3A_175 = tpu.memref_slice %arg6[%dma_start3A_171, %dma_start3A_172, %dma_start3A_173, %dma_start3A_174] : memref<2x5x80x128xf32, #tpu.memory_space<vmem>> -> memref<1x1x40x128xf32, #tpu.memory_space<vmem>>
    %dma_start3A_176 = tpu.memref_squeeze %dma_start3A_175 : memref<1x1x40x128xf32, #tpu.memory_space<vmem>> -> memref<40x128xf32, #tpu.memory_space<vmem>>
    %dma_start3A_177 = arith.constant 4960 : i32
    %dma_start3A_178 = tpu.memref_slice %arg5[%dma_start3A_177] : memref<5000xi32, #tpu.memory_space<vmem>> -> memref<40xi32, #tpu.memory_space<vmem>>
    %dma_start3A_179 = arith.constant 10000 : i32
    %dma_start3A_180 = arith.constant 0 : i32
    %dma_start3A_181 = tpu.memref_slice %arg3[%dma_start3A_179, %dma_start3A_180] : memref<20000x128xf32, #tpu.memory_space<hbm>> -> memref<10000x128xf32, #tpu.memory_space<hbm>>
    %dma_start3A_182 = arith.constant 0 : i32
    %dma_start3A_183 = arith.constant 0 : i32
    %dma_start3A_184 = tpu.memref_slice %dma_start3A_181[%dma_start3A_182, %dma_start3A_183] : memref<10000x128xf32, #tpu.memory_space<hbm>> -> memref<10000x128xf32, #tpu.memory_space<hbm>>
    tpu.enqueue_indirect_dma source(%dma_start3A_184 : memref<10000x128xf32, #tpu.memory_space<hbm>>) target(%dma_start3A_176 : memref<40x128xf32, #tpu.memory_space<vmem>>) offsets(%dma_start3A_178 : memref<40xi32, #tpu.memory_space<vmem>>) semaphore(%arg7 : memref<!tpu.dma_semaphore, #tpu.memory_space<semaphore_mem>>)
    %dma_wait3A_185 = arith.constant 0 : i32
    %dma_wait3A_186 = arith.constant 0 : i32
    %dma_wait3A_187 = arith.constant 0 : i32
    %dma_wait3A_188 = arith.constant 0 : i32
    %dma_wait3A_189 = tpu.memref_slice %arg6[%dma_wait3A_185, %dma_wait3A_186, %dma_wait3A_187, %dma_wait3A_188] : memref<2x5x80x128xf32, #tpu.memory_space<vmem>> -> memref<1x1x80x128xf32, #tpu.memory_space<vmem>>
    %dma_wait3A_190 = tpu.memref_squeeze %dma_wait3A_189 : memref<1x1x80x128xf32, #tpu.memory_space<vmem>> -> memref<80x128xf32, #tpu.memory_space<vmem>>
    %dma_wait3A_191 = arith.constant 4800 : i32
    %dma_wait3A_192 = tpu.memref_slice %arg5[%dma_wait3A_191] : memref<5000xi32, #tpu.memory_space<vmem>> -> memref<80xi32, #tpu.memory_space<vmem>>
    %dma_wait3A_193 = arith.constant 10000 : i32
    %dma_wait3A_194 = arith.constant 0 : i32
    %dma_wait3A_195 = tpu.memref_slice %arg3[%dma_wait3A_193, %dma_wait3A_194] : memref<20000x128xf32, #tpu.memory_space<hbm>> -> memref<10000x128xf32, #tpu.memory_space<hbm>>
    %dma_wait3A_196 = arith.constant 0 : i32
    %dma_wait3A_197 = arith.constant 0 : i32
    %dma_wait3A_198 = tpu.memref_slice %dma_wait3A_195[%dma_wait3A_196, %dma_wait3A_197] : memref<10000x128xf32, #tpu.memory_space<hbm>> -> memref<10000x128xf32, #tpu.memory_space<hbm>>
    tpu.wait_indirect_dma semaphore(%arg7 : memref<!tpu.dma_semaphore, #tpu.memory_space<semaphore_mem>>) src(%dma_wait3A_198 : memref<10000x128xf32, #tpu.memory_space<hbm>>) dst(%dma_wait3A_190 : memref<80x128xf32, #tpu.memory_space<vmem>>)
    %dma_wait3A_199 = arith.constant 0 : i32
    %dma_wait3A_200 = arith.constant 1 : i32
    %dma_wait3A_201 = arith.constant 0 : i32
    %dma_wait3A_202 = arith.constant 0 : i32
    %dma_wait3A_203 = tpu.memref_slice %arg6[%dma_wait3A_199, %dma_wait3A_200, %dma_wait3A_201, %dma_wait3A_202] : memref<2x5x80x128xf32, #tpu.memory_space<vmem>> -> memref<1x1x80x128xf32, #tpu.memory_space<vmem>>
    %dma_wait3A_204 = tpu.memref_squeeze %dma_wait3A_203 : memref<1x1x80x128xf32, #tpu.memory_space<vmem>> -> memref<80x128xf32, #tpu.memory_space<vmem>>
    %dma_wait3A_205 = arith.constant 4880 : i32
    %dma_wait3A_206 = tpu.memref_slice %arg5[%dma_wait3A_205] : memref<5000xi32, #tpu.memory_space<vmem>> -> memref<80xi32, #tpu.memory_space<vmem>>
    %dma_wait3A_207 = arith.constant 10000 : i32
    %dma_wait3A_208 = arith.constant 0 : i32
    %dma_wait3A_209 = tpu.memref_slice %arg3[%dma_wait3A_207, %dma_wait3A_208] : memref<20000x128xf32, #tpu.memory_space<hbm>> -> memref<10000x128xf32, #tpu.memory_space<hbm>>
    %dma_wait3A_210 = arith.constant 0 : i32
    %dma_wait3A_211 = arith.constant 0 : i32
    %dma_wait3A_212 = tpu.memref_slice %dma_wait3A_209[%dma_wait3A_210, %dma_wait3A_211] : memref<10000x128xf32, #tpu.memory_space<hbm>> -> memref<10000x128xf32, #tpu.memory_space<hbm>>
    tpu.wait_indirect_dma semaphore(%arg7 : memref<!tpu.dma_semaphore, #tpu.memory_space<semaphore_mem>>) src(%dma_wait3A_212 : memref<10000x128xf32, #tpu.memory_space<hbm>>) dst(%dma_wait3A_204 : memref<80x128xf32, #tpu.memory_space<vmem>>)
    %dma_wait3A_213 = arith.constant 0 : i32
    %dma_wait3A_214 = arith.constant 2 : i32
    %dma_wait3A_215 = arith.constant 0 : i32
    %dma_wait3A_216 = arith.constant 0 : i32
    %dma_wait3A_217 = tpu.memref_slice %arg6[%dma_wait3A_213, %dma_wait3A_214, %dma_wait3A_215, %dma_wait3A_216] : memref<2x5x80x128xf32, #tpu.memory_space<vmem>> -> memref<1x1x40x128xf32, #tpu.memory_space<vmem>>
    %dma_wait3A_218 = tpu.memref_squeeze %dma_wait3A_217 : memref<1x1x40x128xf32, #tpu.memory_space<vmem>> -> memref<40x128xf32, #tpu.memory_space<vmem>>
    %dma_wait3A_219 = arith.constant 4960 : i32
    %dma_wait3A_220 = tpu.memref_slice %arg5[%dma_wait3A_219] : memref<5000xi32, #tpu.memory_space<vmem>> -> memref<40xi32, #tpu.memory_space<vmem>>
    %dma_wait3A_221 = arith.constant 10000 : i32
    %dma_wait3A_222 = arith.constant 0 : i32
    %dma_wait3A_223 = tpu.memref_slice %arg3[%dma_wait3A_221, %dma_wait3A_222] : memref<20000x128xf32, #tpu.memory_space<hbm>> -> memref<10000x128xf32, #tpu.memory_space<hbm>>
    %dma_wait3A_224 = arith.constant 0 : i32
    %dma_wait3A_225 = arith.constant 0 : i32
    %dma_wait3A_226 = tpu.memref_slice %dma_wait3A_223[%dma_wait3A_224, %dma_wait3A_225] : memref<10000x128xf32, #tpu.memory_space<hbm>> -> memref<10000x128xf32, #tpu.memory_space<hbm>>
    tpu.wait_indirect_dma semaphore(%arg7 : memref<!tpu.dma_semaphore, #tpu.memory_space<semaphore_mem>>) src(%dma_wait3A_226 : memref<10000x128xf32, #tpu.memory_space<hbm>>) dst(%dma_wait3A_218 : memref<40x128xf32, #tpu.memory_space<vmem>>)
    %add3A_227 = arith.constant 4800 : i32
    %add3A_228 = arith.addi %mul3A_2, %add3A_227 : i32
    %dma_start3A_229 = arith.constant 0 : i32
    %dma_start3A_230 = arith.constant 0 : i32
    %dma_start3A_231 = arith.constant 0 : i32
    %dma_start3A_232 = arith.constant 0 : i32
    %dma_start3A_233 = tpu.memref_slice %arg6[%dma_start3A_229, %dma_start3A_230, %dma_start3A_231, %dma_start3A_232] : memref<2x5x80x128xf32, #tpu.memory_space<vmem>> -> memref<1x1x80x128xf32, #tpu.memory_space<vmem>>
    %dma_start3A_234 = tpu.memref_squeeze %dma_start3A_233 : memref<1x1x80x128xf32, #tpu.memory_space<vmem>> -> memref<80x128xf32, #tpu.memory_space<vmem>>
    %dma_start3A_235 = arith.constant 0 : i32
    %dma_start3A_236 = tpu.memref_slice %arg4[%add3A_228, %dma_start3A_235] : memref<160000x128xf32, #tpu.memory_space<hbm>> -> memref<80x128xf32, #tpu.memory_space<hbm>>
    %dma_start3A_237 = arith.constant 0 : i32
    %dma_start3A_238 = tpu.memref_slice %arg4[%add3A_228, %dma_start3A_237] : memref<160000x128xf32, #tpu.memory_space<hbm>> -> memref<80x128xf32, #tpu.memory_space<hbm>>
    %dma_start3A_239 = arith.constant 0 : i32
    %dma_start3A_240 = arith.constant 0 : i32
    %dma_start3A_241 = tpu.memref_slice %arg6[%dma_start3A_229, %dma_start3A_230, %dma_start3A_239, %dma_start3A_240] : memref<2x5x80x128xf32, #tpu.memory_space<vmem>> -> memref<1x1x80x128xf32, #tpu.memory_space<vmem>>
    %dma_start3A_242 = tpu.memref_squeeze %dma_start3A_241 : memref<1x1x80x128xf32, #tpu.memory_space<vmem>> -> memref<80x128xf32, #tpu.memory_space<vmem>>
    tpu.enqueue_dma source(%dma_start3A_242 : memref<80x128xf32, #tpu.memory_space<vmem>>) target(%dma_start3A_238 : memref<80x128xf32, #tpu.memory_space<hbm>>) target_semaphore(%arg8 : memref<!tpu.dma_semaphore, #tpu.memory_space<semaphore_mem>>)
    %add3A_243 = arith.constant 4880 : i32
    %add3A_244 = arith.addi %mul3A_2, %add3A_243 : i32
    %dma_start3A_245 = arith.constant 0 : i32
    %dma_start3A_246 = arith.constant 1 : i32
    %dma_start3A_247 = arith.constant 0 : i32
    %dma_start3A_248 = arith.constant 0 : i32
    %dma_start3A_249 = tpu.memref_slice %arg6[%dma_start3A_245, %dma_start3A_246, %dma_start3A_247, %dma_start3A_248] : memref<2x5x80x128xf32, #tpu.memory_space<vmem>> -> memref<1x1x80x128xf32, #tpu.memory_space<vmem>>
    %dma_start3A_250 = tpu.memref_squeeze %dma_start3A_249 : memref<1x1x80x128xf32, #tpu.memory_space<vmem>> -> memref<80x128xf32, #tpu.memory_space<vmem>>
    %dma_start3A_251 = arith.constant 0 : i32
    %dma_start3A_252 = tpu.memref_slice %arg4[%add3A_244, %dma_start3A_251] : memref<160000x128xf32, #tpu.memory_space<hbm>> -> memref<80x128xf32, #tpu.memory_space<hbm>>
    %dma_start3A_253 = arith.constant 0 : i32
    %dma_start3A_254 = tpu.memref_slice %arg4[%add3A_244, %dma_start3A_253] : memref<160000x128xf32, #tpu.memory_space<hbm>> -> memref<80x128xf32, #tpu.memory_space<hbm>>
    %dma_start3A_255 = arith.constant 0 : i32
    %dma_start3A_256 = arith.constant 0 : i32
    %dma_start3A_257 = tpu.memref_slice %arg6[%dma_start3A_245, %dma_start3A_246, %dma_start3A_255, %dma_start3A_256] : memref<2x5x80x128xf32, #tpu.memory_space<vmem>> -> memref<1x1x80x128xf32, #tpu.memory_space<vmem>>
    %dma_start3A_258 = tpu.memref_squeeze %dma_start3A_257 : memref<1x1x80x128xf32, #tpu.memory_space<vmem>> -> memref<80x128xf32, #tpu.memory_space<vmem>>
    tpu.enqueue_dma source(%dma_start3A_258 : memref<80x128xf32, #tpu.memory_space<vmem>>) target(%dma_start3A_254 : memref<80x128xf32, #tpu.memory_space<hbm>>) target_semaphore(%arg8 : memref<!tpu.dma_semaphore, #tpu.memory_space<semaphore_mem>>)
    %add3A_259 = arith.constant 4960 : i32
    %add3A_260 = arith.addi %mul3A_2, %add3A_259 : i32
    %dma_start3A_261 = arith.constant 0 : i32
    %dma_start3A_262 = arith.constant 2 : i32
    %dma_start3A_263 = arith.constant 0 : i32
    %dma_start3A_264 = arith.constant 0 : i32
    %dma_start3A_265 = tpu.memref_slice %arg6[%dma_start3A_261, %dma_start3A_262, %dma_start3A_263, %dma_start3A_264] : memref<2x5x80x128xf32, #tpu.memory_space<vmem>> -> memref<1x1x40x128xf32, #tpu.memory_space<vmem>>
    %dma_start3A_266 = tpu.memref_squeeze %dma_start3A_265 : memref<1x1x40x128xf32, #tpu.memory_space<vmem>> -> memref<40x128xf32, #tpu.memory_space<vmem>>
    %dma_start3A_267 = arith.constant 0 : i32
    %dma_start3A_268 = tpu.memref_slice %arg4[%add3A_260, %dma_start3A_267] : memref<160000x128xf32, #tpu.memory_space<hbm>> -> memref<40x128xf32, #tpu.memory_space<hbm>>
    %dma_start3A_269 = arith.constant 0 : i32
    %dma_start3A_270 = tpu.memref_slice %arg4[%add3A_260, %dma_start3A_269] : memref<160000x128xf32, #tpu.memory_space<hbm>> -> memref<40x128xf32, #tpu.memory_space<hbm>>
    %dma_start3A_271 = arith.constant 0 : i32
    %dma_start3A_272 = arith.constant 0 : i32
    %dma_start3A_273 = tpu.memref_slice %arg6[%dma_start3A_261, %dma_start3A_262, %dma_start3A_271, %dma_start3A_272] : memref<2x5x80x128xf32, #tpu.memory_space<vmem>> -> memref<1x1x40x128xf32, #tpu.memory_space<vmem>>
    %dma_start3A_274 = tpu.memref_squeeze %dma_start3A_273 : memref<1x1x40x128xf32, #tpu.memory_space<vmem>> -> memref<40x128xf32, #tpu.memory_space<vmem>>
    tpu.enqueue_dma source(%dma_start3A_274 : memref<40x128xf32, #tpu.memory_space<vmem>>) target(%dma_start3A_270 : memref<40x128xf32, #tpu.memory_space<hbm>>) target_semaphore(%arg8 : memref<!tpu.dma_semaphore, #tpu.memory_space<semaphore_mem>>)
    %dma_wait3A_275 = arith.constant 0 : i32
    %dma_wait3A_276 = arith.constant 0 : i32
    %dma_wait3A_277 = arith.constant 0 : i32
    %dma_wait3A_278 = arith.constant 0 : i32
    %dma_wait3A_279 = tpu.memref_slice %arg6[%dma_wait3A_275, %dma_wait3A_276, %dma_wait3A_277, %dma_wait3A_278] : memref<2x5x80x128xf32, #tpu.memory_space<vmem>> -> memref<1x1x80x128xf32, #tpu.memory_space<vmem>>
    %dma_wait3A_280 = tpu.memref_squeeze %dma_wait3A_279 : memref<1x1x80x128xf32, #tpu.memory_space<vmem>> -> memref<80x128xf32, #tpu.memory_space<vmem>>
    %dma_wait3A_281 = arith.constant 0 : i32
    %dma_wait3A_282 = tpu.memref_slice %arg4[%add3A_228, %dma_wait3A_281] : memref<160000x128xf32, #tpu.memory_space<hbm>> -> memref<80x128xf32, #tpu.memory_space<hbm>>
    %dma_wait3A_283 = arith.constant 0 : i32
    %dma_wait3A_284 = tpu.memref_slice %arg4[%add3A_228, %dma_wait3A_283] : memref<160000x128xf32, #tpu.memory_space<hbm>> -> memref<80x128xf32, #tpu.memory_space<hbm>>
    %dma_wait3A_285 = arith.constant 0 : i32
    %dma_wait3A_286 = arith.constant 0 : i32
    %dma_wait3A_287 = tpu.memref_slice %arg6[%dma_wait3A_275, %dma_wait3A_276, %dma_wait3A_285, %dma_wait3A_286] : memref<2x5x80x128xf32, #tpu.memory_space<vmem>> -> memref<1x1x80x128xf32, #tpu.memory_space<vmem>>
    %dma_wait3A_288 = tpu.memref_squeeze %dma_wait3A_287 : memref<1x1x80x128xf32, #tpu.memory_space<vmem>> -> memref<80x128xf32, #tpu.memory_space<vmem>>
    tpu.wait_dma2 semaphore(%arg8 : memref<!tpu.dma_semaphore, #tpu.memory_space<semaphore_mem>>) src(%dma_wait3A_288 : memref<80x128xf32, #tpu.memory_space<vmem>>) dst(%dma_wait3A_284 : memref<80x128xf32, #tpu.memory_space<hbm>>)
    %dma_wait3A_289 = arith.constant 0 : i32
    %dma_wait3A_290 = arith.constant 1 : i32
    %dma_wait3A_291 = arith.constant 0 : i32
    %dma_wait3A_292 = arith.constant 0 : i32
    %dma_wait3A_293 = tpu.memref_slice %arg6[%dma_wait3A_289, %dma_wait3A_290, %dma_wait3A_291, %dma_wait3A_292] : memref<2x5x80x128xf32, #tpu.memory_space<vmem>> -> memref<1x1x80x128xf32, #tpu.memory_space<vmem>>
    %dma_wait3A_294 = tpu.memref_squeeze %dma_wait3A_293 : memref<1x1x80x128xf32, #tpu.memory_space<vmem>> -> memref<80x128xf32, #tpu.memory_space<vmem>>
    %dma_wait3A_295 = arith.constant 0 : i32
    %dma_wait3A_296 = tpu.memref_slice %arg4[%add3A_244, %dma_wait3A_295] : memref<160000x128xf32, #tpu.memory_space<hbm>> -> memref<80x128xf32, #tpu.memory_space<hbm>>
    %dma_wait3A_297 = arith.constant 0 : i32
    %dma_wait3A_298 = tpu.memref_slice %arg4[%add3A_244, %dma_wait3A_297] : memref<160000x128xf32, #tpu.memory_space<hbm>> -> memref<80x128xf32, #tpu.memory_space<hbm>>
    %dma_wait3A_299 = arith.constant 0 : i32
    %dma_wait3A_300 = arith.constant 0 : i32
    %dma_wait3A_301 = tpu.memref_slice %arg6[%dma_wait3A_289, %dma_wait3A_290, %dma_wait3A_299, %dma_wait3A_300] : memref<2x5x80x128xf32, #tpu.memory_space<vmem>> -> memref<1x1x80x128xf32, #tpu.memory_space<vmem>>
    %dma_wait3A_302 = tpu.memref_squeeze %dma_wait3A_301 : memref<1x1x80x128xf32, #tpu.memory_space<vmem>> -> memref<80x128xf32, #tpu.memory_space<vmem>>
    tpu.wait_dma2 semaphore(%arg8 : memref<!tpu.dma_semaphore, #tpu.memory_space<semaphore_mem>>) src(%dma_wait3A_302 : memref<80x128xf32, #tpu.memory_space<vmem>>) dst(%dma_wait3A_298 : memref<80x128xf32, #tpu.memory_space<hbm>>)
    %dma_wait3A_303 = arith.constant 0 : i32
    %dma_wait3A_304 = arith.constant 2 : i32
    %dma_wait3A_305 = arith.constant 0 : i32
    %dma_wait3A_306 = arith.constant 0 : i32
    %dma_wait3A_307 = tpu.memref_slice %arg6[%dma_wait3A_303, %dma_wait3A_304, %dma_wait3A_305, %dma_wait3A_306] : memref<2x5x80x128xf32, #tpu.memory_space<vmem>> -> memref<1x1x40x128xf32, #tpu.memory_space<vmem>>
    %dma_wait3A_308 = tpu.memref_squeeze %dma_wait3A_307 : memref<1x1x40x128xf32, #tpu.memory_space<vmem>> -> memref<40x128xf32, #tpu.memory_space<vmem>>
    %dma_wait3A_309 = arith.constant 0 : i32
    %dma_wait3A_310 = tpu.memref_slice %arg4[%add3A_260, %dma_wait3A_309] : memref<160000x128xf32, #tpu.memory_space<hbm>> -> memref<40x128xf32, #tpu.memory_space<hbm>>
    %dma_wait3A_311 = arith.constant 0 : i32
    %dma_wait3A_312 = tpu.memref_slice %arg4[%add3A_260, %dma_wait3A_311] : memref<160000x128xf32, #tpu.memory_space<hbm>> -> memref<40x128xf32, #tpu.memory_space<hbm>>
    %dma_wait3A_313 = arith.constant 0 : i32
    %dma_wait3A_314 = arith.constant 0 : i32
    %dma_wait3A_315 = tpu.memref_slice %arg6[%dma_wait3A_303, %dma_wait3A_304, %dma_wait3A_313, %dma_wait3A_314] : memref<2x5x80x128xf32, #tpu.memory_space<vmem>> -> memref<1x1x40x128xf32, #tpu.memory_space<vmem>>
    %dma_wait3A_316 = tpu.memref_squeeze %dma_wait3A_315 : memref<1x1x40x128xf32, #tpu.memory_space<vmem>> -> memref<40x128xf32, #tpu.memory_space<vmem>>
    tpu.wait_dma2 semaphore(%arg8 : memref<!tpu.dma_semaphore, #tpu.memory_space<semaphore_mem>>) src(%dma_wait3A_316 : memref<40x128xf32, #tpu.memory_space<vmem>>) dst(%dma_wait3A_312 : memref<40x128xf32, #tpu.memory_space<hbm>>)
    return
  }
}

#map = affine_map<(d0, d1) -> (0)>
#map1 = affine_map<(d0, d1) -> (0, 0)>
module attributes {stable_mosaic.version = 14 : i64} {
  func.func @_gather(%arg0: i32, %arg1: i32, %arg2: memref<160000xi32, #tpu.memory_space<hbm>>, %arg3: memref<20000x128xf32, #tpu.memory_space<hbm>>, %arg4: memref<160000x128xf32, #tpu.memory_space<hbm>>, %arg5: memref<5000xi32, #tpu.memory_space<vmem>>, %arg6: memref<2x5x80x128xf32, #tpu.memory_space<vmem>>, %arg7: memref<!tpu.dma_semaphore, #tpu.memory_space<semaphore_mem>>, %arg8: memref<!tpu.dma_semaphore, #tpu.memory_space<semaphore_mem>>) attributes {dimension_semantics = [#tpu.dimension_semantics<core_parallel>, #tpu.dimension_semantics<subcore_parallel>], iteration_bounds = array<i64: 2, 16>, scalar_prefetch = 0 : i64, scratch_operands = 4 : i64, tpu.core_type = #tpu.core_type<sc_vector_subcore>, window_params = [{transform_indices = #map}, {transform_indices = #map1}, {transform_indices = #map1}]} {
    %mul3A = arith.constant 2 : i32
    %mul3A_0 = arith.muli %arg1, %mul3A : i32
    %add3A = arith.addi %mul3A_0, %arg0 : i32
    %mul3A_1 = arith.constant 5000 : i32
    %mul3A_2 = arith.muli %add3A, %mul3A_1 : i32
    "tpu.region"() ({
      %run_scoped3A = tpu.sem_alloc : memref<!tpu.dma_semaphore, #tpu.memory_space<semaphore_mem>>
      %dma_start3A_317 = tpu.memref_slice %arg2[%mul3A_2] : memref<160000xi32, #tpu.memory_space<hbm>> -> memref<5000xi32, #tpu.memory_space<hbm>>
      %dma_start3A_318 = tpu.memref_slice %arg2[%mul3A_2] : memref<160000xi32, #tpu.memory_space<hbm>> -> memref<5000xi32, #tpu.memory_space<hbm>>
      tpu.enqueue_dma source(%dma_start3A_318 : memref<5000xi32, #tpu.memory_space<hbm>>) target(%arg5 : memref<5000xi32, #tpu.memory_space<vmem>>) target_semaphore(%run_scoped3A : memref<!tpu.dma_semaphore, #tpu.memory_space<semaphore_mem>>)
      %dma_wait3A_319 = tpu.memref_slice %arg2[%mul3A_2] : memref<160000xi32, #tpu.memory_space<hbm>> -> memref<5000xi32, #tpu.memory_space<hbm>>
      %dma_wait3A_320 = tpu.memref_slice %arg2[%mul3A_2] : memref<160000xi32, #tpu.memory_space<hbm>> -> memref<5000xi32, #tpu.memory_space<hbm>>
      tpu.wait_dma2 semaphore(%run_scoped3A : memref<!tpu.dma_semaphore, #tpu.memory_space<semaphore_mem>>) src(%dma_wait3A_320 : memref<5000xi32, #tpu.memory_space<hbm>>) dst(%arg5 : memref<5000xi32, #tpu.memory_space<vmem>>)
      tpu.yield
    }) : () -> ()
    %scan3A = arith.constant 0 : i32
    %scan3A_3 = arith.constant 0 : i32
    %scan3A_4 = arith.constant 12 : i32
    %scan3A_5 = arith.addi %scan3A_3, %scan3A_4 : i32
    %scan3A_6 = arith.constant 1 : i32
    scf.for %scan3A_317 = %scan3A_3 to %scan3A_5 step %scan3A_6  : i32 {
      %rem3A_318 = arith.constant 2 : i32
      %rem3A_319 = arith.remsi %scan3A_317, %rem3A_318 : i32
      %ge3A = arith.constant 2 : i32
      %ge3A_320 = arith.cmpi sge, %scan3A_317, %ge3A : i32
      %convert_element_type3A = arith.extui %ge3A_320 : i1 to i32
      %cond3A = arith.constant 0 : i32
      %cond3A_321 = arith.cmpi ne, %convert_element_type3A, %cond3A : i32
      scf.if %cond3A_321 {
        %dma_wait3A_572 = arith.constant 0 : i32
        %dma_wait3A_573 = arith.constant 0 : i32
        %dma_wait3A_574 = arith.constant 0 : i32
        %dma_wait3A_575 = tpu.memref_slice %arg6[%rem3A_319, %dma_wait3A_572, %dma_wait3A_573, %dma_wait3A_574] : memref<2x5x80x128xf32, #tpu.memory_space<vmem>> -> memref<1x1x80x128xf32, #tpu.memory_space<vmem>>
        %dma_wait3A_576 = tpu.memref_squeeze %dma_wait3A_575 : memref<1x1x80x128xf32, #tpu.memory_space<vmem>> -> memref<80x128xf32, #tpu.memory_space<vmem>>
        %dma_wait3A_577 = arith.constant 0 : i32
        %dma_wait3A_578 = tpu.memref_slice %arg4[%mul3A_2, %dma_wait3A_577] : memref<160000x128xf32, #tpu.memory_space<hbm>> -> memref<80x128xf32, #tpu.memory_space<hbm>>
        %dma_wait3A_579 = arith.constant 0 : i32
        %dma_wait3A_580 = tpu.memref_slice %arg4[%mul3A_2, %dma_wait3A_579] : memref<160000x128xf32, #tpu.memory_space<hbm>> -> memref<80x128xf32, #tpu.memory_space<hbm>>
        %dma_wait3A_581 = arith.constant 0 : i32
        %dma_wait3A_582 = arith.constant 0 : i32
        %dma_wait3A_583 = tpu.memref_slice %arg6[%rem3A_319, %dma_wait3A_572, %dma_wait3A_581, %dma_wait3A_582] : memref<2x5x80x128xf32, #tpu.memory_space<vmem>> -> memref<1x1x80x128xf32, #tpu.memory_space<vmem>>
        %dma_wait3A_584 = tpu.memref_squeeze %dma_wait3A_583 : memref<1x1x80x128xf32, #tpu.memory_space<vmem>> -> memref<80x128xf32, #tpu.memory_space<vmem>>
        tpu.wait_dma2 semaphore(%arg8 : memref<!tpu.dma_semaphore, #tpu.memory_space<semaphore_mem>>) src(%dma_wait3A_584 : memref<80x128xf32, #tpu.memory_space<vmem>>) dst(%dma_wait3A_580 : memref<80x128xf32, #tpu.memory_space<hbm>>)
        %dma_wait3A_585 = arith.constant 1 : i32
        %dma_wait3A_586 = arith.constant 0 : i32
        %dma_wait3A_587 = arith.constant 0 : i32
        %dma_wait3A_588 = tpu.memref_slice %arg6[%rem3A_319, %dma_wait3A_585, %dma_wait3A_586, %dma_wait3A_587] : memref<2x5x80x128xf32, #tpu.memory_space<vmem>> -> memref<1x1x80x128xf32, #tpu.memory_space<vmem>>
        %dma_wait3A_589 = tpu.memref_squeeze %dma_wait3A_588 : memref<1x1x80x128xf32, #tpu.memory_space<vmem>> -> memref<80x128xf32, #tpu.memory_space<vmem>>
        %dma_wait3A_590 = arith.constant 0 : i32
        %dma_wait3A_591 = tpu.memref_slice %arg4[%mul3A_2, %dma_wait3A_590] : memref<160000x128xf32, #tpu.memory_space<hbm>> -> memref<80x128xf32, #tpu.memory_space<hbm>>
        %dma_wait3A_592 = arith.constant 0 : i32
        %dma_wait3A_593 = tpu.memref_slice %arg4[%mul3A_2, %dma_wait3A_592] : memref<160000x128xf32, #tpu.memory_space<hbm>> -> memref<80x128xf32, #tpu.memory_space<hbm>>
        %dma_wait3A_594 = arith.constant 0 : i32
        %dma_wait3A_595 = arith.constant 0 : i32
        %dma_wait3A_596 = tpu.memref_slice %arg6[%rem3A_319, %dma_wait3A_585, %dma_wait3A_594, %dma_wait3A_595] : memref<2x5x80x128xf32, #tpu.memory_space<vmem>> -> memref<1x1x80x128xf32, #tpu.memory_space<vmem>>
        %dma_wait3A_597 = tpu.memref_squeeze %dma_wait3A_596 : memref<1x1x80x128xf32, #tpu.memory_space<vmem>> -> memref<80x128xf32, #tpu.memory_space<vmem>>
        tpu.wait_dma2 semaphore(%arg8 : memref<!tpu.dma_semaphore, #tpu.memory_space<semaphore_mem>>) src(%dma_wait3A_597 : memref<80x128xf32, #tpu.memory_space<vmem>>) dst(%dma_wait3A_593 : memref<80x128xf32, #tpu.memory_space<hbm>>)
        %dma_wait3A_598 = arith.constant 2 : i32
        %dma_wait3A_599 = arith.constant 0 : i32
        %dma_wait3A_600 = arith.constant 0 : i32
        %dma_wait3A_601 = tpu.memref_slice %arg6[%rem3A_319, %dma_wait3A_598, %dma_wait3A_599, %dma_wait3A_600] : memref<2x5x80x128xf32, #tpu.memory_space<vmem>> -> memref<1x1x80x128xf32, #tpu.memory_space<vmem>>
        %dma_wait3A_602 = tpu.memref_squeeze %dma_wait3A_601 : memref<1x1x80x128xf32, #tpu.memory_space<vmem>> -> memref<80x128xf32, #tpu.memory_space<vmem>>
        %dma_wait3A_603 = arith.constant 0 : i32
        %dma_wait3A_604 = tpu.memref_slice %arg4[%mul3A_2, %dma_wait3A_603] : memref<160000x128xf32, #tpu.memory_space<hbm>> -> memref<80x128xf32, #tpu.memory_space<hbm>>
        %dma_wait3A_605 = arith.constant 0 : i32
        %dma_wait3A_606 = tpu.memref_slice %arg4[%mul3A_2, %dma_wait3A_605] : memref<160000x128xf32, #tpu.memory_space<hbm>> -> memref<80x128xf32, #tpu.memory_space<hbm>>
        %dma_wait3A_607 = arith.constant 0 : i32
        %dma_wait3A_608 = arith.constant 0 : i32
        %dma_wait3A_609 = tpu.memref_slice %arg6[%rem3A_319, %dma_wait3A_598, %dma_wait3A_607, %dma_wait3A_608] : memref<2x5x80x128xf32, #tpu.memory_space<vmem>> -> memref<1x1x80x128xf32, #tpu.memory_space<vmem>>
        %dma_wait3A_610 = tpu.memref_squeeze %dma_wait3A_609 : memref<1x1x80x128xf32, #tpu.memory_space<vmem>> -> memref<80x128xf32, #tpu.memory_space<vmem>>
        tpu.wait_dma2 semaphore(%arg8 : memref<!tpu.dma_semaphore, #tpu.memory_space<semaphore_mem>>) src(%dma_wait3A_610 : memref<80x128xf32, #tpu.memory_space<vmem>>) dst(%dma_wait3A_606 : memref<80x128xf32, #tpu.memory_space<hbm>>)
        %dma_wait3A_611 = arith.constant 3 : i32
        %dma_wait3A_612 = arith.constant 0 : i32
        %dma_wait3A_613 = arith.constant 0 : i32
        %dma_wait3A_614 = tpu.memref_slice %arg6[%rem3A_319, %dma_wait3A_611, %dma_wait3A_612, %dma_wait3A_613] : memref<2x5x80x128xf32, #tpu.memory_space<vmem>> -> memref<1x1x80x128xf32, #tpu.memory_space<vmem>>
        %dma_wait3A_615 = tpu.memref_squeeze %dma_wait3A_614 : memref<1x1x80x128xf32, #tpu.memory_space<vmem>> -> memref<80x128xf32, #tpu.memory_space<vmem>>
        %dma_wait3A_616 = arith.constant 0 : i32
        %dma_wait3A_617 = tpu.memref_slice %arg4[%mul3A_2, %dma_wait3A_616] : memref<160000x128xf32, #tpu.memory_space<hbm>> -> memref<80x128xf32, #tpu.memory_space<hbm>>
        %dma_wait3A_618 = arith.constant 0 : i32
        %dma_wait3A_619 = tpu.memref_slice %arg4[%mul3A_2, %dma_wait3A_618] : memref<160000x128xf32, #tpu.memory_space<hbm>> -> memref<80x128xf32, #tpu.memory_space<hbm>>
        %dma_wait3A_620 = arith.constant 0 : i32
        %dma_wait3A_621 = arith.constant 0 : i32
        %dma_wait3A_622 = tpu.memref_slice %arg6[%rem3A_319, %dma_wait3A_611, %dma_wait3A_620, %dma_wait3A_621] : memref<2x5x80x128xf32, #tpu.memory_space<vmem>> -> memref<1x1x80x128xf32, #tpu.memory_space<vmem>>
        %dma_wait3A_623 = tpu.memref_squeeze %dma_wait3A_622 : memref<1x1x80x128xf32, #tpu.memory_space<vmem>> -> memref<80x128xf32, #tpu.memory_space<vmem>>
        tpu.wait_dma2 semaphore(%arg8 : memref<!tpu.dma_semaphore, #tpu.memory_space<semaphore_mem>>) src(%dma_wait3A_623 : memref<80x128xf32, #tpu.memory_space<vmem>>) dst(%dma_wait3A_619 : memref<80x128xf32, #tpu.memory_space<hbm>>)
        %dma_wait3A_624 = arith.constant 4 : i32
        %dma_wait3A_625 = arith.constant 0 : i32
        %dma_wait3A_626 = arith.constant 0 : i32
        %dma_wait3A_627 = tpu.memref_slice %arg6[%rem3A_319, %dma_wait3A_624, %dma_wait3A_625, %dma_wait3A_626] : memref<2x5x80x128xf32, #tpu.memory_space<vmem>> -> memref<1x1x80x128xf32, #tpu.memory_space<vmem>>
        %dma_wait3A_628 = tpu.memref_squeeze %dma_wait3A_627 : memref<1x1x80x128xf32, #tpu.memory_space<vmem>> -> memref<80x128xf32, #tpu.memory_space<vmem>>
        %dma_wait3A_629 = arith.constant 0 : i32
        %dma_wait3A_630 = tpu.memref_slice %arg4[%mul3A_2, %dma_wait3A_629] : memref<160000x128xf32, #tpu.memory_space<hbm>> -> memref<80x128xf32, #tpu.memory_space<hbm>>
        %dma_wait3A_631 = arith.constant 0 : i32
        %dma_wait3A_632 = tpu.memref_slice %arg4[%mul3A_2, %dma_wait3A_631] : memref<160000x128xf32, #tpu.memory_space<hbm>> -> memref<80x128xf32, #tpu.memory_space<hbm>>
        %dma_wait3A_633 = arith.constant 0 : i32
        %dma_wait3A_634 = arith.constant 0 : i32
        %dma_wait3A_635 = tpu.memref_slice %arg6[%rem3A_319, %dma_wait3A_624, %dma_wait3A_633, %dma_wait3A_634] : memref<2x5x80x128xf32, #tpu.memory_space<vmem>> -> memref<1x1x80x128xf32, #tpu.memory_space<vmem>>
        %dma_wait3A_636 = tpu.memref_squeeze %dma_wait3A_635 : memref<1x1x80x128xf32, #tpu.memory_space<vmem>> -> memref<80x128xf32, #tpu.memory_space<vmem>>
        tpu.wait_dma2 semaphore(%arg8 : memref<!tpu.dma_semaphore, #tpu.memory_space<semaphore_mem>>) src(%dma_wait3A_636 : memref<80x128xf32, #tpu.memory_space<vmem>>) dst(%dma_wait3A_632 : memref<80x128xf32, #tpu.memory_space<hbm>>)
      } else {
      }
      %mul3A_322 = arith.constant 5 : i32
      %mul3A_323 = arith.muli %scan3A_317, %mul3A_322 : i32
      %add3A_324 = arith.constant 0 : i32
      %add3A_325 = arith.addi %mul3A_323, %add3A_324 : i32
      %mul3A_326 = arith.constant 80 : i32
      %mul3A_327 = arith.muli %add3A_325, %mul3A_326 : i32
      %dma_start3A_328 = arith.constant 0 : i32
      %dma_start3A_329 = arith.constant 0 : i32
      %dma_start3A_330 = arith.constant 0 : i32
      %dma_start3A_331 = tpu.memref_slice %arg6[%rem3A_319, %dma_start3A_328, %dma_start3A_329, %dma_start3A_330] : memref<2x5x80x128xf32, #tpu.memory_space<vmem>> -> memref<1x1x80x128xf32, #tpu.memory_space<vmem>>
      %dma_start3A_332 = tpu.memref_squeeze %dma_start3A_331 : memref<1x1x80x128xf32, #tpu.memory_space<vmem>> -> memref<80x128xf32, #tpu.memory_space<vmem>>
      %dma_start3A_333 = tpu.memref_slice %arg5[%mul3A_327] : memref<5000xi32, #tpu.memory_space<vmem>> -> memref<80xi32, #tpu.memory_space<vmem>>
      %dma_start3A_334 = arith.constant 0 : i32
      %dma_start3A_335 = arith.constant 0 : i32
      %dma_start3A_336 = tpu.memref_slice %arg3[%dma_start3A_334, %dma_start3A_335] : memref<20000x128xf32, #tpu.memory_space<hbm>> -> memref<10000x128xf32, #tpu.memory_space<hbm>>
      %dma_start3A_337 = arith.constant 0 : i32
      %dma_start3A_338 = arith.constant 0 : i32
      %dma_start3A_339 = tpu.memref_slice %dma_start3A_336[%dma_start3A_337, %dma_start3A_338] : memref<10000x128xf32, #tpu.memory_space<hbm>> -> memref<10000x128xf32, #tpu.memory_space<hbm>>
      tpu.enqueue_indirect_dma source(%dma_start3A_339 : memref<10000x128xf32, #tpu.memory_space<hbm>>) target(%dma_start3A_332 : memref<80x128xf32, #tpu.memory_space<vmem>>) offsets(%dma_start3A_333 : memref<80xi32, #tpu.memory_space<vmem>>) semaphore(%arg7 : memref<!tpu.dma_semaphore, #tpu.memory_space<semaphore_mem>>)
      %mul3A_340 = arith.constant 5 : i32
      %mul3A_341 = arith.muli %scan3A_317, %mul3A_340 : i32
      %add3A_342 = arith.constant 1 : i32
      %add3A_343 = arith.addi %mul3A_341, %add3A_342 : i32
      %mul3A_344 = arith.constant 80 : i32
      %mul3A_345 = arith.muli %add3A_343, %mul3A_344 : i32
      %dma_start3A_346 = arith.constant 1 : i32
      %dma_start3A_347 = arith.constant 0 : i32
      %dma_start3A_348 = arith.constant 0 : i32
      %dma_start3A_349 = tpu.memref_slice %arg6[%rem3A_319, %dma_start3A_346, %dma_start3A_347, %dma_start3A_348] : memref<2x5x80x128xf32, #tpu.memory_space<vmem>> -> memref<1x1x80x128xf32, #tpu.memory_space<vmem>>
      %dma_start3A_350 = tpu.memref_squeeze %dma_start3A_349 : memref<1x1x80x128xf32, #tpu.memory_space<vmem>> -> memref<80x128xf32, #tpu.memory_space<vmem>>
      %dma_start3A_351 = tpu.memref_slice %arg5[%mul3A_345] : memref<5000xi32, #tpu.memory_space<vmem>> -> memref<80xi32, #tpu.memory_space<vmem>>
      %dma_start3A_352 = arith.constant 0 : i32
      %dma_start3A_353 = arith.constant 0 : i32
      %dma_start3A_354 = tpu.memref_slice %arg3[%dma_start3A_352, %dma_start3A_353] : memref<20000x128xf32, #tpu.memory_space<hbm>> -> memref<10000x128xf32, #tpu.memory_space<hbm>>
      %dma_start3A_355 = arith.constant 0 : i32
      %dma_start3A_356 = arith.constant 0 : i32
      %dma_start3A_357 = tpu.memref_slice %dma_start3A_354[%dma_start3A_355, %dma_start3A_356] : memref<10000x128xf32, #tpu.memory_space<hbm>> -> memref<10000x128xf32, #tpu.memory_space<hbm>>
      tpu.enqueue_indirect_dma source(%dma_start3A_357 : memref<10000x128xf32, #tpu.memory_space<hbm>>) target(%dma_start3A_350 : memref<80x128xf32, #tpu.memory_space<vmem>>) offsets(%dma_start3A_351 : memref<80xi32, #tpu.memory_space<vmem>>) semaphore(%arg7 : memref<!tpu.dma_semaphore, #tpu.memory_space<semaphore_mem>>)
      %mul3A_358 = arith.constant 5 : i32
      %mul3A_359 = arith.muli %scan3A_317, %mul3A_358 : i32
      %add3A_360 = arith.constant 2 : i32
      %add3A_361 = arith.addi %mul3A_359, %add3A_360 : i32
      %mul3A_362 = arith.constant 80 : i32
      %mul3A_363 = arith.muli %add3A_361, %mul3A_362 : i32
      %dma_start3A_364 = arith.constant 2 : i32
      %dma_start3A_365 = arith.constant 0 : i32
      %dma_start3A_366 = arith.constant 0 : i32
      %dma_start3A_367 = tpu.memref_slice %arg6[%rem3A_319, %dma_start3A_364, %dma_start3A_365, %dma_start3A_366] : memref<2x5x80x128xf32, #tpu.memory_space<vmem>> -> memref<1x1x80x128xf32, #tpu.memory_space<vmem>>
      %dma_start3A_368 = tpu.memref_squeeze %dma_start3A_367 : memref<1x1x80x128xf32, #tpu.memory_space<vmem>> -> memref<80x128xf32, #tpu.memory_space<vmem>>
      %dma_start3A_369 = tpu.memref_slice %arg5[%mul3A_363] : memref<5000xi32, #tpu.memory_space<vmem>> -> memref<80xi32, #tpu.memory_space<vmem>>
      %dma_start3A_370 = arith.constant 0 : i32
      %dma_start3A_371 = arith.constant 0 : i32
      %dma_start3A_372 = tpu.memref_slice %arg3[%dma_start3A_370, %dma_start3A_371] : memref<20000x128xf32, #tpu.memory_space<hbm>> -> memref<10000x128xf32, #tpu.memory_space<hbm>>
      %dma_start3A_373 = arith.constant 0 : i32
      %dma_start3A_374 = arith.constant 0 : i32
      %dma_start3A_375 = tpu.memref_slice %dma_start3A_372[%dma_start3A_373, %dma_start3A_374] : memref<10000x128xf32, #tpu.memory_space<hbm>> -> memref<10000x128xf32, #tpu.memory_space<hbm>>
      tpu.enqueue_indirect_dma source(%dma_start3A_375 : memref<10000x128xf32, #tpu.memory_space<hbm>>) target(%dma_start3A_368 : memref<80x128xf32, #tpu.memory_space<vmem>>) offsets(%dma_start3A_369 : memref<80xi32, #tpu.memory_space<vmem>>) semaphore(%arg7 : memref<!tpu.dma_semaphore, #tpu.memory_space<semaphore_mem>>)
      %mul3A_376 = arith.constant 5 : i32
      %mul3A_377 = arith.muli %scan3A_317, %mul3A_376 : i32
      %add3A_378 = arith.constant 3 : i32
      %add3A_379 = arith.addi %mul3A_377, %add3A_378 : i32
      %mul3A_380 = arith.constant 80 : i32
      %mul3A_381 = arith.muli %add3A_379, %mul3A_380 : i32
      %dma_start3A_382 = arith.constant 3 : i32
      %dma_start3A_383 = arith.constant 0 : i32
      %dma_start3A_384 = arith.constant 0 : i32
      %dma_start3A_385 = tpu.memref_slice %arg6[%rem3A_319, %dma_start3A_382, %dma_start3A_383, %dma_start3A_384] : memref<2x5x80x128xf32, #tpu.memory_space<vmem>> -> memref<1x1x80x128xf32, #tpu.memory_space<vmem>>
      %dma_start3A_386 = tpu.memref_squeeze %dma_start3A_385 : memref<1x1x80x128xf32, #tpu.memory_space<vmem>> -> memref<80x128xf32, #tpu.memory_space<vmem>>
      %dma_start3A_387 = tpu.memref_slice %arg5[%mul3A_381] : memref<5000xi32, #tpu.memory_space<vmem>> -> memref<80xi32, #tpu.memory_space<vmem>>
      %dma_start3A_388 = arith.constant 0 : i32
      %dma_start3A_389 = arith.constant 0 : i32
      %dma_start3A_390 = tpu.memref_slice %arg3[%dma_start3A_388, %dma_start3A_389] : memref<20000x128xf32, #tpu.memory_space<hbm>> -> memref<10000x128xf32, #tpu.memory_space<hbm>>
      %dma_start3A_391 = arith.constant 0 : i32
      %dma_start3A_392 = arith.constant 0 : i32
      %dma_start3A_393 = tpu.memref_slice %dma_start3A_390[%dma_start3A_391, %dma_start3A_392] : memref<10000x128xf32, #tpu.memory_space<hbm>> -> memref<10000x128xf32, #tpu.memory_space<hbm>>
      tpu.enqueue_indirect_dma source(%dma_start3A_393 : memref<10000x128xf32, #tpu.memory_space<hbm>>) target(%dma_start3A_386 : memref<80x128xf32, #tpu.memory_space<vmem>>) offsets(%dma_start3A_387 : memref<80xi32, #tpu.memory_space<vmem>>) semaphore(%arg7 : memref<!tpu.dma_semaphore, #tpu.memory_space<semaphore_mem>>)
      %mul3A_394 = arith.constant 5 : i32
      %mul3A_395 = arith.muli %scan3A_317, %mul3A_394 : i32
      %add3A_396 = arith.constant 4 : i32
      %add3A_397 = arith.addi %mul3A_395, %add3A_396 : i32
      %mul3A_398 = arith.constant 80 : i32
      %mul3A_399 = arith.muli %add3A_397, %mul3A_398 : i32
      %dma_start3A_400 = arith.constant 4 : i32
      %dma_start3A_401 = arith.constant 0 : i32
      %dma_start3A_402 = arith.constant 0 : i32
      %dma_start3A_403 = tpu.memref_slice %arg6[%rem3A_319, %dma_start3A_400, %dma_start3A_401, %dma_start3A_402] : memref<2x5x80x128xf32, #tpu.memory_space<vmem>> -> memref<1x1x80x128xf32, #tpu.memory_space<vmem>>
      %dma_start3A_404 = tpu.memref_squeeze %dma_start3A_403 : memref<1x1x80x128xf32, #tpu.memory_space<vmem>> -> memref<80x128xf32, #tpu.memory_space<vmem>>
      %dma_start3A_405 = tpu.memref_slice %arg5[%mul3A_399] : memref<5000xi32, #tpu.memory_space<vmem>> -> memref<80xi32, #tpu.memory_space<vmem>>
      %dma_start3A_406 = arith.constant 0 : i32
      %dma_start3A_407 = arith.constant 0 : i32
      %dma_start3A_408 = tpu.memref_slice %arg3[%dma_start3A_406, %dma_start3A_407] : memref<20000x128xf32, #tpu.memory_space<hbm>> -> memref<10000x128xf32, #tpu.memory_space<hbm>>
      %dma_start3A_409 = arith.constant 0 : i32
      %dma_start3A_410 = arith.constant 0 : i32
      %dma_start3A_411 = tpu.memref_slice %dma_start3A_408[%dma_start3A_409, %dma_start3A_410] : memref<10000x128xf32, #tpu.memory_space<hbm>> -> memref<10000x128xf32, #tpu.memory_space<hbm>>
      tpu.enqueue_indirect_dma source(%dma_start3A_411 : memref<10000x128xf32, #tpu.memory_space<hbm>>) target(%dma_start3A_404 : memref<80x128xf32, #tpu.memory_space<vmem>>) offsets(%dma_start3A_405 : memref<80xi32, #tpu.memory_space<vmem>>) semaphore(%arg7 : memref<!tpu.dma_semaphore, #tpu.memory_space<semaphore_mem>>)
      %dma_wait3A_412 = arith.constant 0 : i32
      %dma_wait3A_413 = arith.constant 0 : i32
      %dma_wait3A_414 = arith.constant 0 : i32
      %dma_wait3A_415 = tpu.memref_slice %arg6[%rem3A_319, %dma_wait3A_412, %dma_wait3A_413, %dma_wait3A_414] : memref<2x5x80x128xf32, #tpu.memory_space<vmem>> -> memref<1x1x80x128xf32, #tpu.memory_space<vmem>>
      %dma_wait3A_416 = tpu.memref_squeeze %dma_wait3A_415 : memref<1x1x80x128xf32, #tpu.memory_space<vmem>> -> memref<80x128xf32, #tpu.memory_space<vmem>>
      %dma_wait3A_417 = tpu.memref_slice %arg5[%mul3A_327] : memref<5000xi32, #tpu.memory_space<vmem>> -> memref<80xi32, #tpu.memory_space<vmem>>
      %dma_wait3A_418 = arith.constant 0 : i32
      %dma_wait3A_419 = arith.constant 0 : i32
      %dma_wait3A_420 = tpu.memref_slice %arg3[%dma_wait3A_418, %dma_wait3A_419] : memref<20000x128xf32, #tpu.memory_space<hbm>> -> memref<10000x128xf32, #tpu.memory_space<hbm>>
      %dma_wait3A_421 = arith.constant 0 : i32
      %dma_wait3A_422 = arith.constant 0 : i32
      %dma_wait3A_423 = tpu.memref_slice %dma_wait3A_420[%dma_wait3A_421, %dma_wait3A_422] : memref<10000x128xf32, #tpu.memory_space<hbm>> -> memref<10000x128xf32, #tpu.memory_space<hbm>>
      tpu.wait_indirect_dma semaphore(%arg7 : memref<!tpu.dma_semaphore, #tpu.memory_space<semaphore_mem>>) src(%dma_wait3A_423 : memref<10000x128xf32, #tpu.memory_space<hbm>>) dst(%dma_wait3A_416 : memref<80x128xf32, #tpu.memory_space<vmem>>)
      %dma_wait3A_424 = arith.constant 1 : i32
      %dma_wait3A_425 = arith.constant 0 : i32
      %dma_wait3A_426 = arith.constant 0 : i32
      %dma_wait3A_427 = tpu.memref_slice %arg6[%rem3A_319, %dma_wait3A_424, %dma_wait3A_425, %dma_wait3A_426] : memref<2x5x80x128xf32, #tpu.memory_space<vmem>> -> memref<1x1x80x128xf32, #tpu.memory_space<vmem>>
      %dma_wait3A_428 = tpu.memref_squeeze %dma_wait3A_427 : memref<1x1x80x128xf32, #tpu.memory_space<vmem>> -> memref<80x128xf32, #tpu.memory_space<vmem>>
      %dma_wait3A_429 = tpu.memref_slice %arg5[%mul3A_345] : memref<5000xi32, #tpu.memory_space<vmem>> -> memref<80xi32, #tpu.memory_space<vmem>>
      %dma_wait3A_430 = arith.constant 0 : i32
      %dma_wait3A_431 = arith.constant 0 : i32
      %dma_wait3A_432 = tpu.memref_slice %arg3[%dma_wait3A_430, %dma_wait3A_431] : memref<20000x128xf32, #tpu.memory_space<hbm>> -> memref<10000x128xf32, #tpu.memory_space<hbm>>
      %dma_wait3A_433 = arith.constant 0 : i32
      %dma_wait3A_434 = arith.constant 0 : i32
      %dma_wait3A_435 = tpu.memref_slice %dma_wait3A_432[%dma_wait3A_433, %dma_wait3A_434] : memref<10000x128xf32, #tpu.memory_space<hbm>> -> memref<10000x128xf32, #tpu.memory_space<hbm>>
      tpu.wait_indirect_dma semaphore(%arg7 : memref<!tpu.dma_semaphore, #tpu.memory_space<semaphore_mem>>) src(%dma_wait3A_435 : memref<10000x128xf32, #tpu.memory_space<hbm>>) dst(%dma_wait3A_428 : memref<80x128xf32, #tpu.memory_space<vmem>>)
      %dma_wait3A_436 = arith.constant 2 : i32
      %dma_wait3A_437 = arith.constant 0 : i32
      %dma_wait3A_438 = arith.constant 0 : i32
      %dma_wait3A_439 = tpu.memref_slice %arg6[%rem3A_319, %dma_wait3A_436, %dma_wait3A_437, %dma_wait3A_438] : memref<2x5x80x128xf32, #tpu.memory_space<vmem>> -> memref<1x1x80x128xf32, #tpu.memory_space<vmem>>
      %dma_wait3A_440 = tpu.memref_squeeze %dma_wait3A_439 : memref<1x1x80x128xf32, #tpu.memory_space<vmem>> -> memref<80x128xf32, #tpu.memory_space<vmem>>
      %dma_wait3A_441 = tpu.memref_slice %arg5[%mul3A_363] : memref<5000xi32, #tpu.memory_space<vmem>> -> memref<80xi32, #tpu.memory_space<vmem>>
      %dma_wait3A_442 = arith.constant 0 : i32
      %dma_wait3A_443 = arith.constant 0 : i32
      %dma_wait3A_444 = tpu.memref_slice %arg3[%dma_wait3A_442, %dma_wait3A_443] : memref<20000x128xf32, #tpu.memory_space<hbm>> -> memref<10000x128xf32, #tpu.memory_space<hbm>>
      %dma_wait3A_445 = arith.constant 0 : i32
      %dma_wait3A_446 = arith.constant 0 : i32
      %dma_wait3A_447 = tpu.memref_slice %dma_wait3A_444[%dma_wait3A_445, %dma_wait3A_446] : memref<10000x128xf32, #tpu.memory_space<hbm>> -> memref<10000x128xf32, #tpu.memory_space<hbm>>
      tpu.wait_indirect_dma semaphore(%arg7 : memref<!tpu.dma_semaphore, #tpu.memory_space<semaphore_mem>>) src(%dma_wait3A_447 : memref<10000x128xf32, #tpu.memory_space<hbm>>) dst(%dma_wait3A_440 : memref<80x128xf32, #tpu.memory_space<vmem>>)
      %dma_wait3A_448 = arith.constant 3 : i32
      %dma_wait3A_449 = arith.constant 0 : i32
      %dma_wait3A_450 = arith.constant 0 : i32
      %dma_wait3A_451 = tpu.memref_slice %arg6[%rem3A_319, %dma_wait3A_448, %dma_wait3A_449, %dma_wait3A_450] : memref<2x5x80x128xf32, #tpu.memory_space<vmem>> -> memref<1x1x80x128xf32, #tpu.memory_space<vmem>>
      %dma_wait3A_452 = tpu.memref_squeeze %dma_wait3A_451 : memref<1x1x80x128xf32, #tpu.memory_space<vmem>> -> memref<80x128xf32, #tpu.memory_space<vmem>>
      %dma_wait3A_453 = tpu.memref_slice %arg5[%mul3A_381] : memref<5000xi32, #tpu.memory_space<vmem>> -> memref<80xi32, #tpu.memory_space<vmem>>
      %dma_wait3A_454 = arith.constant 0 : i32
      %dma_wait3A_455 = arith.constant 0 : i32
      %dma_wait3A_456 = tpu.memref_slice %arg3[%dma_wait3A_454, %dma_wait3A_455] : memref<20000x128xf32, #tpu.memory_space<hbm>> -> memref<10000x128xf32, #tpu.memory_space<hbm>>
      %dma_wait3A_457 = arith.constant 0 : i32
      %dma_wait3A_458 = arith.constant 0 : i32
      %dma_wait3A_459 = tpu.memref_slice %dma_wait3A_456[%dma_wait3A_457, %dma_wait3A_458] : memref<10000x128xf32, #tpu.memory_space<hbm>> -> memref<10000x128xf32, #tpu.memory_space<hbm>>
      tpu.wait_indirect_dma semaphore(%arg7 : memref<!tpu.dma_semaphore, #tpu.memory_space<semaphore_mem>>) src(%dma_wait3A_459 : memref<10000x128xf32, #tpu.memory_space<hbm>>) dst(%dma_wait3A_452 : memref<80x128xf32, #tpu.memory_space<vmem>>)
      %dma_wait3A_460 = arith.constant 4 : i32
      %dma_wait3A_461 = arith.constant 0 : i32
      %dma_wait3A_462 = arith.constant 0 : i32
      %dma_wait3A_463 = tpu.memref_slice %arg6[%rem3A_319, %dma_wait3A_460, %dma_wait3A_461, %dma_wait3A_462] : memref<2x5x80x128xf32, #tpu.memory_space<vmem>> -> memref<1x1x80x128xf32, #tpu.memory_space<vmem>>
      %dma_wait3A_464 = tpu.memref_squeeze %dma_wait3A_463 : memref<1x1x80x128xf32, #tpu.memory_space<vmem>> -> memref<80x128xf32, #tpu.memory_space<vmem>>
      %dma_wait3A_465 = tpu.memref_slice %arg5[%mul3A_399] : memref<5000xi32, #tpu.memory_space<vmem>> -> memref<80xi32, #tpu.memory_space<vmem>>
      %dma_wait3A_466 = arith.constant 0 : i32
      %dma_wait3A_467 = arith.constant 0 : i32
      %dma_wait3A_468 = tpu.memref_slice %arg3[%dma_wait3A_466, %dma_wait3A_467] : memref<20000x128xf32, #tpu.memory_space<hbm>> -> memref<10000x128xf32, #tpu.memory_space<hbm>>
      %dma_wait3A_469 = arith.constant 0 : i32
      %dma_wait3A_470 = arith.constant 0 : i32
      %dma_wait3A_471 = tpu.memref_slice %dma_wait3A_468[%dma_wait3A_469, %dma_wait3A_470] : memref<10000x128xf32, #tpu.memory_space<hbm>> -> memref<10000x128xf32, #tpu.memory_space<hbm>>
      tpu.wait_indirect_dma semaphore(%arg7 : memref<!tpu.dma_semaphore, #tpu.memory_space<semaphore_mem>>) src(%dma_wait3A_471 : memref<10000x128xf32, #tpu.memory_space<hbm>>) dst(%dma_wait3A_464 : memref<80x128xf32, #tpu.memory_space<vmem>>)
      %mul3A_472 = arith.constant 5 : i32
      %mul3A_473 = arith.muli %scan3A_317, %mul3A_472 : i32
      %add3A_474 = arith.constant 0 : i32
      %add3A_475 = arith.addi %mul3A_473, %add3A_474 : i32
      %mul3A_476 = arith.constant 80 : i32
      %mul3A_477 = arith.muli %add3A_475, %mul3A_476 : i32
      %add3A_478 = arith.addi %mul3A_2, %mul3A_477 : i32
      %dma_start3A_479 = arith.constant 0 : i32
      %dma_start3A_480 = arith.constant 0 : i32
      %dma_start3A_481 = arith.constant 0 : i32
      %dma_start3A_482 = tpu.memref_slice %arg6[%rem3A_319, %dma_start3A_479, %dma_start3A_480, %dma_start3A_481] : memref<2x5x80x128xf32, #tpu.memory_space<vmem>> -> memref<1x1x80x128xf32, #tpu.memory_space<vmem>>
      %dma_start3A_483 = tpu.memref_squeeze %dma_start3A_482 : memref<1x1x80x128xf32, #tpu.memory_space<vmem>> -> memref<80x128xf32, #tpu.memory_space<vmem>>
      %dma_start3A_484 = arith.constant 0 : i32
      %dma_start3A_485 = tpu.memref_slice %arg4[%add3A_478, %dma_start3A_484] : memref<160000x128xf32, #tpu.memory_space<hbm>> -> memref<80x128xf32, #tpu.memory_space<hbm>>
      %dma_start3A_486 = arith.constant 0 : i32
      %dma_start3A_487 = tpu.memref_slice %arg4[%add3A_478, %dma_start3A_486] : memref<160000x128xf32, #tpu.memory_space<hbm>> -> memref<80x128xf32, #tpu.memory_space<hbm>>
      %dma_start3A_488 = arith.constant 0 : i32
      %dma_start3A_489 = arith.constant 0 : i32
      %dma_start3A_490 = tpu.memref_slice %arg6[%rem3A_319, %dma_start3A_479, %dma_start3A_488, %dma_start3A_489] : memref<2x5x80x128xf32, #tpu.memory_space<vmem>> -> memref<1x1x80x128xf32, #tpu.memory_space<vmem>>
      %dma_start3A_491 = tpu.memref_squeeze %dma_start3A_490 : memref<1x1x80x128xf32, #tpu.memory_space<vmem>> -> memref<80x128xf32, #tpu.memory_space<vmem>>
      tpu.enqueue_dma source(%dma_start3A_491 : memref<80x128xf32, #tpu.memory_space<vmem>>) target(%dma_start3A_487 : memref<80x128xf32, #tpu.memory_space<hbm>>) target_semaphore(%arg8 : memref<!tpu.dma_semaphore, #tpu.memory_space<semaphore_mem>>)
      %mul3A_492 = arith.constant 5 : i32
      %mul3A_493 = arith.muli %scan3A_317, %mul3A_492 : i32
      %add3A_494 = arith.constant 1 : i32
      %add3A_495 = arith.addi %mul3A_493, %add3A_494 : i32
      %mul3A_496 = arith.constant 80 : i32
      %mul3A_497 = arith.muli %add3A_495, %mul3A_496 : i32
      %add3A_498 = arith.addi %mul3A_2, %mul3A_497 : i32
      %dma_start3A_499 = arith.constant 1 : i32
      %dma_start3A_500 = arith.constant 0 : i32
      %dma_start3A_501 = arith.constant 0 : i32
      %dma_start3A_502 = tpu.memref_slice %arg6[%rem3A_319, %dma_start3A_499, %dma_start3A_500, %dma_start3A_501] : memref<2x5x80x128xf32, #tpu.memory_space<vmem>> -> memref<1x1x80x128xf32, #tpu.memory_space<vmem>>
      %dma_start3A_503 = tpu.memref_squeeze %dma_start3A_502 : memref<1x1x80x128xf32, #tpu.memory_space<vmem>> -> memref<80x128xf32, #tpu.memory_space<vmem>>
      %dma_start3A_504 = arith.constant 0 : i32
      %dma_start3A_505 = tpu.memref_slice %arg4[%add3A_498, %dma_start3A_504] : memref<160000x128xf32, #tpu.memory_space<hbm>> -> memref<80x128xf32, #tpu.memory_space<hbm>>
      %dma_start3A_506 = arith.constant 0 : i32
      %dma_start3A_507 = tpu.memref_slice %arg4[%add3A_498, %dma_start3A_506] : memref<160000x128xf32, #tpu.memory_space<hbm>> -> memref<80x128xf32, #tpu.memory_space<hbm>>
      %dma_start3A_508 = arith.constant 0 : i32
      %dma_start3A_509 = arith.constant 0 : i32
      %dma_start3A_510 = tpu.memref_slice %arg6[%rem3A_319, %dma_start3A_499, %dma_start3A_508, %dma_start3A_509] : memref<2x5x80x128xf32, #tpu.memory_space<vmem>> -> memref<1x1x80x128xf32, #tpu.memory_space<vmem>>
      %dma_start3A_511 = tpu.memref_squeeze %dma_start3A_510 : memref<1x1x80x128xf32, #tpu.memory_space<vmem>> -> memref<80x128xf32, #tpu.memory_space<vmem>>
      tpu.enqueue_dma source(%dma_start3A_511 : memref<80x128xf32, #tpu.memory_space<vmem>>) target(%dma_start3A_507 : memref<80x128xf32, #tpu.memory_space<hbm>>) target_semaphore(%arg8 : memref<!tpu.dma_semaphore, #tpu.memory_space<semaphore_mem>>)
      %mul3A_512 = arith.constant 5 : i32
      %mul3A_513 = arith.muli %scan3A_317, %mul3A_512 : i32
      %add3A_514 = arith.constant 2 : i32
      %add3A_515 = arith.addi %mul3A_513, %add3A_514 : i32
      %mul3A_516 = arith.constant 80 : i32
      %mul3A_517 = arith.muli %add3A_515, %mul3A_516 : i32
      %add3A_518 = arith.addi %mul3A_2, %mul3A_517 : i32
      %dma_start3A_519 = arith.constant 2 : i32
      %dma_start3A_520 = arith.constant 0 : i32
      %dma_start3A_521 = arith.constant 0 : i32
      %dma_start3A_522 = tpu.memref_slice %arg6[%rem3A_319, %dma_start3A_519, %dma_start3A_520, %dma_start3A_521] : memref<2x5x80x128xf32, #tpu.memory_space<vmem>> -> memref<1x1x80x128xf32, #tpu.memory_space<vmem>>
      %dma_start3A_523 = tpu.memref_squeeze %dma_start3A_522 : memref<1x1x80x128xf32, #tpu.memory_space<vmem>> -> memref<80x128xf32, #tpu.memory_space<vmem>>
      %dma_start3A_524 = arith.constant 0 : i32
      %dma_start3A_525 = tpu.memref_slice %arg4[%add3A_518, %dma_start3A_524] : memref<160000x128xf32, #tpu.memory_space<hbm>> -> memref<80x128xf32, #tpu.memory_space<hbm>>
      %dma_start3A_526 = arith.constant 0 : i32
      %dma_start3A_527 = tpu.memref_slice %arg4[%add3A_518, %dma_start3A_526] : memref<160000x128xf32, #tpu.memory_space<hbm>> -> memref<80x128xf32, #tpu.memory_space<hbm>>
      %dma_start3A_528 = arith.constant 0 : i32
      %dma_start3A_529 = arith.constant 0 : i32
      %dma_start3A_530 = tpu.memref_slice %arg6[%rem3A_319, %dma_start3A_519, %dma_start3A_528, %dma_start3A_529] : memref<2x5x80x128xf32, #tpu.memory_space<vmem>> -> memref<1x1x80x128xf32, #tpu.memory_space<vmem>>
      %dma_start3A_531 = tpu.memref_squeeze %dma_start3A_530 : memref<1x1x80x128xf32, #tpu.memory_space<vmem>> -> memref<80x128xf32, #tpu.memory_space<vmem>>
      tpu.enqueue_dma source(%dma_start3A_531 : memref<80x128xf32, #tpu.memory_space<vmem>>) target(%dma_start3A_527 : memref<80x128xf32, #tpu.memory_space<hbm>>) target_semaphore(%arg8 : memref<!tpu.dma_semaphore, #tpu.memory_space<semaphore_mem>>)
      %mul3A_532 = arith.constant 5 : i32
      %mul3A_533 = arith.muli %scan3A_317, %mul3A_532 : i32
      %add3A_534 = arith.constant 3 : i32
      %add3A_535 = arith.addi %mul3A_533, %add3A_534 : i32
      %mul3A_536 = arith.constant 80 : i32
      %mul3A_537 = arith.muli %add3A_535, %mul3A_536 : i32
      %add3A_538 = arith.addi %mul3A_2, %mul3A_537 : i32
      %dma_start3A_539 = arith.constant 3 : i32
      %dma_start3A_540 = arith.constant 0 : i32
      %dma_start3A_541 = arith.constant 0 : i32
      %dma_start3A_542 = tpu.memref_slice %arg6[%rem3A_319, %dma_start3A_539, %dma_start3A_540, %dma_start3A_541] : memref<2x5x80x128xf32, #tpu.memory_space<vmem>> -> memref<1x1x80x128xf32, #tpu.memory_space<vmem>>
      %dma_start3A_543 = tpu.memref_squeeze %dma_start3A_542 : memref<1x1x80x128xf32, #tpu.memory_space<vmem>> -> memref<80x128xf32, #tpu.memory_space<vmem>>
      %dma_start3A_544 = arith.constant 0 : i32
      %dma_start3A_545 = tpu.memref_slice %arg4[%add3A_538, %dma_start3A_544] : memref<160000x128xf32, #tpu.memory_space<hbm>> -> memref<80x128xf32, #tpu.memory_space<hbm>>
      %dma_start3A_546 = arith.constant 0 : i32
      %dma_start3A_547 = tpu.memref_slice %arg4[%add3A_538, %dma_start3A_546] : memref<160000x128xf32, #tpu.memory_space<hbm>> -> memref<80x128xf32, #tpu.memory_space<hbm>>
      %dma_start3A_548 = arith.constant 0 : i32
      %dma_start3A_549 = arith.constant 0 : i32
      %dma_start3A_550 = tpu.memref_slice %arg6[%rem3A_319, %dma_start3A_539, %dma_start3A_548, %dma_start3A_549] : memref<2x5x80x128xf32, #tpu.memory_space<vmem>> -> memref<1x1x80x128xf32, #tpu.memory_space<vmem>>
      %dma_start3A_551 = tpu.memref_squeeze %dma_start3A_550 : memref<1x1x80x128xf32, #tpu.memory_space<vmem>> -> memref<80x128xf32, #tpu.memory_space<vmem>>
      tpu.enqueue_dma source(%dma_start3A_551 : memref<80x128xf32, #tpu.memory_space<vmem>>) target(%dma_start3A_547 : memref<80x128xf32, #tpu.memory_space<hbm>>) target_semaphore(%arg8 : memref<!tpu.dma_semaphore, #tpu.memory_space<semaphore_mem>>)
      %mul3A_552 = arith.constant 5 : i32
      %mul3A_553 = arith.muli %scan3A_317, %mul3A_552 : i32
      %add3A_554 = arith.constant 4 : i32
      %add3A_555 = arith.addi %mul3A_553, %add3A_554 : i32
      %mul3A_556 = arith.constant 80 : i32
      %mul3A_557 = arith.muli %add3A_555, %mul3A_556 : i32
      %add3A_558 = arith.addi %mul3A_2, %mul3A_557 : i32
      %dma_start3A_559 = arith.constant 4 : i32
      %dma_start3A_560 = arith.constant 0 : i32
      %dma_start3A_561 = arith.constant 0 : i32
      %dma_start3A_562 = tpu.memref_slice %arg6[%rem3A_319, %dma_start3A_559, %dma_start3A_560, %dma_start3A_561] : memref<2x5x80x128xf32, #tpu.memory_space<vmem>> -> memref<1x1x80x128xf32, #tpu.memory_space<vmem>>
      %dma_start3A_563 = tpu.memref_squeeze %dma_start3A_562 : memref<1x1x80x128xf32, #tpu.memory_space<vmem>> -> memref<80x128xf32, #tpu.memory_space<vmem>>
      %dma_start3A_564 = arith.constant 0 : i32
      %dma_start3A_565 = tpu.memref_slice %arg4[%add3A_558, %dma_start3A_564] : memref<160000x128xf32, #tpu.memory_space<hbm>> -> memref<80x128xf32, #tpu.memory_space<hbm>>
      %dma_start3A_566 = arith.constant 0 : i32
      %dma_start3A_567 = tpu.memref_slice %arg4[%add3A_558, %dma_start3A_566] : memref<160000x128xf32, #tpu.memory_space<hbm>> -> memref<80x128xf32, #tpu.memory_space<hbm>>
      %dma_start3A_568 = arith.constant 0 : i32
      %dma_start3A_569 = arith.constant 0 : i32
      %dma_start3A_570 = tpu.memref_slice %arg6[%rem3A_319, %dma_start3A_559, %dma_start3A_568, %dma_start3A_569] : memref<2x5x80x128xf32, #tpu.memory_space<vmem>> -> memref<1x1x80x128xf32, #tpu.memory_space<vmem>>
      %dma_start3A_571 = tpu.memref_squeeze %dma_start3A_570 : memref<1x1x80x128xf32, #tpu.memory_space<vmem>> -> memref<80x128xf32, #tpu.memory_space<vmem>>
      tpu.enqueue_dma source(%dma_start3A_571 : memref<80x128xf32, #tpu.memory_space<vmem>>) target(%dma_start3A_567 : memref<80x128xf32, #tpu.memory_space<hbm>>) target_semaphore(%arg8 : memref<!tpu.dma_semaphore, #tpu.memory_space<semaphore_mem>>)
    }
    %scan3A_7 = arith.constant 12 : i32
    %rem3A = arith.constant 12 : i32
    %rem3A_8 = arith.constant 2 : i32
    %rem3A_9 = arith.remsi %rem3A, %rem3A_8 : i32
    %dma_wait3A = arith.constant 0 : i32
    %dma_wait3A_10 = arith.constant 0 : i32
    %dma_wait3A_11 = arith.constant 0 : i32
    %dma_wait3A_12 = tpu.memref_slice %arg6[%rem3A_9, %dma_wait3A, %dma_wait3A_10, %dma_wait3A_11] : memref<2x5x80x128xf32, #tpu.memory_space<vmem>> -> memref<1x1x80x128xf32, #tpu.memory_space<vmem>>
    %dma_wait3A_13 = tpu.memref_squeeze %dma_wait3A_12 : memref<1x1x80x128xf32, #tpu.memory_space<vmem>> -> memref<80x128xf32, #tpu.memory_space<vmem>>
    %dma_wait3A_14 = arith.constant 0 : i32
    %dma_wait3A_15 = tpu.memref_slice %arg4[%mul3A_2, %dma_wait3A_14] : memref<160000x128xf32, #tpu.memory_space<hbm>> -> memref<80x128xf32, #tpu.memory_space<hbm>>
    %dma_wait3A_16 = arith.constant 0 : i32
    %dma_wait3A_17 = tpu.memref_slice %arg4[%mul3A_2, %dma_wait3A_16] : memref<160000x128xf32, #tpu.memory_space<hbm>> -> memref<80x128xf32, #tpu.memory_space<hbm>>
    %dma_wait3A_18 = arith.constant 0 : i32
    %dma_wait3A_19 = arith.constant 0 : i32
    %dma_wait3A_20 = tpu.memref_slice %arg6[%rem3A_9, %dma_wait3A, %dma_wait3A_18, %dma_wait3A_19] : memref<2x5x80x128xf32, #tpu.memory_space<vmem>> -> memref<1x1x80x128xf32, #tpu.memory_space<vmem>>
    %dma_wait3A_21 = tpu.memref_squeeze %dma_wait3A_20 : memref<1x1x80x128xf32, #tpu.memory_space<vmem>> -> memref<80x128xf32, #tpu.memory_space<vmem>>
    tpu.wait_dma2 semaphore(%arg8 : memref<!tpu.dma_semaphore, #tpu.memory_space<semaphore_mem>>) src(%dma_wait3A_21 : memref<80x128xf32, #tpu.memory_space<vmem>>) dst(%dma_wait3A_17 : memref<80x128xf32, #tpu.memory_space<hbm>>)
    %dma_wait3A_22 = arith.constant 1 : i32
    %dma_wait3A_23 = arith.constant 0 : i32
    %dma_wait3A_24 = arith.constant 0 : i32
    %dma_wait3A_25 = tpu.memref_slice %arg6[%rem3A_9, %dma_wait3A_22, %dma_wait3A_23, %dma_wait3A_24] : memref<2x5x80x128xf32, #tpu.memory_space<vmem>> -> memref<1x1x80x128xf32, #tpu.memory_space<vmem>>
    %dma_wait3A_26 = tpu.memref_squeeze %dma_wait3A_25 : memref<1x1x80x128xf32, #tpu.memory_space<vmem>> -> memref<80x128xf32, #tpu.memory_space<vmem>>
    %dma_wait3A_27 = arith.constant 0 : i32
    %dma_wait3A_28 = tpu.memref_slice %arg4[%mul3A_2, %dma_wait3A_27] : memref<160000x128xf32, #tpu.memory_space<hbm>> -> memref<80x128xf32, #tpu.memory_space<hbm>>
    %dma_wait3A_29 = arith.constant 0 : i32
    %dma_wait3A_30 = tpu.memref_slice %arg4[%mul3A_2, %dma_wait3A_29] : memref<160000x128xf32, #tpu.memory_space<hbm>> -> memref<80x128xf32, #tpu.memory_space<hbm>>
    %dma_wait3A_31 = arith.constant 0 : i32
    %dma_wait3A_32 = arith.constant 0 : i32
    %dma_wait3A_33 = tpu.memref_slice %arg6[%rem3A_9, %dma_wait3A_22, %dma_wait3A_31, %dma_wait3A_32] : memref<2x5x80x128xf32, #tpu.memory_space<vmem>> -> memref<1x1x80x128xf32, #tpu.memory_space<vmem>>
    %dma_wait3A_34 = tpu.memref_squeeze %dma_wait3A_33 : memref<1x1x80x128xf32, #tpu.memory_space<vmem>> -> memref<80x128xf32, #tpu.memory_space<vmem>>
    tpu.wait_dma2 semaphore(%arg8 : memref<!tpu.dma_semaphore, #tpu.memory_space<semaphore_mem>>) src(%dma_wait3A_34 : memref<80x128xf32, #tpu.memory_space<vmem>>) dst(%dma_wait3A_30 : memref<80x128xf32, #tpu.memory_space<hbm>>)
    %dma_wait3A_35 = arith.constant 2 : i32
    %dma_wait3A_36 = arith.constant 0 : i32
    %dma_wait3A_37 = arith.constant 0 : i32
    %dma_wait3A_38 = tpu.memref_slice %arg6[%rem3A_9, %dma_wait3A_35, %dma_wait3A_36, %dma_wait3A_37] : memref<2x5x80x128xf32, #tpu.memory_space<vmem>> -> memref<1x1x80x128xf32, #tpu.memory_space<vmem>>
    %dma_wait3A_39 = tpu.memref_squeeze %dma_wait3A_38 : memref<1x1x80x128xf32, #tpu.memory_space<vmem>> -> memref<80x128xf32, #tpu.memory_space<vmem>>
    %dma_wait3A_40 = arith.constant 0 : i32
    %dma_wait3A_41 = tpu.memref_slice %arg4[%mul3A_2, %dma_wait3A_40] : memref<160000x128xf32, #tpu.memory_space<hbm>> -> memref<80x128xf32, #tpu.memory_space<hbm>>
    %dma_wait3A_42 = arith.constant 0 : i32
    %dma_wait3A_43 = tpu.memref_slice %arg4[%mul3A_2, %dma_wait3A_42] : memref<160000x128xf32, #tpu.memory_space<hbm>> -> memref<80x128xf32, #tpu.memory_space<hbm>>
    %dma_wait3A_44 = arith.constant 0 : i32
    %dma_wait3A_45 = arith.constant 0 : i32
    %dma_wait3A_46 = tpu.memref_slice %arg6[%rem3A_9, %dma_wait3A_35, %dma_wait3A_44, %dma_wait3A_45] : memref<2x5x80x128xf32, #tpu.memory_space<vmem>> -> memref<1x1x80x128xf32, #tpu.memory_space<vmem>>
    %dma_wait3A_47 = tpu.memref_squeeze %dma_wait3A_46 : memref<1x1x80x128xf32, #tpu.memory_space<vmem>> -> memref<80x128xf32, #tpu.memory_space<vmem>>
    tpu.wait_dma2 semaphore(%arg8 : memref<!tpu.dma_semaphore, #tpu.memory_space<semaphore_mem>>) src(%dma_wait3A_47 : memref<80x128xf32, #tpu.memory_space<vmem>>) dst(%dma_wait3A_43 : memref<80x128xf32, #tpu.memory_space<hbm>>)
    %dma_wait3A_48 = arith.constant 3 : i32
    %dma_wait3A_49 = arith.constant 0 : i32
    %dma_wait3A_50 = arith.constant 0 : i32
    %dma_wait3A_51 = tpu.memref_slice %arg6[%rem3A_9, %dma_wait3A_48, %dma_wait3A_49, %dma_wait3A_50] : memref<2x5x80x128xf32, #tpu.memory_space<vmem>> -> memref<1x1x80x128xf32, #tpu.memory_space<vmem>>
    %dma_wait3A_52 = tpu.memref_squeeze %dma_wait3A_51 : memref<1x1x80x128xf32, #tpu.memory_space<vmem>> -> memref<80x128xf32, #tpu.memory_space<vmem>>
    %dma_wait3A_53 = arith.constant 0 : i32
    %dma_wait3A_54 = tpu.memref_slice %arg4[%mul3A_2, %dma_wait3A_53] : memref<160000x128xf32, #tpu.memory_space<hbm>> -> memref<80x128xf32, #tpu.memory_space<hbm>>
    %dma_wait3A_55 = arith.constant 0 : i32
    %dma_wait3A_56 = tpu.memref_slice %arg4[%mul3A_2, %dma_wait3A_55] : memref<160000x128xf32, #tpu.memory_space<hbm>> -> memref<80x128xf32, #tpu.memory_space<hbm>>
    %dma_wait3A_57 = arith.constant 0 : i32
    %dma_wait3A_58 = arith.constant 0 : i32
    %dma_wait3A_59 = tpu.memref_slice %arg6[%rem3A_9, %dma_wait3A_48, %dma_wait3A_57, %dma_wait3A_58] : memref<2x5x80x128xf32, #tpu.memory_space<vmem>> -> memref<1x1x80x128xf32, #tpu.memory_space<vmem>>
    %dma_wait3A_60 = tpu.memref_squeeze %dma_wait3A_59 : memref<1x1x80x128xf32, #tpu.memory_space<vmem>> -> memref<80x128xf32, #tpu.memory_space<vmem>>
    tpu.wait_dma2 semaphore(%arg8 : memref<!tpu.dma_semaphore, #tpu.memory_space<semaphore_mem>>) src(%dma_wait3A_60 : memref<80x128xf32, #tpu.memory_space<vmem>>) dst(%dma_wait3A_56 : memref<80x128xf32, #tpu.memory_space<hbm>>)
    %dma_wait3A_61 = arith.constant 4 : i32
    %dma_wait3A_62 = arith.constant 0 : i32
    %dma_wait3A_63 = arith.constant 0 : i32
    %dma_wait3A_64 = tpu.memref_slice %arg6[%rem3A_9, %dma_wait3A_61, %dma_wait3A_62, %dma_wait3A_63] : memref<2x5x80x128xf32, #tpu.memory_space<vmem>> -> memref<1x1x80x128xf32, #tpu.memory_space<vmem>>
    %dma_wait3A_65 = tpu.memref_squeeze %dma_wait3A_64 : memref<1x1x80x128xf32, #tpu.memory_space<vmem>> -> memref<80x128xf32, #tpu.memory_space<vmem>>
    %dma_wait3A_66 = arith.constant 0 : i32
    %dma_wait3A_67 = tpu.memref_slice %arg4[%mul3A_2, %dma_wait3A_66] : memref<160000x128xf32, #tpu.memory_space<hbm>> -> memref<80x128xf32, #tpu.memory_space<hbm>>
    %dma_wait3A_68 = arith.constant 0 : i32
    %dma_wait3A_69 = tpu.memref_slice %arg4[%mul3A_2, %dma_wait3A_68] : memref<160000x128xf32, #tpu.memory_space<hbm>> -> memref<80x128xf32, #tpu.memory_space<hbm>>
    %dma_wait3A_70 = arith.constant 0 : i32
    %dma_wait3A_71 = arith.constant 0 : i32
    %dma_wait3A_72 = tpu.memref_slice %arg6[%rem3A_9, %dma_wait3A_61, %dma_wait3A_70, %dma_wait3A_71] : memref<2x5x80x128xf32, #tpu.memory_space<vmem>> -> memref<1x1x80x128xf32, #tpu.memory_space<vmem>>
    %dma_wait3A_73 = tpu.memref_squeeze %dma_wait3A_72 : memref<1x1x80x128xf32, #tpu.memory_space<vmem>> -> memref<80x128xf32, #tpu.memory_space<vmem>>
    tpu.wait_dma2 semaphore(%arg8 : memref<!tpu.dma_semaphore, #tpu.memory_space<semaphore_mem>>) src(%dma_wait3A_73 : memref<80x128xf32, #tpu.memory_space<vmem>>) dst(%dma_wait3A_69 : memref<80x128xf32, #tpu.memory_space<hbm>>)
    %add3A_74 = arith.constant 12 : i32
    %add3A_75 = arith.constant 1 : i32
    %add3A_76 = arith.addi %add3A_74, %add3A_75 : i32
    %rem3A_77 = arith.constant 2 : i32
    %rem3A_78 = arith.remsi %add3A_76, %rem3A_77 : i32
    %dma_wait3A_79 = arith.constant 0 : i32
    %dma_wait3A_80 = arith.constant 0 : i32
    %dma_wait3A_81 = arith.constant 0 : i32
    %dma_wait3A_82 = tpu.memref_slice %arg6[%rem3A_78, %dma_wait3A_79, %dma_wait3A_80, %dma_wait3A_81] : memref<2x5x80x128xf32, #tpu.memory_space<vmem>> -> memref<1x1x80x128xf32, #tpu.memory_space<vmem>>
    %dma_wait3A_83 = tpu.memref_squeeze %dma_wait3A_82 : memref<1x1x80x128xf32, #tpu.memory_space<vmem>> -> memref<80x128xf32, #tpu.memory_space<vmem>>
    %dma_wait3A_84 = arith.constant 0 : i32
    %dma_wait3A_85 = tpu.memref_slice %arg4[%mul3A_2, %dma_wait3A_84] : memref<160000x128xf32, #tpu.memory_space<hbm>> -> memref<80x128xf32, #tpu.memory_space<hbm>>
    %dma_wait3A_86 = arith.constant 0 : i32
    %dma_wait3A_87 = tpu.memref_slice %arg4[%mul3A_2, %dma_wait3A_86] : memref<160000x128xf32, #tpu.memory_space<hbm>> -> memref<80x128xf32, #tpu.memory_space<hbm>>
    %dma_wait3A_88 = arith.constant 0 : i32
    %dma_wait3A_89 = arith.constant 0 : i32
    %dma_wait3A_90 = tpu.memref_slice %arg6[%rem3A_78, %dma_wait3A_79, %dma_wait3A_88, %dma_wait3A_89] : memref<2x5x80x128xf32, #tpu.memory_space<vmem>> -> memref<1x1x80x128xf32, #tpu.memory_space<vmem>>
    %dma_wait3A_91 = tpu.memref_squeeze %dma_wait3A_90 : memref<1x1x80x128xf32, #tpu.memory_space<vmem>> -> memref<80x128xf32, #tpu.memory_space<vmem>>
    tpu.wait_dma2 semaphore(%arg8 : memref<!tpu.dma_semaphore, #tpu.memory_space<semaphore_mem>>) src(%dma_wait3A_91 : memref<80x128xf32, #tpu.memory_space<vmem>>) dst(%dma_wait3A_87 : memref<80x128xf32, #tpu.memory_space<hbm>>)
    %dma_wait3A_92 = arith.constant 1 : i32
    %dma_wait3A_93 = arith.constant 0 : i32
    %dma_wait3A_94 = arith.constant 0 : i32
    %dma_wait3A_95 = tpu.memref_slice %arg6[%rem3A_78, %dma_wait3A_92, %dma_wait3A_93, %dma_wait3A_94] : memref<2x5x80x128xf32, #tpu.memory_space<vmem>> -> memref<1x1x80x128xf32, #tpu.memory_space<vmem>>
    %dma_wait3A_96 = tpu.memref_squeeze %dma_wait3A_95 : memref<1x1x80x128xf32, #tpu.memory_space<vmem>> -> memref<80x128xf32, #tpu.memory_space<vmem>>
    %dma_wait3A_97 = arith.constant 0 : i32
    %dma_wait3A_98 = tpu.memref_slice %arg4[%mul3A_2, %dma_wait3A_97] : memref<160000x128xf32, #tpu.memory_space<hbm>> -> memref<80x128xf32, #tpu.memory_space<hbm>>
    %dma_wait3A_99 = arith.constant 0 : i32
    %dma_wait3A_100 = tpu.memref_slice %arg4[%mul3A_2, %dma_wait3A_99] : memref<160000x128xf32, #tpu.memory_space<hbm>> -> memref<80x128xf32, #tpu.memory_space<hbm>>
    %dma_wait3A_101 = arith.constant 0 : i32
    %dma_wait3A_102 = arith.constant 0 : i32
    %dma_wait3A_103 = tpu.memref_slice %arg6[%rem3A_78, %dma_wait3A_92, %dma_wait3A_101, %dma_wait3A_102] : memref<2x5x80x128xf32, #tpu.memory_space<vmem>> -> memref<1x1x80x128xf32, #tpu.memory_space<vmem>>
    %dma_wait3A_104 = tpu.memref_squeeze %dma_wait3A_103 : memref<1x1x80x128xf32, #tpu.memory_space<vmem>> -> memref<80x128xf32, #tpu.memory_space<vmem>>
    tpu.wait_dma2 semaphore(%arg8 : memref<!tpu.dma_semaphore, #tpu.memory_space<semaphore_mem>>) src(%dma_wait3A_104 : memref<80x128xf32, #tpu.memory_space<vmem>>) dst(%dma_wait3A_100 : memref<80x128xf32, #tpu.memory_space<hbm>>)
    %dma_wait3A_105 = arith.constant 2 : i32
    %dma_wait3A_106 = arith.constant 0 : i32
    %dma_wait3A_107 = arith.constant 0 : i32
    %dma_wait3A_108 = tpu.memref_slice %arg6[%rem3A_78, %dma_wait3A_105, %dma_wait3A_106, %dma_wait3A_107] : memref<2x5x80x128xf32, #tpu.memory_space<vmem>> -> memref<1x1x80x128xf32, #tpu.memory_space<vmem>>
    %dma_wait3A_109 = tpu.memref_squeeze %dma_wait3A_108 : memref<1x1x80x128xf32, #tpu.memory_space<vmem>> -> memref<80x128xf32, #tpu.memory_space<vmem>>
    %dma_wait3A_110 = arith.constant 0 : i32
    %dma_wait3A_111 = tpu.memref_slice %arg4[%mul3A_2, %dma_wait3A_110] : memref<160000x128xf32, #tpu.memory_space<hbm>> -> memref<80x128xf32, #tpu.memory_space<hbm>>
    %dma_wait3A_112 = arith.constant 0 : i32
    %dma_wait3A_113 = tpu.memref_slice %arg4[%mul3A_2, %dma_wait3A_112] : memref<160000x128xf32, #tpu.memory_space<hbm>> -> memref<80x128xf32, #tpu.memory_space<hbm>>
    %dma_wait3A_114 = arith.constant 0 : i32
    %dma_wait3A_115 = arith.constant 0 : i32
    %dma_wait3A_116 = tpu.memref_slice %arg6[%rem3A_78, %dma_wait3A_105, %dma_wait3A_114, %dma_wait3A_115] : memref<2x5x80x128xf32, #tpu.memory_space<vmem>> -> memref<1x1x80x128xf32, #tpu.memory_space<vmem>>
    %dma_wait3A_117 = tpu.memref_squeeze %dma_wait3A_116 : memref<1x1x80x128xf32, #tpu.memory_space<vmem>> -> memref<80x128xf32, #tpu.memory_space<vmem>>
    tpu.wait_dma2 semaphore(%arg8 : memref<!tpu.dma_semaphore, #tpu.memory_space<semaphore_mem>>) src(%dma_wait3A_117 : memref<80x128xf32, #tpu.memory_space<vmem>>) dst(%dma_wait3A_113 : memref<80x128xf32, #tpu.memory_space<hbm>>)
    %dma_wait3A_118 = arith.constant 3 : i32
    %dma_wait3A_119 = arith.constant 0 : i32
    %dma_wait3A_120 = arith.constant 0 : i32
    %dma_wait3A_121 = tpu.memref_slice %arg6[%rem3A_78, %dma_wait3A_118, %dma_wait3A_119, %dma_wait3A_120] : memref<2x5x80x128xf32, #tpu.memory_space<vmem>> -> memref<1x1x80x128xf32, #tpu.memory_space<vmem>>
    %dma_wait3A_122 = tpu.memref_squeeze %dma_wait3A_121 : memref<1x1x80x128xf32, #tpu.memory_space<vmem>> -> memref<80x128xf32, #tpu.memory_space<vmem>>
    %dma_wait3A_123 = arith.constant 0 : i32
    %dma_wait3A_124 = tpu.memref_slice %arg4[%mul3A_2, %dma_wait3A_123] : memref<160000x128xf32, #tpu.memory_space<hbm>> -> memref<80x128xf32, #tpu.memory_space<hbm>>
    %dma_wait3A_125 = arith.constant 0 : i32
    %dma_wait3A_126 = tpu.memref_slice %arg4[%mul3A_2, %dma_wait3A_125] : memref<160000x128xf32, #tpu.memory_space<hbm>> -> memref<80x128xf32, #tpu.memory_space<hbm>>
    %dma_wait3A_127 = arith.constant 0 : i32
    %dma_wait3A_128 = arith.constant 0 : i32
    %dma_wait3A_129 = tpu.memref_slice %arg6[%rem3A_78, %dma_wait3A_118, %dma_wait3A_127, %dma_wait3A_128] : memref<2x5x80x128xf32, #tpu.memory_space<vmem>> -> memref<1x1x80x128xf32, #tpu.memory_space<vmem>>
    %dma_wait3A_130 = tpu.memref_squeeze %dma_wait3A_129 : memref<1x1x80x128xf32, #tpu.memory_space<vmem>> -> memref<80x128xf32, #tpu.memory_space<vmem>>
    tpu.wait_dma2 semaphore(%arg8 : memref<!tpu.dma_semaphore, #tpu.memory_space<semaphore_mem>>) src(%dma_wait3A_130 : memref<80x128xf32, #tpu.memory_space<vmem>>) dst(%dma_wait3A_126 : memref<80x128xf32, #tpu.memory_space<hbm>>)
    %dma_wait3A_131 = arith.constant 4 : i32
    %dma_wait3A_132 = arith.constant 0 : i32
    %dma_wait3A_133 = arith.constant 0 : i32
    %dma_wait3A_134 = tpu.memref_slice %arg6[%rem3A_78, %dma_wait3A_131, %dma_wait3A_132, %dma_wait3A_133] : memref<2x5x80x128xf32, #tpu.memory_space<vmem>> -> memref<1x1x80x128xf32, #tpu.memory_space<vmem>>
    %dma_wait3A_135 = tpu.memref_squeeze %dma_wait3A_134 : memref<1x1x80x128xf32, #tpu.memory_space<vmem>> -> memref<80x128xf32, #tpu.memory_space<vmem>>
    %dma_wait3A_136 = arith.constant 0 : i32
    %dma_wait3A_137 = tpu.memref_slice %arg4[%mul3A_2, %dma_wait3A_136] : memref<160000x128xf32, #tpu.memory_space<hbm>> -> memref<80x128xf32, #tpu.memory_space<hbm>>
    %dma_wait3A_138 = arith.constant 0 : i32
    %dma_wait3A_139 = tpu.memref_slice %arg4[%mul3A_2, %dma_wait3A_138] : memref<160000x128xf32, #tpu.memory_space<hbm>> -> memref<80x128xf32, #tpu.memory_space<hbm>>
    %dma_wait3A_140 = arith.constant 0 : i32
    %dma_wait3A_141 = arith.constant 0 : i32
    %dma_wait3A_142 = tpu.memref_slice %arg6[%rem3A_78, %dma_wait3A_131, %dma_wait3A_140, %dma_wait3A_141] : memref<2x5x80x128xf32, #tpu.memory_space<vmem>> -> memref<1x1x80x128xf32, #tpu.memory_space<vmem>>
    %dma_wait3A_143 = tpu.memref_squeeze %dma_wait3A_142 : memref<1x1x80x128xf32, #tpu.memory_space<vmem>> -> memref<80x128xf32, #tpu.memory_space<vmem>>
    tpu.wait_dma2 semaphore(%arg8 : memref<!tpu.dma_semaphore, #tpu.memory_space<semaphore_mem>>) src(%dma_wait3A_143 : memref<80x128xf32, #tpu.memory_space<vmem>>) dst(%dma_wait3A_139 : memref<80x128xf32, #tpu.memory_space<hbm>>)
    %dma_start3A = arith.constant 0 : i32
    %dma_start3A_144 = arith.constant 0 : i32
    %dma_start3A_145 = arith.constant 0 : i32
    %dma_start3A_146 = arith.constant 0 : i32
    %dma_start3A_147 = tpu.memref_slice %arg6[%dma_start3A, %dma_start3A_144, %dma_start3A_145, %dma_start3A_146] : memref<2x5x80x128xf32, #tpu.memory_space<vmem>> -> memref<1x1x80x128xf32, #tpu.memory_space<vmem>>
    %dma_start3A_148 = tpu.memref_squeeze %dma_start3A_147 : memref<1x1x80x128xf32, #tpu.memory_space<vmem>> -> memref<80x128xf32, #tpu.memory_space<vmem>>
    %dma_start3A_149 = arith.constant 4800 : i32
    %dma_start3A_150 = tpu.memref_slice %arg5[%dma_start3A_149] : memref<5000xi32, #tpu.memory_space<vmem>> -> memref<80xi32, #tpu.memory_space<vmem>>
    %dma_start3A_151 = arith.constant 0 : i32
    %dma_start3A_152 = arith.constant 0 : i32
    %dma_start3A_153 = tpu.memref_slice %arg3[%dma_start3A_151, %dma_start3A_152] : memref<20000x128xf32, #tpu.memory_space<hbm>> -> memref<10000x128xf32, #tpu.memory_space<hbm>>
    %dma_start3A_154 = arith.constant 0 : i32
    %dma_start3A_155 = arith.constant 0 : i32
    %dma_start3A_156 = tpu.memref_slice %dma_start3A_153[%dma_start3A_154, %dma_start3A_155] : memref<10000x128xf32, #tpu.memory_space<hbm>> -> memref<10000x128xf32, #tpu.memory_space<hbm>>
    tpu.enqueue_indirect_dma source(%dma_start3A_156 : memref<10000x128xf32, #tpu.memory_space<hbm>>) target(%dma_start3A_148 : memref<80x128xf32, #tpu.memory_space<vmem>>) offsets(%dma_start3A_150 : memref<80xi32, #tpu.memory_space<vmem>>) semaphore(%arg7 : memref<!tpu.dma_semaphore, #tpu.memory_space<semaphore_mem>>)
    %dma_start3A_157 = arith.constant 0 : i32
    %dma_start3A_158 = arith.constant 1 : i32
    %dma_start3A_159 = arith.constant 0 : i32
    %dma_start3A_160 = arith.constant 0 : i32
    %dma_start3A_161 = tpu.memref_slice %arg6[%dma_start3A_157, %dma_start3A_158, %dma_start3A_159, %dma_start3A_160] : memref<2x5x80x128xf32, #tpu.memory_space<vmem>> -> memref<1x1x80x128xf32, #tpu.memory_space<vmem>>
    %dma_start3A_162 = tpu.memref_squeeze %dma_start3A_161 : memref<1x1x80x128xf32, #tpu.memory_space<vmem>> -> memref<80x128xf32, #tpu.memory_space<vmem>>
    %dma_start3A_163 = arith.constant 4880 : i32
    %dma_start3A_164 = tpu.memref_slice %arg5[%dma_start3A_163] : memref<5000xi32, #tpu.memory_space<vmem>> -> memref<80xi32, #tpu.memory_space<vmem>>
    %dma_start3A_165 = arith.constant 0 : i32
    %dma_start3A_166 = arith.constant 0 : i32
    %dma_start3A_167 = tpu.memref_slice %arg3[%dma_start3A_165, %dma_start3A_166] : memref<20000x128xf32, #tpu.memory_space<hbm>> -> memref<10000x128xf32, #tpu.memory_space<hbm>>
    %dma_start3A_168 = arith.constant 0 : i32
    %dma_start3A_169 = arith.constant 0 : i32
    %dma_start3A_170 = tpu.memref_slice %dma_start3A_167[%dma_start3A_168, %dma_start3A_169] : memref<10000x128xf32, #tpu.memory_space<hbm>> -> memref<10000x128xf32, #tpu.memory_space<hbm>>
    tpu.enqueue_indirect_dma source(%dma_start3A_170 : memref<10000x128xf32, #tpu.memory_space<hbm>>) target(%dma_start3A_162 : memref<80x128xf32, #tpu.memory_space<vmem>>) offsets(%dma_start3A_164 : memref<80xi32, #tpu.memory_space<vmem>>) semaphore(%arg7 : memref<!tpu.dma_semaphore, #tpu.memory_space<semaphore_mem>>)
    %dma_start3A_171 = arith.constant 0 : i32
    %dma_start3A_172 = arith.constant 2 : i32
    %dma_start3A_173 = arith.constant 0 : i32
    %dma_start3A_174 = arith.constant 0 : i32
    %dma_start3A_175 = tpu.memref_slice %arg6[%dma_start3A_171, %dma_start3A_172, %dma_start3A_173, %dma_start3A_174] : memref<2x5x80x128xf32, #tpu.memory_space<vmem>> -> memref<1x1x40x128xf32, #tpu.memory_space<vmem>>
    %dma_start3A_176 = tpu.memref_squeeze %dma_start3A_175 : memref<1x1x40x128xf32, #tpu.memory_space<vmem>> -> memref<40x128xf32, #tpu.memory_space<vmem>>
    %dma_start3A_177 = arith.constant 4960 : i32
    %dma_start3A_178 = tpu.memref_slice %arg5[%dma_start3A_177] : memref<5000xi32, #tpu.memory_space<vmem>> -> memref<40xi32, #tpu.memory_space<vmem>>
    %dma_start3A_179 = arith.constant 0 : i32
    %dma_start3A_180 = arith.constant 0 : i32
    %dma_start3A_181 = tpu.memref_slice %arg3[%dma_start3A_179, %dma_start3A_180] : memref<20000x128xf32, #tpu.memory_space<hbm>> -> memref<10000x128xf32, #tpu.memory_space<hbm>>
    %dma_start3A_182 = arith.constant 0 : i32
    %dma_start3A_183 = arith.constant 0 : i32
    %dma_start3A_184 = tpu.memref_slice %dma_start3A_181[%dma_start3A_182, %dma_start3A_183] : memref<10000x128xf32, #tpu.memory_space<hbm>> -> memref<10000x128xf32, #tpu.memory_space<hbm>>
    tpu.enqueue_indirect_dma source(%dma_start3A_184 : memref<10000x128xf32, #tpu.memory_space<hbm>>) target(%dma_start3A_176 : memref<40x128xf32, #tpu.memory_space<vmem>>) offsets(%dma_start3A_178 : memref<40xi32, #tpu.memory_space<vmem>>) semaphore(%arg7 : memref<!tpu.dma_semaphore, #tpu.memory_space<semaphore_mem>>)
    %dma_wait3A_185 = arith.constant 0 : i32
    %dma_wait3A_186 = arith.constant 0 : i32
    %dma_wait3A_187 = arith.constant 0 : i32
    %dma_wait3A_188 = arith.constant 0 : i32
    %dma_wait3A_189 = tpu.memref_slice %arg6[%dma_wait3A_185, %dma_wait3A_186, %dma_wait3A_187, %dma_wait3A_188] : memref<2x5x80x128xf32, #tpu.memory_space<vmem>> -> memref<1x1x80x128xf32, #tpu.memory_space<vmem>>
    %dma_wait3A_190 = tpu.memref_squeeze %dma_wait3A_189 : memref<1x1x80x128xf32, #tpu.memory_space<vmem>> -> memref<80x128xf32, #tpu.memory_space<vmem>>
    %dma_wait3A_191 = arith.constant 4800 : i32
    %dma_wait3A_192 = tpu.memref_slice %arg5[%dma_wait3A_191] : memref<5000xi32, #tpu.memory_space<vmem>> -> memref<80xi32, #tpu.memory_space<vmem>>
    %dma_wait3A_193 = arith.constant 0 : i32
    %dma_wait3A_194 = arith.constant 0 : i32
    %dma_wait3A_195 = tpu.memref_slice %arg3[%dma_wait3A_193, %dma_wait3A_194] : memref<20000x128xf32, #tpu.memory_space<hbm>> -> memref<10000x128xf32, #tpu.memory_space<hbm>>
    %dma_wait3A_196 = arith.constant 0 : i32
    %dma_wait3A_197 = arith.constant 0 : i32
    %dma_wait3A_198 = tpu.memref_slice %dma_wait3A_195[%dma_wait3A_196, %dma_wait3A_197] : memref<10000x128xf32, #tpu.memory_space<hbm>> -> memref<10000x128xf32, #tpu.memory_space<hbm>>
    tpu.wait_indirect_dma semaphore(%arg7 : memref<!tpu.dma_semaphore, #tpu.memory_space<semaphore_mem>>) src(%dma_wait3A_198 : memref<10000x128xf32, #tpu.memory_space<hbm>>) dst(%dma_wait3A_190 : memref<80x128xf32, #tpu.memory_space<vmem>>)
    %dma_wait3A_199 = arith.constant 0 : i32
    %dma_wait3A_200 = arith.constant 1 : i32
    %dma_wait3A_201 = arith.constant 0 : i32
    %dma_wait3A_202 = arith.constant 0 : i32
    %dma_wait3A_203 = tpu.memref_slice %arg6[%dma_wait3A_199, %dma_wait3A_200, %dma_wait3A_201, %dma_wait3A_202] : memref<2x5x80x128xf32, #tpu.memory_space<vmem>> -> memref<1x1x80x128xf32, #tpu.memory_space<vmem>>
    %dma_wait3A_204 = tpu.memref_squeeze %dma_wait3A_203 : memref<1x1x80x128xf32, #tpu.memory_space<vmem>> -> memref<80x128xf32, #tpu.memory_space<vmem>>
    %dma_wait3A_205 = arith.constant 4880 : i32
    %dma_wait3A_206 = tpu.memref_slice %arg5[%dma_wait3A_205] : memref<5000xi32, #tpu.memory_space<vmem>> -> memref<80xi32, #tpu.memory_space<vmem>>
    %dma_wait3A_207 = arith.constant 0 : i32
    %dma_wait3A_208 = arith.constant 0 : i32
    %dma_wait3A_209 = tpu.memref_slice %arg3[%dma_wait3A_207, %dma_wait3A_208] : memref<20000x128xf32, #tpu.memory_space<hbm>> -> memref<10000x128xf32, #tpu.memory_space<hbm>>
    %dma_wait3A_210 = arith.constant 0 : i32
    %dma_wait3A_211 = arith.constant 0 : i32
    %dma_wait3A_212 = tpu.memref_slice %dma_wait3A_209[%dma_wait3A_210, %dma_wait3A_211] : memref<10000x128xf32, #tpu.memory_space<hbm>> -> memref<10000x128xf32, #tpu.memory_space<hbm>>
    tpu.wait_indirect_dma semaphore(%arg7 : memref<!tpu.dma_semaphore, #tpu.memory_space<semaphore_mem>>) src(%dma_wait3A_212 : memref<10000x128xf32, #tpu.memory_space<hbm>>) dst(%dma_wait3A_204 : memref<80x128xf32, #tpu.memory_space<vmem>>)
    %dma_wait3A_213 = arith.constant 0 : i32
    %dma_wait3A_214 = arith.constant 2 : i32
    %dma_wait3A_215 = arith.constant 0 : i32
    %dma_wait3A_216 = arith.constant 0 : i32
    %dma_wait3A_217 = tpu.memref_slice %arg6[%dma_wait3A_213, %dma_wait3A_214, %dma_wait3A_215, %dma_wait3A_216] : memref<2x5x80x128xf32, #tpu.memory_space<vmem>> -> memref<1x1x40x128xf32, #tpu.memory_space<vmem>>
    %dma_wait3A_218 = tpu.memref_squeeze %dma_wait3A_217 : memref<1x1x40x128xf32, #tpu.memory_space<vmem>> -> memref<40x128xf32, #tpu.memory_space<vmem>>
    %dma_wait3A_219 = arith.constant 4960 : i32
    %dma_wait3A_220 = tpu.memref_slice %arg5[%dma_wait3A_219] : memref<5000xi32, #tpu.memory_space<vmem>> -> memref<40xi32, #tpu.memory_space<vmem>>
    %dma_wait3A_221 = arith.constant 0 : i32
    %dma_wait3A_222 = arith.constant 0 : i32
    %dma_wait3A_223 = tpu.memref_slice %arg3[%dma_wait3A_221, %dma_wait3A_222] : memref<20000x128xf32, #tpu.memory_space<hbm>> -> memref<10000x128xf32, #tpu.memory_space<hbm>>
    %dma_wait3A_224 = arith.constant 0 : i32
    %dma_wait3A_225 = arith.constant 0 : i32
    %dma_wait3A_226 = tpu.memref_slice %dma_wait3A_223[%dma_wait3A_224, %dma_wait3A_225] : memref<10000x128xf32, #tpu.memory_space<hbm>> -> memref<10000x128xf32, #tpu.memory_space<hbm>>
    tpu.wait_indirect_dma semaphore(%arg7 : memref<!tpu.dma_semaphore, #tpu.memory_space<semaphore_mem>>) src(%dma_wait3A_226 : memref<10000x128xf32, #tpu.memory_space<hbm>>) dst(%dma_wait3A_218 : memref<40x128xf32, #tpu.memory_space<vmem>>)
    %add3A_227 = arith.constant 4800 : i32
    %add3A_228 = arith.addi %mul3A_2, %add3A_227 : i32
    %dma_start3A_229 = arith.constant 0 : i32
    %dma_start3A_230 = arith.constant 0 : i32
    %dma_start3A_231 = arith.constant 0 : i32
    %dma_start3A_232 = arith.constant 0 : i32
    %dma_start3A_233 = tpu.memref_slice %arg6[%dma_start3A_229, %dma_start3A_230, %dma_start3A_231, %dma_start3A_232] : memref<2x5x80x128xf32, #tpu.memory_space<vmem>> -> memref<1x1x80x128xf32, #tpu.memory_space<vmem>>
    %dma_start3A_234 = tpu.memref_squeeze %dma_start3A_233 : memref<1x1x80x128xf32, #tpu.memory_space<vmem>> -> memref<80x128xf32, #tpu.memory_space<vmem>>
    %dma_start3A_235 = arith.constant 0 : i32
    %dma_start3A_236 = tpu.memref_slice %arg4[%add3A_228, %dma_start3A_235] : memref<160000x128xf32, #tpu.memory_space<hbm>> -> memref<80x128xf32, #tpu.memory_space<hbm>>
    %dma_start3A_237 = arith.constant 0 : i32
    %dma_start3A_238 = tpu.memref_slice %arg4[%add3A_228, %dma_start3A_237] : memref<160000x128xf32, #tpu.memory_space<hbm>> -> memref<80x128xf32, #tpu.memory_space<hbm>>
    %dma_start3A_239 = arith.constant 0 : i32
    %dma_start3A_240 = arith.constant 0 : i32
    %dma_start3A_241 = tpu.memref_slice %arg6[%dma_start3A_229, %dma_start3A_230, %dma_start3A_239, %dma_start3A_240] : memref<2x5x80x128xf32, #tpu.memory_space<vmem>> -> memref<1x1x80x128xf32, #tpu.memory_space<vmem>>
    %dma_start3A_242 = tpu.memref_squeeze %dma_start3A_241 : memref<1x1x80x128xf32, #tpu.memory_space<vmem>> -> memref<80x128xf32, #tpu.memory_space<vmem>>
    tpu.enqueue_dma source(%dma_start3A_242 : memref<80x128xf32, #tpu.memory_space<vmem>>) target(%dma_start3A_238 : memref<80x128xf32, #tpu.memory_space<hbm>>) target_semaphore(%arg8 : memref<!tpu.dma_semaphore, #tpu.memory_space<semaphore_mem>>)
    %add3A_243 = arith.constant 4880 : i32
    %add3A_244 = arith.addi %mul3A_2, %add3A_243 : i32
    %dma_start3A_245 = arith.constant 0 : i32
    %dma_start3A_246 = arith.constant 1 : i32
    %dma_start3A_247 = arith.constant 0 : i32
    %dma_start3A_248 = arith.constant 0 : i32
    %dma_start3A_249 = tpu.memref_slice %arg6[%dma_start3A_245, %dma_start3A_246, %dma_start3A_247, %dma_start3A_248] : memref<2x5x80x128xf32, #tpu.memory_space<vmem>> -> memref<1x1x80x128xf32, #tpu.memory_space<vmem>>
    %dma_start3A_250 = tpu.memref_squeeze %dma_start3A_249 : memref<1x1x80x128xf32, #tpu.memory_space<vmem>> -> memref<80x128xf32, #tpu.memory_space<vmem>>
    %dma_start3A_251 = arith.constant 0 : i32
    %dma_start3A_252 = tpu.memref_slice %arg4[%add3A_244, %dma_start3A_251] : memref<160000x128xf32, #tpu.memory_space<hbm>> -> memref<80x128xf32, #tpu.memory_space<hbm>>
    %dma_start3A_253 = arith.constant 0 : i32
    %dma_start3A_254 = tpu.memref_slice %arg4[%add3A_244, %dma_start3A_253] : memref<160000x128xf32, #tpu.memory_space<hbm>> -> memref<80x128xf32, #tpu.memory_space<hbm>>
    %dma_start3A_255 = arith.constant 0 : i32
    %dma_start3A_256 = arith.constant 0 : i32
    %dma_start3A_257 = tpu.memref_slice %arg6[%dma_start3A_245, %dma_start3A_246, %dma_start3A_255, %dma_start3A_256] : memref<2x5x80x128xf32, #tpu.memory_space<vmem>> -> memref<1x1x80x128xf32, #tpu.memory_space<vmem>>
    %dma_start3A_258 = tpu.memref_squeeze %dma_start3A_257 : memref<1x1x80x128xf32, #tpu.memory_space<vmem>> -> memref<80x128xf32, #tpu.memory_space<vmem>>
    tpu.enqueue_dma source(%dma_start3A_258 : memref<80x128xf32, #tpu.memory_space<vmem>>) target(%dma_start3A_254 : memref<80x128xf32, #tpu.memory_space<hbm>>) target_semaphore(%arg8 : memref<!tpu.dma_semaphore, #tpu.memory_space<semaphore_mem>>)
    %add3A_259 = arith.constant 4960 : i32
    %add3A_260 = arith.addi %mul3A_2, %add3A_259 : i32
    %dma_start3A_261 = arith.constant 0 : i32
    %dma_start3A_262 = arith.constant 2 : i32
    %dma_start3A_263 = arith.constant 0 : i32
    %dma_start3A_264 = arith.constant 0 : i32
    %dma_start3A_265 = tpu.memref_slice %arg6[%dma_start3A_261, %dma_start3A_262, %dma_start3A_263, %dma_start3A_264] : memref<2x5x80x128xf32, #tpu.memory_space<vmem>> -> memref<1x1x40x128xf32, #tpu.memory_space<vmem>>
    %dma_start3A_266 = tpu.memref_squeeze %dma_start3A_265 : memref<1x1x40x128xf32, #tpu.memory_space<vmem>> -> memref<40x128xf32, #tpu.memory_space<vmem>>
    %dma_start3A_267 = arith.constant 0 : i32
    %dma_start3A_268 = tpu.memref_slice %arg4[%add3A_260, %dma_start3A_267] : memref<160000x128xf32, #tpu.memory_space<hbm>> -> memref<40x128xf32, #tpu.memory_space<hbm>>
    %dma_start3A_269 = arith.constant 0 : i32
    %dma_start3A_270 = tpu.memref_slice %arg4[%add3A_260, %dma_start3A_269] : memref<160000x128xf32, #tpu.memory_space<hbm>> -> memref<40x128xf32, #tpu.memory_space<hbm>>
    %dma_start3A_271 = arith.constant 0 : i32
    %dma_start3A_272 = arith.constant 0 : i32
    %dma_start3A_273 = tpu.memref_slice %arg6[%dma_start3A_261, %dma_start3A_262, %dma_start3A_271, %dma_start3A_272] : memref<2x5x80x128xf32, #tpu.memory_space<vmem>> -> memref<1x1x40x128xf32, #tpu.memory_space<vmem>>
    %dma_start3A_274 = tpu.memref_squeeze %dma_start3A_273 : memref<1x1x40x128xf32, #tpu.memory_space<vmem>> -> memref<40x128xf32, #tpu.memory_space<vmem>>
    tpu.enqueue_dma source(%dma_start3A_274 : memref<40x128xf32, #tpu.memory_space<vmem>>) target(%dma_start3A_270 : memref<40x128xf32, #tpu.memory_space<hbm>>) target_semaphore(%arg8 : memref<!tpu.dma_semaphore, #tpu.memory_space<semaphore_mem>>)
    %dma_wait3A_275 = arith.constant 0 : i32
    %dma_wait3A_276 = arith.constant 0 : i32
    %dma_wait3A_277 = arith.constant 0 : i32
    %dma_wait3A_278 = arith.constant 0 : i32
    %dma_wait3A_279 = tpu.memref_slice %arg6[%dma_wait3A_275, %dma_wait3A_276, %dma_wait3A_277, %dma_wait3A_278] : memref<2x5x80x128xf32, #tpu.memory_space<vmem>> -> memref<1x1x80x128xf32, #tpu.memory_space<vmem>>
    %dma_wait3A_280 = tpu.memref_squeeze %dma_wait3A_279 : memref<1x1x80x128xf32, #tpu.memory_space<vmem>> -> memref<80x128xf32, #tpu.memory_space<vmem>>
    %dma_wait3A_281 = arith.constant 0 : i32
    %dma_wait3A_282 = tpu.memref_slice %arg4[%add3A_228, %dma_wait3A_281] : memref<160000x128xf32, #tpu.memory_space<hbm>> -> memref<80x128xf32, #tpu.memory_space<hbm>>
    %dma_wait3A_283 = arith.constant 0 : i32
    %dma_wait3A_284 = tpu.memref_slice %arg4[%add3A_228, %dma_wait3A_283] : memref<160000x128xf32, #tpu.memory_space<hbm>> -> memref<80x128xf32, #tpu.memory_space<hbm>>
    %dma_wait3A_285 = arith.constant 0 : i32
    %dma_wait3A_286 = arith.constant 0 : i32
    %dma_wait3A_287 = tpu.memref_slice %arg6[%dma_wait3A_275, %dma_wait3A_276, %dma_wait3A_285, %dma_wait3A_286] : memref<2x5x80x128xf32, #tpu.memory_space<vmem>> -> memref<1x1x80x128xf32, #tpu.memory_space<vmem>>
    %dma_wait3A_288 = tpu.memref_squeeze %dma_wait3A_287 : memref<1x1x80x128xf32, #tpu.memory_space<vmem>> -> memref<80x128xf32, #tpu.memory_space<vmem>>
    tpu.wait_dma2 semaphore(%arg8 : memref<!tpu.dma_semaphore, #tpu.memory_space<semaphore_mem>>) src(%dma_wait3A_288 : memref<80x128xf32, #tpu.memory_space<vmem>>) dst(%dma_wait3A_284 : memref<80x128xf32, #tpu.memory_space<hbm>>)
    %dma_wait3A_289 = arith.constant 0 : i32
    %dma_wait3A_290 = arith.constant 1 : i32
    %dma_wait3A_291 = arith.constant 0 : i32
    %dma_wait3A_292 = arith.constant 0 : i32
    %dma_wait3A_293 = tpu.memref_slice %arg6[%dma_wait3A_289, %dma_wait3A_290, %dma_wait3A_291, %dma_wait3A_292] : memref<2x5x80x128xf32, #tpu.memory_space<vmem>> -> memref<1x1x80x128xf32, #tpu.memory_space<vmem>>
    %dma_wait3A_294 = tpu.memref_squeeze %dma_wait3A_293 : memref<1x1x80x128xf32, #tpu.memory_space<vmem>> -> memref<80x128xf32, #tpu.memory_space<vmem>>
    %dma_wait3A_295 = arith.constant 0 : i32
    %dma_wait3A_296 = tpu.memref_slice %arg4[%add3A_244, %dma_wait3A_295] : memref<160000x128xf32, #tpu.memory_space<hbm>> -> memref<80x128xf32, #tpu.memory_space<hbm>>
    %dma_wait3A_297 = arith.constant 0 : i32
    %dma_wait3A_298 = tpu.memref_slice %arg4[%add3A_244, %dma_wait3A_297] : memref<160000x128xf32, #tpu.memory_space<hbm>> -> memref<80x128xf32, #tpu.memory_space<hbm>>
    %dma_wait3A_299 = arith.constant 0 : i32
    %dma_wait3A_300 = arith.constant 0 : i32
    %dma_wait3A_301 = tpu.memref_slice %arg6[%dma_wait3A_289, %dma_wait3A_290, %dma_wait3A_299, %dma_wait3A_300] : memref<2x5x80x128xf32, #tpu.memory_space<vmem>> -> memref<1x1x80x128xf32, #tpu.memory_space<vmem>>
    %dma_wait3A_302 = tpu.memref_squeeze %dma_wait3A_301 : memref<1x1x80x128xf32, #tpu.memory_space<vmem>> -> memref<80x128xf32, #tpu.memory_space<vmem>>
    tpu.wait_dma2 semaphore(%arg8 : memref<!tpu.dma_semaphore, #tpu.memory_space<semaphore_mem>>) src(%dma_wait3A_302 : memref<80x128xf32, #tpu.memory_space<vmem>>) dst(%dma_wait3A_298 : memref<80x128xf32, #tpu.memory_space<hbm>>)
    %dma_wait3A_303 = arith.constant 0 : i32
    %dma_wait3A_304 = arith.constant 2 : i32
    %dma_wait3A_305 = arith.constant 0 : i32
    %dma_wait3A_306 = arith.constant 0 : i32
    %dma_wait3A_307 = tpu.memref_slice %arg6[%dma_wait3A_303, %dma_wait3A_304, %dma_wait3A_305, %dma_wait3A_306] : memref<2x5x80x128xf32, #tpu.memory_space<vmem>> -> memref<1x1x40x128xf32, #tpu.memory_space<vmem>>
    %dma_wait3A_308 = tpu.memref_squeeze %dma_wait3A_307 : memref<1x1x40x128xf32, #tpu.memory_space<vmem>> -> memref<40x128xf32, #tpu.memory_space<vmem>>
    %dma_wait3A_309 = arith.constant 0 : i32
    %dma_wait3A_310 = tpu.memref_slice %arg4[%add3A_260, %dma_wait3A_309] : memref<160000x128xf32, #tpu.memory_space<hbm>> -> memref<40x128xf32, #tpu.memory_space<hbm>>
    %dma_wait3A_311 = arith.constant 0 : i32
    %dma_wait3A_312 = tpu.memref_slice %arg4[%add3A_260, %dma_wait3A_311] : memref<160000x128xf32, #tpu.memory_space<hbm>> -> memref<40x128xf32, #tpu.memory_space<hbm>>
    %dma_wait3A_313 = arith.constant 0 : i32
    %dma_wait3A_314 = arith.constant 0 : i32
    %dma_wait3A_315 = tpu.memref_slice %arg6[%dma_wait3A_303, %dma_wait3A_304, %dma_wait3A_313, %dma_wait3A_314] : memref<2x5x80x128xf32, #tpu.memory_space<vmem>> -> memref<1x1x40x128xf32, #tpu.memory_space<vmem>>
    %dma_wait3A_316 = tpu.memref_squeeze %dma_wait3A_315 : memref<1x1x40x128xf32, #tpu.memory_space<vmem>> -> memref<40x128xf32, #tpu.memory_space<vmem>>
    tpu.wait_dma2 semaphore(%arg8 : memref<!tpu.dma_semaphore, #tpu.memory_space<semaphore_mem>>) src(%dma_wait3A_316 : memref<40x128xf32, #tpu.memory_space<vmem>>) dst(%dma_wait3A_312 : memref<40x128xf32, #tpu.memory_space<hbm>>)
    return
  }
}

module attributes {stable_mosaic.version = 14 : i64} {
  func.func @_stage1_body(%arg0: i32, %arg1: memref<1000x128xf32, #tpu.memory_space<vmem>>, %arg2: memref<1000x3xf32, #tpu.memory_space<vmem>>, %arg3: memref<259x128xf32, #tpu.memory_space<vmem>>, %arg4: memref<1x128xf32, #tpu.memory_space<vmem>>, %arg5: memref<1000x128xf32, #tpu.memory_space<vmem>>, %arg6: memref<1000x128xf32, #tpu.memory_space<vmem>>) attributes {dimension_semantics = [#tpu.dimension_semantics<arbitrary>], iteration_bounds = array<i64: 20>, scalar_prefetch = 0 : i64, scratch_operands = 0 : i64, tpu.core_type = #tpu.core_type<tc>, window_params = [{transform_indices = @transform_0, window_bounds = array<i64: 1000, 128>}, {transform_indices = @transform_1, window_bounds = array<i64: 1000, 3>}, {pipeline_mode = #tpu.pipeline_mode<synchronous>, transform_indices = @transform_2, window_bounds = array<i64: 259, 128>}, {pipeline_mode = #tpu.pipeline_mode<synchronous>, transform_indices = @transform_3, window_bounds = array<i64: 1, 128>}, {transform_indices = @transform_4, window_bounds = array<i64: 1000, 128>}, {transform_indices = @transform_5, window_bounds = array<i64: 1000, 128>}]} {
    %get3A = arith.constant 0 : index
    %get3A_0 = arith.constant 0 : index
    %get3A_1 = vector.load %arg1[%get3A, %get3A_0] : memref<1000x128xf32, #tpu.memory_space<vmem>>, vector<1000x128xf32>
    %get3A_2 = arith.constant 0 : index
    %get3A_3 = arith.constant 0 : index
    %get3A_4 = vector.load %arg3[%get3A_2, %get3A_3] : memref<259x128xf32, #tpu.memory_space<vmem>>, vector<128x128xf32>
    %get3A_5 = arith.constant 128 : index
    %get3A_6 = arith.constant 0 : index
    %get3A_7 = vector.load %arg3[%get3A_5, %get3A_6] : memref<259x128xf32, #tpu.memory_space<vmem>>, vector<128x128xf32>
    %get3A_8 = arith.constant 0 : index
    %get3A_9 = arith.constant 0 : index
    %get3A_10 = vector.load %arg2[%get3A_8, %get3A_9] : memref<1000x3xf32, #tpu.memory_space<vmem>>, vector<1000x1xf32>
    %get3A_11 = arith.constant 256 : index
    %get3A_12 = arith.constant 0 : index
    %get3A_13 = vector.load %arg3[%get3A_11, %get3A_12] : memref<259x128xf32, #tpu.memory_space<vmem>>, vector<1x128xf32>
    %mul3A = vector.broadcast %get3A_10 : vector<1000x1xf32> to vector<1000x128xf32>
    %mul3A_14 = vector.broadcast %get3A_13 : vector<1x128xf32> to vector<1000x128xf32>
    %mul3A_15 = arith.mulf %mul3A, %mul3A_14 : vector<1000x128xf32>
    %get3A_16 = arith.constant 0 : index
    %get3A_17 = arith.constant 1 : index
    %get3A_18 = vector.load %arg2[%get3A_16, %get3A_17] : memref<1000x3xf32, #tpu.memory_space<vmem>>, vector<1000x1xf32>
    %get3A_19 = arith.constant 257 : index
    %get3A_20 = arith.constant 0 : index
    %get3A_21 = vector.load %arg3[%get3A_19, %get3A_20] : memref<259x128xf32, #tpu.memory_space<vmem>>, vector<1x128xf32>
    %mul3A_22 = vector.broadcast %get3A_18 : vector<1000x1xf32> to vector<1000x128xf32>
    %mul3A_23 = vector.broadcast %get3A_21 : vector<1x128xf32> to vector<1000x128xf32>
    %mul3A_24 = arith.mulf %mul3A_22, %mul3A_23 : vector<1000x128xf32>
    %add3A = arith.addf %mul3A_15, %mul3A_24 : vector<1000x128xf32>
    %get3A_25 = arith.constant 0 : index
    %get3A_26 = arith.constant 2 : index
    %get3A_27 = vector.load %arg2[%get3A_25, %get3A_26] : memref<1000x3xf32, #tpu.memory_space<vmem>>, vector<1000x1xf32>
    %get3A_28 = arith.constant 258 : index
    %get3A_29 = arith.constant 0 : index
    %get3A_30 = vector.load %arg3[%get3A_28, %get3A_29] : memref<259x128xf32, #tpu.memory_space<vmem>>, vector<1x128xf32>
    %mul3A_31 = vector.broadcast %get3A_27 : vector<1000x1xf32> to vector<1000x128xf32>
    %mul3A_32 = vector.broadcast %get3A_30 : vector<1x128xf32> to vector<1000x128xf32>
    %mul3A_33 = arith.mulf %mul3A_31, %mul3A_32 : vector<1000x128xf32>
    %add3A_34 = arith.addf %add3A, %mul3A_33 : vector<1000x128xf32>
    %dot_general3A = arith.constant dense<0.000000e+00> : vector<1000x128xf32>
    %dot_general3A_35 = tpu.matmul %get3A_1, %get3A_7, %dot_general3A {dimension_numbers = #tpu.dot_dimension_numbers<[1], [0], [0], [1], [0, 0, 1, 1], [], []>, transpose_lhs_hint = false} : vector<1000x128xf32>, vector<128x128xf32>, vector<1000x128xf32> -> vector<1000x128xf32>
    %add3A_36 = arith.addf %dot_general3A_35, %add3A_34 : vector<1000x128xf32>
    %swap3A = arith.constant 0 : index
    %swap3A_37 = arith.constant 0 : index
    %swap3A_38 = vector.load %arg6[%swap3A, %swap3A_37] : memref<1000x128xf32, #tpu.memory_space<vmem>>, vector<1000x128xf32>
    tpu.vector_store %arg6[%swap3A, %swap3A_37], %add3A_36 {strides = array<i32>} : memref<1000x128xf32, #tpu.memory_space<vmem>>, vector<1000x128xf32>,
    %sub3A = arith.subf %get3A_4, %get3A_7 : vector<128x128xf32>
    %dot_general3A_39 = arith.constant dense<0.000000e+00> : vector<1000x128xf32>
    %dot_general3A_40 = tpu.matmul %get3A_1, %sub3A, %dot_general3A_39 {dimension_numbers = #tpu.dot_dimension_numbers<[1], [0], [0], [1], [0, 0, 1, 1], [], []>, transpose_lhs_hint = false} : vector<1000x128xf32>, vector<128x128xf32>, vector<1000x128xf32> -> vector<1000x128xf32>
    %get3A_41 = arith.constant 0 : index
    %get3A_42 = arith.constant 0 : index
    %get3A_43 = vector.load %arg4[%get3A_41, %get3A_42] : memref<1x128xf32, #tpu.memory_space<vmem>>, vector<1x128xf32>
    %add3A_44 = vector.broadcast %get3A_43 : vector<1x128xf32> to vector<1000x128xf32>
    %add3A_45 = arith.addf %dot_general3A_40, %add3A_44 : vector<1000x128xf32>
    %sub3A_46 = arith.subf %add3A_45, %add3A_34 : vector<1000x128xf32>
    %swap3A_47 = arith.constant 0 : index
    %swap3A_48 = arith.constant 0 : index
    %swap3A_49 = vector.load %arg5[%swap3A_47, %swap3A_48] : memref<1000x128xf32, #tpu.memory_space<vmem>>, vector<1000x128xf32>
    tpu.vector_store %arg5[%swap3A_47, %swap3A_48], %sub3A_46 {strides = array<i32>} : memref<1000x128xf32, #tpu.memory_space<vmem>>, vector<1000x128xf32>,
    return
  }
  func.func @transform_0(%arg0: i32) -> (i32, i32) {
    %c0_i32 = arith.constant 0 : i32
    %c0_i32_0 = arith.constant 0 : i32
    return %arg0, %c0_i32 : i32, i32
  }
  func.func @transform_1(%arg0: i32) -> (i32, i32) {
    %c0_i32 = arith.constant 0 : i32
    %c0_i32_0 = arith.constant 0 : i32
    return %arg0, %c0_i32 : i32, i32
  }
  func.func @transform_2(%arg0: i32) -> (i32, i32) {
    %c0_i32 = arith.constant 0 : i32
    %c0_i32_0 = arith.constant 0 : i32
    %c0_i32_1 = arith.constant 0 : i32
    return %c0_i32, %c0_i32_0 : i32, i32
  }
  func.func @transform_3(%arg0: i32) -> (i32, i32) {
    %c0_i32 = arith.constant 0 : i32
    %c0_i32_0 = arith.constant 0 : i32
    %c0_i32_1 = arith.constant 0 : i32
    return %c0_i32, %c0_i32_0 : i32, i32
  }
  func.func @transform_4(%arg0: i32) -> (i32, i32) {
    %c0_i32 = arith.constant 0 : i32
    %c0_i32_0 = arith.constant 0 : i32
    return %arg0, %c0_i32 : i32, i32
  }
  func.func @transform_5(%arg0: i32) -> (i32, i32) {
    %c0_i32 = arith.constant 0 : i32
    %c0_i32_0 = arith.constant 0 : i32
    return %arg0, %c0_i32 : i32, i32
  }
}

module attributes {stable_mosaic.version = 14 : i64} {
  func.func @_stage3_body(%arg0: i32, %arg1: memref<16x200x128xf32, #tpu.memory_space<vmem>>, %arg2: memref<200x128xf32, #tpu.memory_space<vmem>>, %arg3: memref<128x128xf32, #tpu.memory_space<vmem>>, %arg4: memref<1x128xf32, #tpu.memory_space<vmem>>, %arg5: memref<1x128xf32, #tpu.memory_space<vmem>>, %arg6: memref<1x128xf32, #tpu.memory_space<vmem>>, %arg7: memref<200x128xf32, #tpu.memory_space<vmem>>) attributes {dimension_semantics = [#tpu.dimension_semantics<arbitrary>], iteration_bounds = array<i64: 50>, scalar_prefetch = 0 : i64, scratch_operands = 0 : i64, tpu.core_type = #tpu.core_type<tc>, window_params = [{transform_indices = @transform_0, window_bounds = array<i64: 16, 200, 128>}, {transform_indices = @transform_1, window_bounds = array<i64: 200, 128>}, {pipeline_mode = #tpu.pipeline_mode<synchronous>, transform_indices = @transform_2, window_bounds = array<i64: 128, 128>}, {pipeline_mode = #tpu.pipeline_mode<synchronous>, transform_indices = @transform_3, window_bounds = array<i64: 1, 128>}, {pipeline_mode = #tpu.pipeline_mode<synchronous>, transform_indices = @transform_4, window_bounds = array<i64: 1, 128>}, {pipeline_mode = #tpu.pipeline_mode<synchronous>, transform_indices = @transform_5, window_bounds = array<i64: 1, 128>}, {transform_indices = @transform_6, window_bounds = array<i64: 200, 128>}]} {
    %get3A = arith.constant 0 : index
    %get3A_0 = arith.constant 0 : index
    %get3A_1 = arith.constant 0 : index
    %get3A_2 = vector.load %arg1[%get3A, %get3A_0, %get3A_1] : memref<16x200x128xf32, #tpu.memory_space<vmem>>, vector<16x200x128xf32>
    %get3A_3 = arith.constant 0 : index
    %get3A_4 = arith.constant 0 : index
    %get3A_5 = vector.load %arg2[%get3A_3, %get3A_4] : memref<200x128xf32, #tpu.memory_space<vmem>>, vector<200x128xf32>
    %broadcast_in_dim3A = vector.shape_cast %get3A_5 : vector<200x128xf32> to vector<1x200x128xf32>
    %add3A = vector.broadcast %broadcast_in_dim3A : vector<1x200x128xf32> to vector<16x200x128xf32>
    %add3A_6 = arith.addf %get3A_2, %add3A : vector<16x200x128xf32>
    %jit3A = arith.constant -4.000000e+00 : f32
    %jit3A_7 = arith.constant 4.000000e+00 : f32
    %max3A = vector.broadcast %jit3A : f32 to vector<16x200x128xf32>
    %max3A_8 = arith.maximumf %max3A, %add3A_6 : vector<16x200x128xf32>
    %min3A = vector.broadcast %jit3A_7 : f32 to vector<16x200x128xf32>
    %min3A_9 = arith.minimumf %min3A, %max3A_8 : vector<16x200x128xf32>
    %mul3A = arith.mulf %min3A_9, %min3A_9 : vector<16x200x128xf32>
    %broadcast_in_dim3A_10 = arith.constant -4.52124283E-7 : f32
    %broadcast_in_dim3A_11 = vector.broadcast %broadcast_in_dim3A_10 : f32 to vector<16x200x128xf32>
    %mul3A_12 = arith.mulf %broadcast_in_dim3A_11, %mul3A : vector<16x200x128xf32>
    %add3A_13 = arith.constant 2.60048546E-5 : f32
    %add3A_14 = vector.broadcast %add3A_13 : f32 to vector<16x200x128xf32>
    %add3A_15 = arith.addf %mul3A_12, %add3A_14 : vector<16x200x128xf32>
    %mul3A_16 = arith.mulf %add3A_15, %mul3A : vector<16x200x128xf32>
    %add3A_17 = arith.constant -6.15576573E-4 : f32
    %add3A_18 = vector.broadcast %add3A_17 : f32 to vector<16x200x128xf32>
    %add3A_19 = arith.addf %mul3A_16, %add3A_18 : vector<16x200x128xf32>
    %mul3A_20 = arith.mulf %add3A_19, %mul3A : vector<16x200x128xf32>
    %add3A_21 = arith.constant 0.00792488455 : f32
    %add3A_22 = vector.broadcast %add3A_21 : f32 to vector<16x200x128xf32>
    %add3A_23 = arith.addf %mul3A_20, %add3A_22 : vector<16x200x128xf32>
    %mul3A_24 = arith.mulf %add3A_23, %mul3A : vector<16x200x128xf32>
    %add3A_25 = arith.constant -0.0631159097 : f32
    %add3A_26 = vector.broadcast %add3A_25 : f32 to vector<16x200x128xf32>
    %add3A_27 = arith.addf %mul3A_24, %add3A_26 : vector<16x200x128xf32>
    %mul3A_28 = arith.mulf %add3A_27, %mul3A : vector<16x200x128xf32>
    %add3A_29 = arith.constant 0.397310346 : f32
    %add3A_30 = vector.broadcast %add3A_29 : f32 to vector<16x200x128xf32>
    %add3A_31 = arith.addf %mul3A_28, %add3A_30 : vector<16x200x128xf32>
    %mul3A_32 = arith.mulf %add3A_31, %min3A_9 : vector<16x200x128xf32>
    %add3A_33 = arith.constant 5.000000e-01 : f32
    %add3A_34 = vector.broadcast %add3A_33 : f32 to vector<16x200x128xf32>
    %add3A_35 = arith.addf %mul3A_32, %add3A_34 : vector<16x200x128xf32>
    %mul3A_36 = arith.mulf %add3A_6, %add3A_35 : vector<16x200x128xf32>
    %reshape3A = vector.shape_cast %mul3A_36 : vector<16x200x128xf32> to vector<3200x128xf32>
    %get3A_37 = arith.constant 0 : index
    %get3A_38 = arith.constant 0 : index
    %get3A_39 = vector.load %arg3[%get3A_37, %get3A_38] : memref<128x128xf32, #tpu.memory_space<vmem>>, vector<128x128xf32>
    %dot_general3A = arith.constant dense<0.000000e+00> : vector<3200x128xf32>
    %dot_general3A_40 = tpu.matmul %reshape3A, %get3A_39, %dot_general3A {dimension_numbers = #tpu.dot_dimension_numbers<[1], [0], [0], [1], [0, 0, 1, 1], [], []>, transpose_lhs_hint = false} : vector<3200x128xf32>, vector<128x128xf32>, vector<3200x128xf32> -> vector<3200x128xf32>
    %reshape3A_41 = vector.shape_cast %dot_general3A_40 : vector<3200x128xf32> to vector<16x200x128xf32>
    %reduce_max3A = arith.constant dense<0xFF800000> : vector<200x128xf32>
    %reduce_max3A_42 = vector.multi_reduction <maximumf>, %reshape3A_41, %reduce_max3A [0] : vector<16x200x128xf32> to vector<200x128xf32>
    %get3A_43 = arith.constant 0 : index
    %get3A_44 = arith.constant 0 : index
    %get3A_45 = vector.load %arg4[%get3A_43, %get3A_44] : memref<1x128xf32, #tpu.memory_space<vmem>>, vector<1x128xf32>
    %add3A_46 = vector.broadcast %get3A_45 : vector<1x128xf32> to vector<200x128xf32>
    %add3A_47 = arith.addf %reduce_max3A_42, %add3A_46 : vector<200x128xf32>
    %reduce_min3A = arith.constant dense<0x7F800000> : vector<200x128xf32>
    %reduce_min3A_48 = vector.multi_reduction <minimumf>, %reshape3A_41, %reduce_min3A [0] : vector<16x200x128xf32> to vector<200x128xf32>
    %get3A_49 = arith.constant 0 : index
    %get3A_50 = arith.constant 0 : index
    %get3A_51 = vector.load %arg4[%get3A_49, %get3A_50] : memref<1x128xf32, #tpu.memory_space<vmem>>, vector<1x128xf32>
    %add3A_52 = vector.broadcast %get3A_51 : vector<1x128xf32> to vector<200x128xf32>
    %add3A_53 = arith.addf %reduce_min3A_48, %add3A_52 : vector<200x128xf32>
    %jit3A_54 = arith.constant -4.000000e+00 : f32
    %jit3A_55 = arith.constant 4.000000e+00 : f32
    %max3A_56 = vector.broadcast %jit3A_54 : f32 to vector<200x128xf32>
    %max3A_57 = arith.maximumf %max3A_56, %add3A_47 : vector<200x128xf32>
    %min3A_58 = vector.broadcast %jit3A_55 : f32 to vector<200x128xf32>
    %min3A_59 = arith.minimumf %min3A_58, %max3A_57 : vector<200x128xf32>
    %mul3A_60 = arith.mulf %min3A_59, %min3A_59 : vector<200x128xf32>
    %broadcast_in_dim3A_61 = arith.constant -4.52124283E-7 : f32
    %broadcast_in_dim3A_62 = vector.broadcast %broadcast_in_dim3A_61 : f32 to vector<200x128xf32>
    %mul3A_63 = arith.mulf %broadcast_in_dim3A_62, %mul3A_60 : vector<200x128xf32>
    %add3A_64 = arith.constant 2.60048546E-5 : f32
    %add3A_65 = vector.broadcast %add3A_64 : f32 to vector<200x128xf32>
    %add3A_66 = arith.addf %mul3A_63, %add3A_65 : vector<200x128xf32>
    %mul3A_67 = arith.mulf %add3A_66, %mul3A_60 : vector<200x128xf32>
    %add3A_68 = arith.constant -6.15576573E-4 : f32
    %add3A_69 = vector.broadcast %add3A_68 : f32 to vector<200x128xf32>
    %add3A_70 = arith.addf %mul3A_67, %add3A_69 : vector<200x128xf32>
    %mul3A_71 = arith.mulf %add3A_70, %mul3A_60 : vector<200x128xf32>
    %add3A_72 = arith.constant 0.00792488455 : f32
    %add3A_73 = vector.broadcast %add3A_72 : f32 to vector<200x128xf32>
    %add3A_74 = arith.addf %mul3A_71, %add3A_73 : vector<200x128xf32>
    %mul3A_75 = arith.mulf %add3A_74, %mul3A_60 : vector<200x128xf32>
    %add3A_76 = arith.constant -0.0631159097 : f32
    %add3A_77 = vector.broadcast %add3A_76 : f32 to vector<200x128xf32>
    %add3A_78 = arith.addf %mul3A_75, %add3A_77 : vector<200x128xf32>
    %mul3A_79 = arith.mulf %add3A_78, %mul3A_60 : vector<200x128xf32>
    %add3A_80 = arith.constant 0.397310346 : f32
    %add3A_81 = vector.broadcast %add3A_80 : f32 to vector<200x128xf32>
    %add3A_82 = arith.addf %mul3A_79, %add3A_81 : vector<200x128xf32>
    %mul3A_83 = arith.mulf %add3A_82, %min3A_59 : vector<200x128xf32>
    %add3A_84 = arith.constant 5.000000e-01 : f32
    %add3A_85 = vector.broadcast %add3A_84 : f32 to vector<200x128xf32>
    %add3A_86 = arith.addf %mul3A_83, %add3A_85 : vector<200x128xf32>
    %mul3A_87 = arith.mulf %add3A_47, %add3A_86 : vector<200x128xf32>
    %jit3A_88 = arith.constant -4.000000e+00 : f32
    %jit3A_89 = arith.constant 4.000000e+00 : f32
    %max3A_90 = vector.broadcast %jit3A_88 : f32 to vector<200x128xf32>
    %max3A_91 = arith.maximumf %max3A_90, %add3A_53 : vector<200x128xf32>
    %min3A_92 = vector.broadcast %jit3A_89 : f32 to vector<200x128xf32>
    %min3A_93 = arith.minimumf %min3A_92, %max3A_91 : vector<200x128xf32>
    %mul3A_94 = arith.mulf %min3A_93, %min3A_93 : vector<200x128xf32>
    %broadcast_in_dim3A_95 = arith.constant -4.52124283E-7 : f32
    %broadcast_in_dim3A_96 = vector.broadcast %broadcast_in_dim3A_95 : f32 to vector<200x128xf32>
    %mul3A_97 = arith.mulf %broadcast_in_dim3A_96, %mul3A_94 : vector<200x128xf32>
    %add3A_98 = arith.constant 2.60048546E-5 : f32
    %add3A_99 = vector.broadcast %add3A_98 : f32 to vector<200x128xf32>
    %add3A_100 = arith.addf %mul3A_97, %add3A_99 : vector<200x128xf32>
    %mul3A_101 = arith.mulf %add3A_100, %mul3A_94 : vector<200x128xf32>
    %add3A_102 = arith.constant -6.15576573E-4 : f32
    %add3A_103 = vector.broadcast %add3A_102 : f32 to vector<200x128xf32>
    %add3A_104 = arith.addf %mul3A_101, %add3A_103 : vector<200x128xf32>
    %mul3A_105 = arith.mulf %add3A_104, %mul3A_94 : vector<200x128xf32>
    %add3A_106 = arith.constant 0.00792488455 : f32
    %add3A_107 = vector.broadcast %add3A_106 : f32 to vector<200x128xf32>
    %add3A_108 = arith.addf %mul3A_105, %add3A_107 : vector<200x128xf32>
    %mul3A_109 = arith.mulf %add3A_108, %mul3A_94 : vector<200x128xf32>
    %add3A_110 = arith.constant -0.0631159097 : f32
    %add3A_111 = vector.broadcast %add3A_110 : f32 to vector<200x128xf32>
    %add3A_112 = arith.addf %mul3A_109, %add3A_111 : vector<200x128xf32>
    %mul3A_113 = arith.mulf %add3A_112, %mul3A_94 : vector<200x128xf32>
    %add3A_114 = arith.constant 0.397310346 : f32
    %add3A_115 = vector.broadcast %add3A_114 : f32 to vector<200x128xf32>
    %add3A_116 = arith.addf %mul3A_113, %add3A_115 : vector<200x128xf32>
    %mul3A_117 = arith.mulf %add3A_116, %min3A_93 : vector<200x128xf32>
    %add3A_118 = arith.constant 5.000000e-01 : f32
    %add3A_119 = vector.broadcast %add3A_118 : f32 to vector<200x128xf32>
    %add3A_120 = arith.addf %mul3A_117, %add3A_119 : vector<200x128xf32>
    %mul3A_121 = arith.mulf %add3A_53, %add3A_120 : vector<200x128xf32>
    %max3A_122 = arith.maximumf %mul3A_87, %mul3A_121 : vector<200x128xf32>
    %reduce_sum3A = arith.constant dense<0.000000e+00> : vector<200xf32>
    %reduce_sum3A_123 = vector.multi_reduction <add>, %max3A_122, %reduce_sum3A [1] : vector<200x128xf32> to vector<200xf32>
    %broadcast_in_dim3A_124 = vector.shape_cast %reduce_sum3A_123 : vector<200xf32> to vector<200x1xf32>
    %div3A = arith.constant 1.280000e+02 : f32
    %div3A_125 = vector.broadcast %div3A : f32 to vector<200x1xf32>
    %div3A_126 = arith.divf %broadcast_in_dim3A_124, %div3A_125 : vector<200x1xf32>
    %sub3A = vector.broadcast %div3A_126 : vector<200x1xf32> to vector<200x128xf32>
    %sub3A_127 = arith.subf %max3A_122, %sub3A : vector<200x128xf32>
    %integer_pow3A = arith.mulf %sub3A_127, %sub3A_127 : vector<200x128xf32>
    %reduce_sum3A_128 = arith.constant dense<0.000000e+00> : vector<200xf32>
    %reduce_sum3A_129 = vector.multi_reduction <add>, %integer_pow3A, %reduce_sum3A_128 [1] : vector<200x128xf32> to vector<200xf32>
    %broadcast_in_dim3A_130 = vector.shape_cast %reduce_sum3A_129 : vector<200xf32> to vector<200x1xf32>
    %div3A_131 = arith.constant 1.280000e+02 : f32
    %div3A_132 = vector.broadcast %div3A_131 : f32 to vector<200x1xf32>
    %div3A_133 = arith.divf %broadcast_in_dim3A_130, %div3A_132 : vector<200x1xf32>
    %sub3A_134 = vector.broadcast %div3A_126 : vector<200x1xf32> to vector<200x128xf32>
    %sub3A_135 = arith.subf %max3A_122, %sub3A_134 : vector<200x128xf32>
    %add3A_136 = arith.constant 9.99999974E-6 : f32
    %add3A_137 = vector.broadcast %add3A_136 : f32 to vector<200x1xf32>
    %add3A_138 = arith.addf %div3A_133, %add3A_137 : vector<200x1xf32>
    %rsqrt3A = math.rsqrt %add3A_138 : vector<200x1xf32>
    %mul3A_139 = vector.broadcast %rsqrt3A : vector<200x1xf32> to vector<200x128xf32>
    %mul3A_140 = arith.mulf %sub3A_135, %mul3A_139 : vector<200x128xf32>
    %get3A_141 = arith.constant 0 : index
    %get3A_142 = arith.constant 0 : index
    %get3A_143 = vector.load %arg5[%get3A_141, %get3A_142] : memref<1x128xf32, #tpu.memory_space<vmem>>, vector<1x128xf32>
    %mul3A_144 = vector.broadcast %get3A_143 : vector<1x128xf32> to vector<200x128xf32>
    %mul3A_145 = arith.mulf %mul3A_140, %mul3A_144 : vector<200x128xf32>
    %get3A_146 = arith.constant 0 : index
    %get3A_147 = arith.constant 0 : index
    %get3A_148 = vector.load %arg6[%get3A_146, %get3A_147] : memref<1x128xf32, #tpu.memory_space<vmem>>, vector<1x128xf32>
    %add3A_149 = vector.broadcast %get3A_148 : vector<1x128xf32> to vector<200x128xf32>
    %add3A_150 = arith.addf %mul3A_145, %add3A_149 : vector<200x128xf32>
    %swap3A = arith.constant 0 : index
    %swap3A_151 = arith.constant 0 : index
    %swap3A_152 = vector.load %arg7[%swap3A, %swap3A_151] : memref<200x128xf32, #tpu.memory_space<vmem>>, vector<200x128xf32>
    tpu.vector_store %arg7[%swap3A, %swap3A_151], %add3A_150 {strides = array<i32>} : memref<200x128xf32, #tpu.memory_space<vmem>>, vector<200x128xf32>,
    return
  }
  func.func @transform_0(%arg0: i32) -> (i32, i32, i32) {
    %c0_i32 = arith.constant 0 : i32
    %c0_i32_0 = arith.constant 0 : i32
    %c0_i32_1 = arith.constant 0 : i32
    return %c0_i32, %arg0, %c0_i32_0 : i32, i32, i32
  }
  func.func @transform_1(%arg0: i32) -> (i32, i32) {
    %add3A = arith.constant 50 : i32
    %add3A_0 = arith.addi %arg0, %add3A : i32
    %c0_i32 = arith.constant 0 : i32
    %c0_i32_1 = arith.constant 0 : i32
    return %add3A_0, %c0_i32 : i32, i32
  }
  func.func @transform_2(%arg0: i32) -> (i32, i32) {
    %c0_i32 = arith.constant 0 : i32
    %c0_i32_0 = arith.constant 0 : i32
    %c0_i32_1 = arith.constant 0 : i32
    return %c0_i32, %c0_i32_0 : i32, i32
  }
  func.func @transform_3(%arg0: i32) -> (i32, i32) {
    %c0_i32 = arith.constant 0 : i32
    %c0_i32_0 = arith.constant 0 : i32
    %c0_i32_1 = arith.constant 0 : i32
    return %c0_i32, %c0_i32_0 : i32, i32
  }
  func.func @transform_4(%arg0: i32) -> (i32, i32) {
    %c0_i32 = arith.constant 0 : i32
    %c0_i32_0 = arith.constant 0 : i32
    %c0_i32_1 = arith.constant 0 : i32
    return %c0_i32, %c0_i32_0 : i32, i32
  }
  func.func @transform_5(%arg0: i32) -> (i32, i32) {
    %c0_i32 = arith.constant 0 : i32
    %c0_i32_0 = arith.constant 0 : i32
    %c0_i32_1 = arith.constant 0 : i32
    return %c0_i32, %c0_i32_0 : i32, i32
  }
  func.func @transform_6(%arg0: i32) -> (i32, i32) {
    %c0_i32 = arith.constant 0 : i32
    %c0_i32_0 = arith.constant 0 : i32
    return %arg0, %c0_i32 : i32, i32
  }
}

module attributes {stable_mosaic.version = 14 : i64} {
  func.func @_stage3_body(%arg0: i32, %arg1: memref<16x200x128xf32, #tpu.memory_space<vmem>>, %arg2: memref<200x128xf32, #tpu.memory_space<vmem>>, %arg3: memref<128x128xf32, #tpu.memory_space<vmem>>, %arg4: memref<1x128xf32, #tpu.memory_space<vmem>>, %arg5: memref<1x128xf32, #tpu.memory_space<vmem>>, %arg6: memref<1x128xf32, #tpu.memory_space<vmem>>, %arg7: memref<200x128xf32, #tpu.memory_space<vmem>>) attributes {dimension_semantics = [#tpu.dimension_semantics<arbitrary>], iteration_bounds = array<i64: 50>, scalar_prefetch = 0 : i64, scratch_operands = 0 : i64, tpu.core_type = #tpu.core_type<tc>, window_params = [{transform_indices = @transform_0, window_bounds = array<i64: 16, 200, 128>}, {transform_indices = @transform_1, window_bounds = array<i64: 200, 128>}, {pipeline_mode = #tpu.pipeline_mode<synchronous>, transform_indices = @transform_2, window_bounds = array<i64: 128, 128>}, {pipeline_mode = #tpu.pipeline_mode<synchronous>, transform_indices = @transform_3, window_bounds = array<i64: 1, 128>}, {pipeline_mode = #tpu.pipeline_mode<synchronous>, transform_indices = @transform_4, window_bounds = array<i64: 1, 128>}, {pipeline_mode = #tpu.pipeline_mode<synchronous>, transform_indices = @transform_5, window_bounds = array<i64: 1, 128>}, {transform_indices = @transform_6, window_bounds = array<i64: 200, 128>}]} {
    %get3A = arith.constant 0 : index
    %get3A_0 = arith.constant 0 : index
    %get3A_1 = arith.constant 0 : index
    %get3A_2 = vector.load %arg1[%get3A, %get3A_0, %get3A_1] : memref<16x200x128xf32, #tpu.memory_space<vmem>>, vector<16x200x128xf32>
    %get3A_3 = arith.constant 0 : index
    %get3A_4 = arith.constant 0 : index
    %get3A_5 = vector.load %arg2[%get3A_3, %get3A_4] : memref<200x128xf32, #tpu.memory_space<vmem>>, vector<200x128xf32>
    %broadcast_in_dim3A = vector.shape_cast %get3A_5 : vector<200x128xf32> to vector<1x200x128xf32>
    %add3A = vector.broadcast %broadcast_in_dim3A : vector<1x200x128xf32> to vector<16x200x128xf32>
    %add3A_6 = arith.addf %get3A_2, %add3A : vector<16x200x128xf32>
    %jit3A = arith.constant -4.000000e+00 : f32
    %jit3A_7 = arith.constant 4.000000e+00 : f32
    %max3A = vector.broadcast %jit3A : f32 to vector<16x200x128xf32>
    %max3A_8 = arith.maximumf %max3A, %add3A_6 : vector<16x200x128xf32>
    %min3A = vector.broadcast %jit3A_7 : f32 to vector<16x200x128xf32>
    %min3A_9 = arith.minimumf %min3A, %max3A_8 : vector<16x200x128xf32>
    %mul3A = arith.mulf %min3A_9, %min3A_9 : vector<16x200x128xf32>
    %broadcast_in_dim3A_10 = arith.constant -4.52124283E-7 : f32
    %broadcast_in_dim3A_11 = vector.broadcast %broadcast_in_dim3A_10 : f32 to vector<16x200x128xf32>
    %mul3A_12 = arith.mulf %broadcast_in_dim3A_11, %mul3A : vector<16x200x128xf32>
    %add3A_13 = arith.constant 2.60048546E-5 : f32
    %add3A_14 = vector.broadcast %add3A_13 : f32 to vector<16x200x128xf32>
    %add3A_15 = arith.addf %mul3A_12, %add3A_14 : vector<16x200x128xf32>
    %mul3A_16 = arith.mulf %add3A_15, %mul3A : vector<16x200x128xf32>
    %add3A_17 = arith.constant -6.15576573E-4 : f32
    %add3A_18 = vector.broadcast %add3A_17 : f32 to vector<16x200x128xf32>
    %add3A_19 = arith.addf %mul3A_16, %add3A_18 : vector<16x200x128xf32>
    %mul3A_20 = arith.mulf %add3A_19, %mul3A : vector<16x200x128xf32>
    %add3A_21 = arith.constant 0.00792488455 : f32
    %add3A_22 = vector.broadcast %add3A_21 : f32 to vector<16x200x128xf32>
    %add3A_23 = arith.addf %mul3A_20, %add3A_22 : vector<16x200x128xf32>
    %mul3A_24 = arith.mulf %add3A_23, %mul3A : vector<16x200x128xf32>
    %add3A_25 = arith.constant -0.0631159097 : f32
    %add3A_26 = vector.broadcast %add3A_25 : f32 to vector<16x200x128xf32>
    %add3A_27 = arith.addf %mul3A_24, %add3A_26 : vector<16x200x128xf32>
    %mul3A_28 = arith.mulf %add3A_27, %mul3A : vector<16x200x128xf32>
    %add3A_29 = arith.constant 0.397310346 : f32
    %add3A_30 = vector.broadcast %add3A_29 : f32 to vector<16x200x128xf32>
    %add3A_31 = arith.addf %mul3A_28, %add3A_30 : vector<16x200x128xf32>
    %mul3A_32 = arith.mulf %add3A_31, %min3A_9 : vector<16x200x128xf32>
    %add3A_33 = arith.constant 5.000000e-01 : f32
    %add3A_34 = vector.broadcast %add3A_33 : f32 to vector<16x200x128xf32>
    %add3A_35 = arith.addf %mul3A_32, %add3A_34 : vector<16x200x128xf32>
    %mul3A_36 = arith.mulf %add3A_6, %add3A_35 : vector<16x200x128xf32>
    %reshape3A = vector.shape_cast %mul3A_36 : vector<16x200x128xf32> to vector<3200x128xf32>
    %get3A_37 = arith.constant 0 : index
    %get3A_38 = arith.constant 0 : index
    %get3A_39 = vector.load %arg3[%get3A_37, %get3A_38] : memref<128x128xf32, #tpu.memory_space<vmem>>, vector<128x128xf32>
    %dot_general3A = arith.constant dense<0.000000e+00> : vector<3200x128xf32>
    %dot_general3A_40 = tpu.matmul %reshape3A, %get3A_39, %dot_general3A {dimension_numbers = #tpu.dot_dimension_numbers<[1], [0], [0], [1], [0, 0, 1, 1], [], []>, transpose_lhs_hint = false} : vector<3200x128xf32>, vector<128x128xf32>, vector<3200x128xf32> -> vector<3200x128xf32>
    %reshape3A_41 = vector.shape_cast %dot_general3A_40 : vector<3200x128xf32> to vector<16x200x128xf32>
    %reduce_max3A = arith.constant dense<0xFF800000> : vector<200x128xf32>
    %reduce_max3A_42 = vector.multi_reduction <maximumf>, %reshape3A_41, %reduce_max3A [0] : vector<16x200x128xf32> to vector<200x128xf32>
    %get3A_43 = arith.constant 0 : index
    %get3A_44 = arith.constant 0 : index
    %get3A_45 = vector.load %arg4[%get3A_43, %get3A_44] : memref<1x128xf32, #tpu.memory_space<vmem>>, vector<1x128xf32>
    %add3A_46 = vector.broadcast %get3A_45 : vector<1x128xf32> to vector<200x128xf32>
    %add3A_47 = arith.addf %reduce_max3A_42, %add3A_46 : vector<200x128xf32>
    %reduce_min3A = arith.constant dense<0x7F800000> : vector<200x128xf32>
    %reduce_min3A_48 = vector.multi_reduction <minimumf>, %reshape3A_41, %reduce_min3A [0] : vector<16x200x128xf32> to vector<200x128xf32>
    %get3A_49 = arith.constant 0 : index
    %get3A_50 = arith.constant 0 : index
    %get3A_51 = vector.load %arg4[%get3A_49, %get3A_50] : memref<1x128xf32, #tpu.memory_space<vmem>>, vector<1x128xf32>
    %add3A_52 = vector.broadcast %get3A_51 : vector<1x128xf32> to vector<200x128xf32>
    %add3A_53 = arith.addf %reduce_min3A_48, %add3A_52 : vector<200x128xf32>
    %jit3A_54 = arith.constant -4.000000e+00 : f32
    %jit3A_55 = arith.constant 4.000000e+00 : f32
    %max3A_56 = vector.broadcast %jit3A_54 : f32 to vector<200x128xf32>
    %max3A_57 = arith.maximumf %max3A_56, %add3A_47 : vector<200x128xf32>
    %min3A_58 = vector.broadcast %jit3A_55 : f32 to vector<200x128xf32>
    %min3A_59 = arith.minimumf %min3A_58, %max3A_57 : vector<200x128xf32>
    %mul3A_60 = arith.mulf %min3A_59, %min3A_59 : vector<200x128xf32>
    %broadcast_in_dim3A_61 = arith.constant -4.52124283E-7 : f32
    %broadcast_in_dim3A_62 = vector.broadcast %broadcast_in_dim3A_61 : f32 to vector<200x128xf32>
    %mul3A_63 = arith.mulf %broadcast_in_dim3A_62, %mul3A_60 : vector<200x128xf32>
    %add3A_64 = arith.constant 2.60048546E-5 : f32
    %add3A_65 = vector.broadcast %add3A_64 : f32 to vector<200x128xf32>
    %add3A_66 = arith.addf %mul3A_63, %add3A_65 : vector<200x128xf32>
    %mul3A_67 = arith.mulf %add3A_66, %mul3A_60 : vector<200x128xf32>
    %add3A_68 = arith.constant -6.15576573E-4 : f32
    %add3A_69 = vector.broadcast %add3A_68 : f32 to vector<200x128xf32>
    %add3A_70 = arith.addf %mul3A_67, %add3A_69 : vector<200x128xf32>
    %mul3A_71 = arith.mulf %add3A_70, %mul3A_60 : vector<200x128xf32>
    %add3A_72 = arith.constant 0.00792488455 : f32
    %add3A_73 = vector.broadcast %add3A_72 : f32 to vector<200x128xf32>
    %add3A_74 = arith.addf %mul3A_71, %add3A_73 : vector<200x128xf32>
    %mul3A_75 = arith.mulf %add3A_74, %mul3A_60 : vector<200x128xf32>
    %add3A_76 = arith.constant -0.0631159097 : f32
    %add3A_77 = vector.broadcast %add3A_76 : f32 to vector<200x128xf32>
    %add3A_78 = arith.addf %mul3A_75, %add3A_77 : vector<200x128xf32>
    %mul3A_79 = arith.mulf %add3A_78, %mul3A_60 : vector<200x128xf32>
    %add3A_80 = arith.constant 0.397310346 : f32
    %add3A_81 = vector.broadcast %add3A_80 : f32 to vector<200x128xf32>
    %add3A_82 = arith.addf %mul3A_79, %add3A_81 : vector<200x128xf32>
    %mul3A_83 = arith.mulf %add3A_82, %min3A_59 : vector<200x128xf32>
    %add3A_84 = arith.constant 5.000000e-01 : f32
    %add3A_85 = vector.broadcast %add3A_84 : f32 to vector<200x128xf32>
    %add3A_86 = arith.addf %mul3A_83, %add3A_85 : vector<200x128xf32>
    %mul3A_87 = arith.mulf %add3A_47, %add3A_86 : vector<200x128xf32>
    %jit3A_88 = arith.constant -4.000000e+00 : f32
    %jit3A_89 = arith.constant 4.000000e+00 : f32
    %max3A_90 = vector.broadcast %jit3A_88 : f32 to vector<200x128xf32>
    %max3A_91 = arith.maximumf %max3A_90, %add3A_53 : vector<200x128xf32>
    %min3A_92 = vector.broadcast %jit3A_89 : f32 to vector<200x128xf32>
    %min3A_93 = arith.minimumf %min3A_92, %max3A_91 : vector<200x128xf32>
    %mul3A_94 = arith.mulf %min3A_93, %min3A_93 : vector<200x128xf32>
    %broadcast_in_dim3A_95 = arith.constant -4.52124283E-7 : f32
    %broadcast_in_dim3A_96 = vector.broadcast %broadcast_in_dim3A_95 : f32 to vector<200x128xf32>
    %mul3A_97 = arith.mulf %broadcast_in_dim3A_96, %mul3A_94 : vector<200x128xf32>
    %add3A_98 = arith.constant 2.60048546E-5 : f32
    %add3A_99 = vector.broadcast %add3A_98 : f32 to vector<200x128xf32>
    %add3A_100 = arith.addf %mul3A_97, %add3A_99 : vector<200x128xf32>
    %mul3A_101 = arith.mulf %add3A_100, %mul3A_94 : vector<200x128xf32>
    %add3A_102 = arith.constant -6.15576573E-4 : f32
    %add3A_103 = vector.broadcast %add3A_102 : f32 to vector<200x128xf32>
    %add3A_104 = arith.addf %mul3A_101, %add3A_103 : vector<200x128xf32>
    %mul3A_105 = arith.mulf %add3A_104, %mul3A_94 : vector<200x128xf32>
    %add3A_106 = arith.constant 0.00792488455 : f32
    %add3A_107 = vector.broadcast %add3A_106 : f32 to vector<200x128xf32>
    %add3A_108 = arith.addf %mul3A_105, %add3A_107 : vector<200x128xf32>
    %mul3A_109 = arith.mulf %add3A_108, %mul3A_94 : vector<200x128xf32>
    %add3A_110 = arith.constant -0.0631159097 : f32
    %add3A_111 = vector.broadcast %add3A_110 : f32 to vector<200x128xf32>
    %add3A_112 = arith.addf %mul3A_109, %add3A_111 : vector<200x128xf32>
    %mul3A_113 = arith.mulf %add3A_112, %mul3A_94 : vector<200x128xf32>
    %add3A_114 = arith.constant 0.397310346 : f32
    %add3A_115 = vector.broadcast %add3A_114 : f32 to vector<200x128xf32>
    %add3A_116 = arith.addf %mul3A_113, %add3A_115 : vector<200x128xf32>
    %mul3A_117 = arith.mulf %add3A_116, %min3A_93 : vector<200x128xf32>
    %add3A_118 = arith.constant 5.000000e-01 : f32
    %add3A_119 = vector.broadcast %add3A_118 : f32 to vector<200x128xf32>
    %add3A_120 = arith.addf %mul3A_117, %add3A_119 : vector<200x128xf32>
    %mul3A_121 = arith.mulf %add3A_53, %add3A_120 : vector<200x128xf32>
    %max3A_122 = arith.maximumf %mul3A_87, %mul3A_121 : vector<200x128xf32>
    %reduce_sum3A = arith.constant dense<0.000000e+00> : vector<200xf32>
    %reduce_sum3A_123 = vector.multi_reduction <add>, %max3A_122, %reduce_sum3A [1] : vector<200x128xf32> to vector<200xf32>
    %broadcast_in_dim3A_124 = vector.shape_cast %reduce_sum3A_123 : vector<200xf32> to vector<200x1xf32>
    %div3A = arith.constant 1.280000e+02 : f32
    %div3A_125 = vector.broadcast %div3A : f32 to vector<200x1xf32>
    %div3A_126 = arith.divf %broadcast_in_dim3A_124, %div3A_125 : vector<200x1xf32>
    %sub3A = vector.broadcast %div3A_126 : vector<200x1xf32> to vector<200x128xf32>
    %sub3A_127 = arith.subf %max3A_122, %sub3A : vector<200x128xf32>
    %integer_pow3A = arith.mulf %sub3A_127, %sub3A_127 : vector<200x128xf32>
    %reduce_sum3A_128 = arith.constant dense<0.000000e+00> : vector<200xf32>
    %reduce_sum3A_129 = vector.multi_reduction <add>, %integer_pow3A, %reduce_sum3A_128 [1] : vector<200x128xf32> to vector<200xf32>
    %broadcast_in_dim3A_130 = vector.shape_cast %reduce_sum3A_129 : vector<200xf32> to vector<200x1xf32>
    %div3A_131 = arith.constant 1.280000e+02 : f32
    %div3A_132 = vector.broadcast %div3A_131 : f32 to vector<200x1xf32>
    %div3A_133 = arith.divf %broadcast_in_dim3A_130, %div3A_132 : vector<200x1xf32>
    %sub3A_134 = vector.broadcast %div3A_126 : vector<200x1xf32> to vector<200x128xf32>
    %sub3A_135 = arith.subf %max3A_122, %sub3A_134 : vector<200x128xf32>
    %add3A_136 = arith.constant 9.99999974E-6 : f32
    %add3A_137 = vector.broadcast %add3A_136 : f32 to vector<200x1xf32>
    %add3A_138 = arith.addf %div3A_133, %add3A_137 : vector<200x1xf32>
    %rsqrt3A = math.rsqrt %add3A_138 : vector<200x1xf32>
    %mul3A_139 = vector.broadcast %rsqrt3A : vector<200x1xf32> to vector<200x128xf32>
    %mul3A_140 = arith.mulf %sub3A_135, %mul3A_139 : vector<200x128xf32>
    %get3A_141 = arith.constant 0 : index
    %get3A_142 = arith.constant 0 : index
    %get3A_143 = vector.load %arg5[%get3A_141, %get3A_142] : memref<1x128xf32, #tpu.memory_space<vmem>>, vector<1x128xf32>
    %mul3A_144 = vector.broadcast %get3A_143 : vector<1x128xf32> to vector<200x128xf32>
    %mul3A_145 = arith.mulf %mul3A_140, %mul3A_144 : vector<200x128xf32>
    %get3A_146 = arith.constant 0 : index
    %get3A_147 = arith.constant 0 : index
    %get3A_148 = vector.load %arg6[%get3A_146, %get3A_147] : memref<1x128xf32, #tpu.memory_space<vmem>>, vector<1x128xf32>
    %add3A_149 = vector.broadcast %get3A_148 : vector<1x128xf32> to vector<200x128xf32>
    %add3A_150 = arith.addf %mul3A_145, %add3A_149 : vector<200x128xf32>
    %swap3A = arith.constant 0 : index
    %swap3A_151 = arith.constant 0 : index
    %swap3A_152 = vector.load %arg7[%swap3A, %swap3A_151] : memref<200x128xf32, #tpu.memory_space<vmem>>, vector<200x128xf32>
    tpu.vector_store %arg7[%swap3A, %swap3A_151], %add3A_150 {strides = array<i32>} : memref<200x128xf32, #tpu.memory_space<vmem>>, vector<200x128xf32>,
    return
  }
  func.func @transform_0(%arg0: i32) -> (i32, i32, i32) {
    %c0_i32 = arith.constant 0 : i32
    %c0_i32_0 = arith.constant 0 : i32
    %c0_i32_1 = arith.constant 0 : i32
    return %c0_i32, %arg0, %c0_i32_0 : i32, i32, i32
  }
  func.func @transform_1(%arg0: i32) -> (i32, i32) {
    %add3A = arith.constant 0 : i32
    %add3A_0 = arith.addi %arg0, %add3A : i32
    %c0_i32 = arith.constant 0 : i32
    %c0_i32_1 = arith.constant 0 : i32
    return %add3A_0, %c0_i32 : i32, i32
  }
  func.func @transform_2(%arg0: i32) -> (i32, i32) {
    %c0_i32 = arith.constant 0 : i32
    %c0_i32_0 = arith.constant 0 : i32
    %c0_i32_1 = arith.constant 0 : i32
    return %c0_i32, %c0_i32_0 : i32, i32
  }
  func.func @transform_3(%arg0: i32) -> (i32, i32) {
    %c0_i32 = arith.constant 0 : i32
    %c0_i32_0 = arith.constant 0 : i32
    %c0_i32_1 = arith.constant 0 : i32
    return %c0_i32, %c0_i32_0 : i32, i32
  }
  func.func @transform_4(%arg0: i32) -> (i32, i32) {
    %c0_i32 = arith.constant 0 : i32
    %c0_i32_0 = arith.constant 0 : i32
    %c0_i32_1 = arith.constant 0 : i32
    return %c0_i32, %c0_i32_0 : i32, i32
  }
  func.func @transform_5(%arg0: i32) -> (i32, i32) {
    %c0_i32 = arith.constant 0 : i32
    %c0_i32_0 = arith.constant 0 : i32
    %c0_i32_1 = arith.constant 0 : i32
    return %c0_i32, %c0_i32_0 : i32, i32
  }
  func.func @transform_6(%arg0: i32) -> (i32, i32) {
    %c0_i32 = arith.constant 0 : i32
    %c0_i32_0 = arith.constant 0 : i32
    return %arg0, %c0_i32 : i32, i32
  }
}

</mosaic_0001>

<sc_bundles>
// kernel: kernel.10.cloned.1.call-start
scs
__scs_entry_jumppad:
0x0: {  	(pc) =	sbr.rel $0x88, $3  }
0x1: {  	(tag) =	ssettag $0x0;
	lr =	simm.s32 $0x1  }
0x2: {  	[smem:$0x3F98] =	sst lr;
	_ =	strace $0xD0000000  }
0x3: {  	_ = 	snop  }
0x4: {  	_ = 	snop  }
0x5: {  	_ = 	snop  }
0x6: {  	_ = 	snop  }
0x7: {  	_ = 	snop  }
__scs_overlays_trampoline_lowered:
0x8: {  	[smem:$0x3FA7] =	sst s0  }
0x9: {  	[smem:$0x3FA8] =	sst s1  }
0xa: {  	[smem:$0x3FA9] =	sst s2  }
0xb: {  	[smem:$0x3FAA] =	sst s3  }
0xc: {  	[smem:$0x3FAB] =	sst s4  }
0xd: {  	[smem:$0x3FAC] =	sst s5  }
0xe: {  	[smem:$0x3FAD] =	sst s6  }
0xf: {  	[smem:$0x3FAE] =	sst s7  }
0x10: {  	[smem:$0x3FAF] =	sst s8  }
0x11: {  	[smem:$0x3FB0] =	sst s9;
	s0 =	simm.s32 @!p0 $0x0  }
0x12: {  	s1 =	sld [smem:$0x3F96];
	s0 =	simm.s32 @p0 $0x1  }
0x13: {  	[smem:$0x3FB1] =	sst s0;
	s0 =	simm.s32 @!p1 $0x0  }
0x14: {  	s2 =	sld [smem:$0x3F95];
	s0 =	simm.s32 @p1 $0x1  }
0x15: {  	[smem:$0x3FB2] =	sst s0;
	s0 =	simm.s32 @!p2 $0x0  }
0x16: {  	s3 =	sld [smem:$0x3FDB];
	s0 =	simm.s32 @p2 $0x1  }
0x17: {  	s4 =	simm.s32 $0x1BF5;
	[smem:$0x3FB4] =	sst s0  }
0x18: {  	s0 =	sld [smem:$0x3F97];
	_ =	swait.ge [sflag:s4], $0x0  }
0x19: {  	s7 =	sld [smem:$0x3F98]  }
0x1a: {  	s8 =	sadd.s32 $0xFFFFE003, lr  }
0x1b: {  	s9 =	sadd.s32 $0xFFFFFEF7, lr;
	s5 =	simm.s32 $0xFFFFFFFF;
	p2 =	slt.u32 s8, $0xFFFFF086  }
0x1c: {  	p1 =	slt.u32 s9, $0xF7A;
	s5 =	simm.s32 @!p2 $0x0  }
0x1d: {  	s5 =	simm.s32 @p1 $0x1;
	p0 =	seq.s32 s7, s2  }
0x1e: {  	s7 =	smul.u32 @!p0 $0xF7A, s2;
	p2 =	seq.s32 @!p0 s5, $0x0  }
0x1f: {  	s9 =	smul.u32 $0xF7A, s1;
	s8 =	simm.s32 @!p0 $0x1BF5;
	p2 =	por !p2, p0  }
0x20: {  	[sflag:s8] =	ssyncset.s32 @!p0 $0xFFFFF086;
	s6 =	sadd.s32 @!p0 s3, s7;
	s7 =	simm.s32 @!p0 $0x108  }
0x21: {  	s3 =	sadd.s32 s3, s9;
	s6 =	sadd.s32 @!p0 $0x88, s6;
	s7 =	simm.s32 @p2 $0x1082  }
0x22: {  	[simem:s7], [sflag:s8] =	dma.local @!p0 [hbm:s6], $0xF7A  }
0x23: {  	s9 =	sor.u32 $0xD0000000, s2;
	s6 =	simm.s32 $0x108;
	_ =	swait.ge @!p0 [sflag:s8], $0x0  }
0x24: {  	s3 =	sadd.s32 $0x88, s3;
	s6 =	simm.s32 @!p1 $0x1082;
	[sflag:s4] =	ssyncset.s32 $0xFFFFF086  }
0x25: {  	[simem:s6], [sflag:s4] =	dma.local [hbm:s3], $0xF7A  }
0x26: {  	[smem:$0x3F98] =	sst s1;
	(tag) =	ssettag s2;
	_ =	strace s9  }
0x27: {  	s1 =	sld [smem:$0x3FA8]  }
0x28: {  	s2 =	sld [smem:$0x3FA9]  }
0x29: {  	s4 =	sld [smem:$0x3FAB]  }
0x2a: {  	p0 =	seq.s32 s5, $0x0;
	s5 =	sld [smem:$0x3FAC]  }
0x2b: {  	s6 =	sld [smem:$0x3FAD]  }
0x2c: {  	s7 =	sld [smem:$0x3FAE]  }
0x2d: {  	s3 =	simm.s32 $0x108;
	s8 =	sld [smem:$0x3FAF]  }
0x2e: {  	s3 =	simm.s32 @!p0 $0x1082;
	s9 =	sld [smem:$0x3FB0]  }
0x2f: {  	lr =	sadd.s32 s0, s3;
	s0 =	sld [smem:$0x3FA7]  }
0x30: {  	s3 =	sld [smem:$0x3FAA]  }
0x31: {  	[smem:$0x3FB3] =	sst s10  }
0x32: {  	s10 =	sld [smem:$0x3FB1];
	_ =	sdelay $0x3  }
0x33: {  	p0 =	seq.s32 s10, $0x1;
	s10 =	sld [smem:$0x3FB3];
	_ =	sdelay $0x3  }
0x34: {  	[smem:$0x3FB3] =	sst s10  }
0x35: {  	s10 =	sld [smem:$0x3FB2];
	_ =	sdelay $0x3  }
0x36: {  	p1 =	seq.s32 s10, $0x1;
	s10 =	sld [smem:$0x3FB3];
	_ =	sdelay $0x3  }
0x37: {  	[smem:$0x3FB3] =	sst s10  }
0x38: {  	s10 =	sld [smem:$0x3FB4]  }
0x39: {  	_ = 	snop;
	(pc) =	sbr.ind lr, $3  }
0x3a: {  	_ = 	snop  }
0x3b: {  	_ = 	snop  }
0x3c: {  	p2 =	seq.s32 s10, $0x1;
	s10 =	sld [smem:$0x3FB3]  }
0x3d: {  	_ =	shalt  }
0x3e: {  	_ =	shalt  }
0x3f: {  	_ =	shalt  }
0x40: {  	_ =	shalt  }
0x41: {  	_ =	shalt  }
0x42: {  	_ =	shalt  }
0x43: {  	_ =	shalt  }
0x44: {  	_ =	shalt  }
0x45: {  	_ =	shalt  }
0x46: {  	_ =	shalt  }
0x47: {  	_ =	shalt  }
0x48: {  	_ =	shalt  }
0x49: {  	_ =	shalt  }
0x4a: {  	_ =	shalt  }
0x4b: {  	_ =	shalt  }
0x4c: {  	_ =	shalt  }
0x4d: {  	_ =	shalt  }
0x4e: {  	_ =	shalt  }
0x4f: {  	_ =	shalt  }
0x50: {  	_ =	shalt  }
0x51: {  	_ =	shalt  }
0x52: {  	_ =	shalt  }
0x53: {  	_ =	shalt  }
0x54: {  	_ =	shalt  }
0x55: {  	_ =	shalt  }
0x56: {  	_ =	shalt  }
0x57: {  	_ =	shalt  }
0x58: {  	_ =	shalt  }
0x59: {  	_ =	shalt  }
0x5a: {  	_ =	shalt  }
0x5b: {  	_ =	shalt  }
0x5c: {  	_ =	shalt  }
0x5d: {  	_ =	shalt  }
0x5e: {  	_ =	shalt  }
0x5f: {  	_ =	shalt  }
0x60: {  	_ =	shalt  }
0x61: {  	_ =	shalt  }
0x62: {  	_ =	shalt  }
0x63: {  	_ =	shalt  }
0x64: {  	_ =	shalt  }
0x65: {  	_ =	shalt  }
0x66: {  	_ =	shalt  }
0x67: {  	_ =	shalt  }
0x68: {  	_ =	shalt  }
0x69: {  	_ =	shalt  }
0x6a: {  	_ =	shalt  }
0x6b: {  	_ =	shalt  }
0x6c: {  	_ =	shalt  }
0x6d: {  	_ =	shalt  }
0x6e: {  	_ =	shalt  }
0x6f: {  	_ =	shalt  }
0x70: {  	_ =	shalt  }
0x71: {  	_ =	shalt  }
0x72: {  	_ =	shalt  }
0x73: {  	_ =	shalt  }
0x74: {  	_ =	shalt  }
0x75: {  	_ =	shalt  }
0x76: {  	_ =	shalt  }
0x77: {  	_ =	shalt  }
0x78: {  	_ =	shalt  }
0x79: {  	_ =	shalt  }
0x7a: {  	_ =	shalt  }
0x7b: {  	_ =	shalt  }
0x7c: {  	_ =	shalt  }
0x7d: {  	_ =	shalt  }
0x7e: {  	_ =	shalt  }
0x7f: {  	_ =	shalt  }
0x80: {  	_ =	shalt  }
0x81: {  	_ =	shalt  }
0x82: {  	_ =	shalt  }
0x83: {  	_ =	shalt  }
0x84: {  	_ =	shalt  }
0x85: {  	_ =	shalt  }
0x86: {  	_ =	shalt  }
0x87: {  	_ =	shalt  }
.Lfunc_end0:
.L_simem_size_0:
called_computation.1_lowered:
.L_overlay_start_0:
0x88: {  	s2 =	sld [smem:$0x3FD9]  }
0x89: {  	s3 =	sld [smem:$0x3FFE];
	_ =	sdelay $0x1  }
0x8a: {  	s1 =	srdreg.scid  }
0x8b: {  	s0 =	sand.u32 $0x1, s1  }
0x8c: {  	s17 =	sshll.u32 s0, $0xA;
	s2 =	sadd.s32 s3, s2  }
0x8d: {  	s2 =	sadd.s32 s2, s17  }
0x8e: {  	[smem:$0x3FBF] =	sst s2  }
0x8f: {  	_ = 	snop  }
0x90: {  	s2 =	sld [smem:$0x3FD0];
	(tm) =	ssettm $0x1  }
0x91: {  	s18 =	sld [smem:$0x3FFB];
	_ =	sdelay $0x3  }
0x92: {  	_ =	strace s18  }
0x93: {  	s3 =	sld [smem:$0x3FFC];
	_ =	sdelay $0x3  }
0x94: {  	_ =	strace s3  }
0x95: {  	s3 =	sld [smem:$0x3FFD];
	_ =	sdelay $0x3  }
0x96: {  	_ =	strace s3  }
0x97: {  	_ =	strace $0x8FFFFFFF  }
0x98: {  	s19 =	sld [smem:$0x3FDB];
	_ =	sdelay $0x1  }
0x99: {  	s4 =	simm.s32 $_scs_section_size  }
0x9a: {  	s5 =	simm.s32 $_size__tile_overlayer_lowered;
	s6 =	simm.s32 $_tile_overlayer_lowered  }
0x9b: {  	s22 =	simm.s32 $0x1BFF;
	s21 =	sshll.u32 s6, $0x1;
	s3 =	sadd.s32 s4, s19  }
0x9c: {  	s7 =	simm.s32 $0x0;
	s20 =	sshll.u32 s5, $0x1;
	s5 =	sadd.s32 s21, s3  }
0x9d: {  	[timem:s7], [sflag:s22] =	dma.local [hbm:s5], s20  }
0x9e: {  	_ =	swait.ge [sflag:s22], s20  }
0x9f: {  	s4 =	ssub.s32 $0x0, s20;
	[sflag:s22] =	ssyncset.done $0x0  }
0xa0: {  	[sflag:s22] =	ssyncadd.s32 s4;
	_ =	sdelay $0x1  }
0xa1: {  	s23 =	simm.s32 $0x1B8B  }
0xa2: {  	_ =	swait.ge [sflag:s23], $0x1  }
0xa3: {  	[sflag:s23] =	ssyncset.done $0x0  }
0xa4: {  	s25 =	simm.s32 $0x1B8E;
	s24 =	sld [smem:$0x3FFE];
	[sflag:s23] =	ssyncadd.s32 $0xFFFFFFFF  }
0xa5: {  	s26 =	simm.s32 $execute0_lowered;
	[smem:$0x3FD2] =	sst s25  }
0xa6: {  	s5 =	sshll.u32 s26, $0x1;
	_ =	strace $0x80000046;
	[dreg:$0x1] =	wrdreg $0xFFFFFFFF  }
0xa7: {  	s28 =	simm.s32 $_size_execute0_lowered;
	s3 =	sadd.s32 s3, s5;
	[dreg:$0x0] =	wrdreg $0x0  }
0xa8: {  	s5 =	sshll.u32 s28, $0x1;
	[dreg:$0x2] =	wrdreg s3  }
0xa9: {  	[dreg:$0x3] =	wrdreg s5  }
0xaa: {  	[dreg:$0x4] =	wrdreg $0xC0  }
0xab: {  	_ =	task [dreg:s7], $0x5FFFF  }
0xac: {  	[dreg:$0x1] =	wrdreg $0xFFFFFFFF  }
0xad: {  	[dreg:$0x0] =	wrdreg $0x60  }
0xae: {  	[dreg:$0x2] =	wrdreg s24  }
0xaf: {  	[dreg:$0x3] =	wrdreg s2  }
0xb0: {  	[dreg:$0x4] =	wrdreg $0xA  }
0xb1: {  	_ =	task.clear_ibuf [dreg:s7], $0x5FFFF;
	_ =	strace $0x90000046  }
0xb2: {  	s29 =	simm.s32 $0xA;
	_ =	strace $0x80000048  }
0xb3: {  	_ =	swait.ge [sflag:s29], $0x1  }
0xb4: {  	[sflag:s29] =	ssyncadd.s32 $0xFFFFFFFF  }
0xb5: {  	_ =	strace $0x90000048  }
0xb6: {  	_ =	sfence  }
0xb7: {  	s30 =	sld [smem:$0x0];
	_ =	sdelay $0x2  }
0xb8: {  	s31 =	sshll.u32 s1, $0xD;
	s1 =	sshrl.u32 s1, $0x2  }
0xb9: {  	s3 =	sand.u32 $0x4000, s31;
	s1 =	sadd.s32 s1, s30  }
0xba: {  	s0 =	sor.u32 s3, s0;
	s1 =	sshll.u32 s1, $0x11  }
0xbb: {  	s0 =	sor.u32 s1, s0  }
0xbc: {  	s0 =	sadd.s32 $0x8F2B, s0  }
0xbd: {  	[sflag:s0] =	ssyncadd.remote.s32 $0x1  }
0xbe: {  	_ =	sfence.sel $0xFFFF  }
0xbf: {  	[dreg:$0x0] =	wrdreg $0xFFFFFFFF;
	(pc) =	sbr.abs _section_cstart, $3  }
0xc0: {  	[dreg:$0x1] =	wrdreg $0xFFFFFFFF  }
0xc1: {  	_ =	task.clear_ibuf [dreg:s7], $0x2FFFF;
	_ =	strace $0x9FFFFFFF  }
0xc2: {  	(tm) =	ssettm $0x7FFFFFFF  }
0xc3: {  	_ =	shalt  }
tec
execute0_lowered:
.L_overlay_start_1:
0x0: {  	(tag) =	ssettag $0x1  }
0x1: {  	s3 =	rddreg [dreg:$0x0];
	s1 =	srdreg.scid  }
0x2: {  	s0 =	stileid.u32;
	s4 =	rddreg [dreg:$0x1];
	s2 =	simm.s32 $0x0  }
0x3: {  	s12 =	simm.s32 $0x1;
	s13 =	simm.s32 $0x2;
	s15 =	simm.s32 $0x1400  }
0x4: {  	s16 =	simm.s32 $0x1310;
	s17 =	simm.s32 $0x3C00;
	s18 =	simm.s32 $0x28  }
0x5: {  	s19 =	simm.s32 $0x1360;
	s20 =	simm.s32 $0x6400;
	s21 =	simm.s32 $0x0  }
0x6: {  	s5 =	sand.u32 $0x1, s1;
	s6 =	sshll.u32 s0, $0x1;
	[smem:$0x7FF] =	sst s2  }
0x7: {  	s10 =	sadd.s32 $0x55000, s3;
	s30 =	smul.u32 $0x27100, s0;
	s6 =	sor.u32 s5, s6  }
0x8: {  	s4 =	sadd.s32 $0x27100, s4;
	s8 =	ssub.s32 $0x2, s5;
	s7 =	smul.u32 $0x1388, s6  }
0x9: {  	_ =	strace $0x80000047;
	s9 =	sshrl.u32 s8, $0x1;
	s6 =	smul.u32 $0x9C400, s6  }
0xa: {  	s11 =	smul.u32 $0x13880, s5;
	s8 =	ssub.s32 s8, s9;
	s7 =	sshrl.u32 s7, $0x3  }
0xb: {  	s6 =	sshrl.u32 s6, $0x3;
	s8 =	smax.u32 s8, $0x1;
	s7 =	sadd.s32 s7, s3  }
0xc: {  	s31 =	sadd.s32 s10, s6;
	s10 =	sadd.s32 s30, s10;
	s3 =	sadd.s32 $0x1E00, s7  }
0xd: {  	s5 =	sadd.s32 $0x12C00, s31;
	s6 =	sadd.s32 $0x13100, s31;
	s7 =	sadd.s32 $0x13600, s31  }
0xe: {  	s9 =	sadd.s32 s11, s10;
	s10 =	simm.s32 $0x3;
	s11 =	simm.s32 $0x50  }
.LBB2_1:
0xf: {  	[tilespmem:s2], [sflag:$0x3] =	stream.linear.gather [hbm4b:s3+s2], $0x1388, $0x38;
	[tilespmem:$0x1A400] =	vst v63  }
0x10: {  	p0 =	por $0x1, $0x1;
	_ =	swait.ge [sflag:s10], $0x1388  }
0x11: {  	p0 =	por p0, p0;
	[sflag:s10] =	ssyncset.done $0x0  }
0x12: {  	s22 =	simm.s32 @!p0 $0x2;
	[sflag:s10] =	ssyncadd.s32 $0xFFFFEC78  }
0x13: {  	_ =	swait.ge @!p0 [sflag:s22], $0x2800  }
0x14: {  	[sflag:s22] =	ssyncset.done @!p0 $0x0  }
0x15: {  	[sflag:s22] =	ssyncadd.s32 @!p0 $0xFFFFD800  }
0x16: {  	_ =	swait.ge @!p0 [sflag:s22], $0x2800  }
0x17: {  	[sflag:s22] =	ssyncset.done @!p0 $0x0  }
0x18: {  	[sflag:s22] =	ssyncadd.s32 @!p0 $0xFFFFD800  }
0x19: {  	_ =	swait.ge @!p0 [sflag:s22], $0x2800  }
0x1a: {  	[sflag:s22] =	ssyncset.done @!p0 $0x0  }
0x1b: {  	[sflag:s22] =	ssyncadd.s32 @!p0 $0xFFFFD800  }
0x1c: {  	_ =	swait.ge @!p0 [sflag:s22], $0x2800  }
0x1d: {  	[sflag:s22] =	ssyncset.done @!p0 $0x0  }
0x1e: {  	s23 =	sand.u32 $0x1, s2;
	[sflag:s22] =	ssyncadd.s32 @!p0 $0xFFFFD800  }
0x1f: {  	p1 =	seq.s32 s23, $0x1;
	s23 =	simm.s32 $0xC800;
	_ =	swait.ge @!p0 [sflag:s22], $0x2800  }
0x20: {  	s23 =	simm.s32 @!p1 $0x0;
	[sflag:s22] =	ssyncset.done @!p0 $0x0  }
0x21: {  	s24 =	simm.s32 $0x0;
	s14 =	sor.u32 $0x1400, s23;
	[sflag:s22] =	ssyncadd.s32 @!p0 $0xFFFFD800  }
0x22: {  	[tilespmem:s14], [sflag:$0x1] =	stream.indirect.gather [hbm4b:s4+s11], $0x80, s24, s11, $0xb8;
	[tilespmem:$0x1A400] =	vst v63  }
0x23: {  	s25 =	simm.s32 $0x50;
	s30 =	sadd.s32 $0x3C00, s23  }
0x24: {  	[tilespmem:s30], [sflag:$0x1] =	stream.indirect.gather [hbm4b:s4+s11], $0x80, s25, s11, $0xb8;
	[tilespmem:$0x1A400] =	vst v63  }
0x25: {  	s26 =	simm.s32 $0xA0;
	s31 =	sadd.s32 $0x6400, s23  }
0x26: {  	[tilespmem:s31], [sflag:$0x1] =	stream.indirect.gather [hbm4b:s4+s11], $0x80, s26, s11, $0xb8;
	[tilespmem:$0x1A400] =	vst v63  }
0x27: {  	s28 =	simm.s32 $0xF0;
	s0 =	sadd.s32 $0x8C00, s23  }
0x28: {  	[tilespmem:s0], [sflag:$0x1] =	stream.indirect.gather [hbm4b:s4+s11], $0x80, s28, s11, $0xb8;
	[tilespmem:$0x1A400] =	vst v63  }
0x29: {  	s29 =	sadd.s32 $0xB400, s23;
	s28 =	simm.s32 $0x140  }
0x2a: {  	[tilespmem:s29], [sflag:$0x1] =	stream.indirect.gather [hbm4b:s4+s11], $0x80, s28, s11, $0xb8;
	[tilespmem:$0x1A400] =	vst v63  }
0x2b: {  	_ =	swait.ge [sflag:s12], $0x2800  }
0x2c: {  	[sflag:s12] =	ssyncset.done $0x0  }
0x2d: {  	[sflag:s12] =	ssyncadd.s32 $0xFFFFD800  }
0x2e: {  	_ =	swait.ge [sflag:s12], $0x2800  }
0x2f: {  	[sflag:s12] =	ssyncset.done $0x0  }
0x30: {  	[sflag:s12] =	ssyncadd.s32 $0xFFFFD800  }
0x31: {  	_ =	swait.ge [sflag:s12], $0x2800  }
0x32: {  	[sflag:s12] =	ssyncset.done $0x0  }
0x33: {  	[sflag:s12] =	ssyncadd.s32 $0xFFFFD800  }
0x34: {  	_ =	swait.ge [sflag:s12], $0x2800  }
0x35: {  	[sflag:s12] =	ssyncset.done $0x0  }
0x36: {  	[sflag:s12] =	ssyncadd.s32 $0xFFFFD800  }
0x37: {  	_ =	swait.ge [sflag:s12], $0x2800  }
0x38: {  	s1 =	sadd.s32 $0x0, s9;
	[sflag:s12] =	ssyncset.done $0x0  }
0x39: {  	p6 =	por $0x1, $0x1;
	s23 =	simm.s32 $0x2D0;
	[sflag:s12] =	ssyncadd.s32 $0xFFFFD800  }
0x3a: {  	[hbm4b:s1+s2] =	stream.linear.scatter [tilespmem:s14], [sflag:$0x2], $0x2800, $0x38;
	[tilespmem:$0x1A400] =	vst v63  }
0x3b: {  	s22 =	simm.s32 $0x1900;
	p0 =	por p6, p6;
	s14 =	sadd.s32 $0x500, s1  }
0x3c: {  	[hbm4b:s14+s2] =	stream.linear.scatter [tilespmem:s30], [sflag:$0x2], $0x2800, $0x38;
	[tilespmem:$0x1A400] =	vst v63  }
0x3d: {  	s24 =	simm.s32 $0x1;
	s25 =	simm.s32 $0x3200;
	s30 =	sadd.s32 $0xA00, s1  }
0x3e: {  	[hbm4b:s30+s2] =	stream.linear.scatter [tilespmem:s31], [sflag:$0x2], $0x2800, $0x38;
	[tilespmem:$0x1A400] =	vst v63  }
0x3f: {  	s26 =	simm.s32 $0x2;
	s28 =	sadd.s32 $0x1400, s1;
	s31 =	sadd.s32 $0xF00, s1  }
0x40: {  	[hbm4b:s31+s2] =	stream.linear.scatter [tilespmem:s0], [sflag:$0x2], $0x2800, $0x38;
	[tilespmem:$0x1A400] =	vst v63  }
.LBB2_2:
0x41: {  	[hbm4b:s28+s2] =	stream.linear.scatter [tilespmem:s29], [sflag:$0x2], $0x2800, $0x38;
	[tilespmem:$0x1A400] =	vst v63  }
0x42: {  	s28 =	smov.u32 s25  }
0x43: {  	p2 =	slt.u32 s26, $0x2;
	s25 =	sadd.s32 $0x1900, s25;
	s29 =	simm.s32 @!p0 $0x2  }
0x44: {  	p1 =	sne.s32 s25, $0x12C00;
	_ =	swait.ge @!p0 [sflag:s29], $0x2800  }
0x45: {  	[sflag:s29] =	ssyncset.done @!p0 $0x0  }
0x46: {  	[sflag:s29] =	ssyncadd.s32 @!p0 $0xFFFFD800  }
0x47: {  	_ =	swait.ge @!p0 [sflag:s29], $0x2800  }
0x48: {  	[sflag:s29] =	ssyncset.done @!p0 $0x0  }
0x49: {  	[sflag:s29] =	ssyncadd.s32 @!p0 $0xFFFFD800  }
0x4a: {  	_ =	swait.ge @!p0 [sflag:s29], $0x2800  }
0x4b: {  	[sflag:s29] =	ssyncset.done @!p0 $0x0  }
0x4c: {  	[sflag:s29] =	ssyncadd.s32 @!p0 $0xFFFFD800  }
0x4d: {  	_ =	swait.ge @!p0 [sflag:s29], $0x2800  }
0x4e: {  	[sflag:s29] =	ssyncset.done @!p0 $0x0  }
0x4f: {  	s30 =	sand.u32 $0x1, s24;
	s24 =	smov.u32 s26;
	[sflag:s29] =	ssyncadd.s32 @!p0 $0xFFFFD800  }
0x50: {  	p3 =	seq.s32 s30, $0x1;
	s30 =	simm.s32 $0xC800;
	_ =	swait.ge @!p0 [sflag:s29], $0x2800  }
0x51: {  	s30 =	simm.s32 @!p3 $0x0;
	[sflag:s29] =	ssyncset.done @!p0 $0x0  }
0x52: {  	s31 =	sor.u32 $0x1400, s30;
	[sflag:s29] =	ssyncadd.s32 @!p0 $0xFFFFD800;
	s29 =	sadd.s32 $0xFFFFFEC0, s23  }
0x53: {  	[tilespmem:s31], [sflag:$0x1] =	stream.indirect.gather [hbm4b:s4+s11], $0x80, s29, s11, $0xb8;
	[tilespmem:$0x1A400] =	vst v63  }
0x54: {  	s1 =	sadd.s32 $0x3C00, s30;
	p0 =	por p2, p2;
	s29 =	sadd.s32 $0xFFFFFF10, s23  }
0x55: {  	[tilespmem:s1], [sflag:$0x1] =	stream.indirect.gather [hbm4b:s4+s11], $0x80, s29, s11, $0xb8;
	[tilespmem:$0x1A400] =	vst v63  }
0x56: {  	s0 =	sadd.s32 $0x6400, s30;
	s29 =	sadd.s32 $0xFFFFFF60, s23  }
0x57: {  	[tilespmem:s0], [sflag:$0x1] =	stream.indirect.gather [hbm4b:s4+s11], $0x80, s29, s11, $0xb8;
	[tilespmem:$0x1A400] =	vst v63  }
0x58: {  	s14 =	sadd.s32 $0x8C00, s30;
	s29 =	sadd.s32 $0xFFFFFFB0, s23  }
0x59: {  	[tilespmem:s14], [sflag:$0x1] =	stream.indirect.gather [hbm4b:s4+s11], $0x80, s29, s11, $0xb8;
	[tilespmem:$0x1A400] =	vst v63  }
0x5a: {  	s29 =	sadd.s32 $0xB400, s30  }
0x5b: {  	[tilespmem:s29], [sflag:$0x1] =	stream.indirect.gather [hbm4b:s4+s11], $0x80, s23, s11, $0xb8;
	[tilespmem:$0x1A400] =	vst v63  }
0x5c: {  	_ =	swait.ge [sflag:s12], $0x2800  }
0x5d: {  	[sflag:s12] =	ssyncset.done $0x0  }
0x5e: {  	[sflag:s12] =	ssyncadd.s32 $0xFFFFD800  }
0x5f: {  	_ =	swait.ge [sflag:s12], $0x2800  }
0x60: {  	[sflag:s12] =	ssyncset.done $0x0  }
0x61: {  	[sflag:s12] =	ssyncadd.s32 $0xFFFFD800  }
0x62: {  	_ =	swait.ge [sflag:s12], $0x2800  }
0x63: {  	[sflag:s12] =	ssyncset.done $0x0  }
0x64: {  	[sflag:s12] =	ssyncadd.s32 $0xFFFFD800  }
0x65: {  	_ =	swait.ge [sflag:s12], $0x2800  }
0x66: {  	[sflag:s12] =	ssyncset.done $0x0  }
0x67: {  	[sflag:s12] =	ssyncadd.s32 $0xFFFFD800  }
0x68: {  	_ =	swait.ge [sflag:s12], $0x2800  }
0x69: {  	[sflag:s12] =	ssyncset.done $0x0  }
0x6a: {  	s30 =	sadd.s32 s22, s9;
	s22 =	smov.u32 s28;
	[sflag:s12] =	ssyncadd.s32 $0xFFFFD800  }
0x6b: {  	[hbm4b:s30+s2] =	stream.linear.scatter [tilespmem:s31], [sflag:$0x2], $0x2800, $0x38;
	[tilespmem:$0x1A400] =	vst v63  }
0x6c: {  	s28 =	sadd.s32 $0x500, s30  }
0x6d: {  	[hbm4b:s28+s2] =	stream.linear.scatter [tilespmem:s1], [sflag:$0x2], $0x2800, $0x38;
	[tilespmem:$0x1A400] =	vst v63  }
.Ltmp0:
0x6e: {  	s1 =	sadd.s32 $0xA00, s30;
	(pc) =	sbr.rel @p1 .LBB2_2-.Ltmp0, $4  }
0x6f: {  	[hbm4b:s1+s2] =	stream.linear.scatter [tilespmem:s0], [sflag:$0x2], $0x2800, $0x38;
	[tilespmem:$0x1A400] =	vst v63  }
0x70: {  	s0 =	sadd.s32 $0xF00, s30  }
0x71: {  	[hbm4b:s0+s2] =	stream.linear.scatter [tilespmem:s14], [sflag:$0x2], $0x2800, $0x38;
	[tilespmem:$0x1A400] =	vst v63  }
0x72: {  	s26 =	sadd.s32 $0x1, s26;
	s23 =	sadd.s32 $0x190, s23;
	s28 =	sadd.s32 $0x1400, s30  }
0x73: {  	[hbm4b:s28+s2] =	stream.linear.scatter [tilespmem:s29], [sflag:$0x2], $0x2800, $0x38;
	[tilespmem:$0x1A400] =	vst v63  }
0x74: {  	s0 =	simm.s32 @!p0 $0x2  }
0x75: {  	_ =	swait.ge @!p0 [sflag:s0], $0x2800  }
0x76: {  	[sflag:s0] =	ssyncset.done @!p0 $0x0  }
0x77: {  	[sflag:s0] =	ssyncadd.s32 @!p0 $0xFFFFD800  }
0x78: {  	_ =	swait.ge @!p0 [sflag:s0], $0x2800  }
0x79: {  	[sflag:s0] =	ssyncset.done @!p0 $0x0  }
0x7a: {  	[sflag:s0] =	ssyncadd.s32 @!p0 $0xFFFFD800  }
0x7b: {  	_ =	swait.ge @!p0 [sflag:s0], $0x2800  }
0x7c: {  	[sflag:s0] =	ssyncset.done @!p0 $0x0  }
0x7d: {  	[sflag:s0] =	ssyncadd.s32 @!p0 $0xFFFFD800  }
0x7e: {  	_ =	swait.ge @!p0 [sflag:s0], $0x2800  }
0x7f: {  	[sflag:s0] =	ssyncset.done @!p0 $0x0  }
0x80: {  	s1 =	sand.u32 $0x1, s24;
	[sflag:s0] =	ssyncadd.s32 @!p0 $0xFFFFD800  }
0x81: {  	p1 =	seq.s32 s1, $0x1;
	s1 =	simm.s32 $0xC800;
	_ =	swait.ge @!p0 [sflag:s0], $0x2800  }
0x82: {  	s1 =	simm.s32 @!p1 $0x0;
	[sflag:s0] =	ssyncset.done @!p0 $0x0  }
0x83: {  	s14 =	sadd.s32 $0xFFFFFEC0, s23;
	[sflag:s0] =	ssyncadd.s32 @!p0 $0xFFFFD800;
	s0 =	sor.u32 $0x1400, s1  }
0x84: {  	[tilespmem:s0], [sflag:$0x1] =	stream.indirect.gather [hbm4b:s4+s11], $0x80, s14, s11, $0xb8;
	[tilespmem:$0x1A400] =	vst v63  }
0x85: {  	s29 =	sadd.s32 $0xFFFFFF10, s23;
	s28 =	sadd.s32 $0x3C00, s1  }
0x86: {  	[tilespmem:s28], [sflag:$0x1] =	stream.indirect.gather [hbm4b:s4+s11], $0x80, s29, s11, $0xb8;
	[tilespmem:$0x1A400] =	vst v63  }
0x87: {  	s25 =	sadd.s32 $0xFFFFFF60, s23;
	s30 =	sadd.s32 $0x6400, s1  }
0x88: {  	[tilespmem:s30], [sflag:$0x1] =	stream.indirect.gather [hbm4b:s4+s11], $0x80, s25, s11, $0xb8;
	[tilespmem:$0x1A400] =	vst v63  }
0x89: {  	s26 =	sadd.s32 $0xFFFFFFB0, s23;
	s31 =	sadd.s32 $0x8C00, s1  }
0x8a: {  	[tilespmem:s31], [sflag:$0x1] =	stream.indirect.gather [hbm4b:s4+s11], $0x80, s26, s11, $0xb8;
	[tilespmem:$0x1A400] =	vst v63  }
0x8b: {  	s1 =	sadd.s32 $0xB400, s1  }
0x8c: {  	[tilespmem:s1], [sflag:$0x1] =	stream.indirect.gather [hbm4b:s4+s11], $0x80, s23, s11, $0xb8;
	[tilespmem:$0x1A400] =	vst v63  }
0x8d: {  	_ =	swait.ge [sflag:s12], $0x2800  }
0x8e: {  	[sflag:s12] =	ssyncset.done $0x0  }
0x8f: {  	[sflag:s12] =	ssyncadd.s32 $0xFFFFD800  }
0x90: {  	_ =	swait.ge [sflag:s12], $0x2800  }
0x91: {  	[sflag:s12] =	ssyncset.done $0x0  }
0x92: {  	[sflag:s12] =	ssyncadd.s32 $0xFFFFD800  }
0x93: {  	_ =	swait.ge [sflag:s12], $0x2800  }
0x94: {  	[sflag:s12] =	ssyncset.done $0x0  }
0x95: {  	[sflag:s12] =	ssyncadd.s32 $0xFFFFD800  }
0x96: {  	_ =	swait.ge [sflag:s12], $0x2800  }
0x97: {  	[sflag:s12] =	ssyncset.done $0x0  }
0x98: {  	[sflag:s12] =	ssyncadd.s32 $0xFFFFD800  }
0x99: {  	_ =	swait.ge [sflag:s12], $0x2800  }
0x9a: {  	[sflag:s12] =	ssyncset.done $0x0  }
0x9b: {  	s22 =	sadd.s32 s22, s9;
	[sflag:s12] =	ssyncadd.s32 $0xFFFFD800  }
0x9c: {  	[hbm4b:s22+s2] =	stream.linear.scatter [tilespmem:s0], [sflag:$0x2], $0x2800, $0x38;
	[tilespmem:$0x1A400] =	vst v63  }
0x9d: {  	s26 =	sadd.s32 $0x500, s22  }
0x9e: {  	[hbm4b:s26+s2] =	stream.linear.scatter [tilespmem:s28], [sflag:$0x2], $0x2800, $0x38;
	[tilespmem:$0x1A400] =	vst v63  }
0x9f: {  	s28 =	sadd.s32 $0xA00, s22  }
0xa0: {  	[hbm4b:s28+s2] =	stream.linear.scatter [tilespmem:s30], [sflag:$0x2], $0x2800, $0x38;
	[tilespmem:$0x1A400] =	vst v63  }
0xa1: {  	s29 =	sadd.s32 $0xF00, s22  }
0xa2: {  	[hbm4b:s29+s2] =	stream.linear.scatter [tilespmem:s31], [sflag:$0x2], $0x2800, $0x38;
	[tilespmem:$0x1A400] =	vst v63  }
0xa3: {  	s30 =	sadd.s32 $0x1400, s22  }
0xa4: {  	[hbm4b:s30+s2] =	stream.linear.scatter [tilespmem:s1], [sflag:$0x2], $0x2800, $0x38;
	[tilespmem:$0x1A400] =	vst v63  }
0xa5: {  	_ =	swait.ge [sflag:s13], $0x2800  }
0xa6: {  	[sflag:s13] =	ssyncset.done $0x0  }
0xa7: {  	[sflag:s13] =	ssyncadd.s32 $0xFFFFD800  }
0xa8: {  	_ =	swait.ge [sflag:s13], $0x2800  }
0xa9: {  	[sflag:s13] =	ssyncset.done $0x0  }
0xaa: {  	[sflag:s13] =	ssyncadd.s32 $0xFFFFD800  }
0xab: {  	_ =	swait.ge [sflag:s13], $0x2800  }
0xac: {  	[sflag:s13] =	ssyncset.done $0x0  }
0xad: {  	[sflag:s13] =	ssyncadd.s32 $0xFFFFD800  }
0xae: {  	_ =	swait.ge [sflag:s13], $0x2800  }
0xaf: {  	[sflag:s13] =	ssyncset.done $0x0  }
0xb0: {  	[sflag:s13] =	ssyncadd.s32 $0xFFFFD800  }
0xb1: {  	_ =	swait.ge [sflag:s13], $0x2800  }
0xb2: {  	[sflag:s13] =	ssyncset.done $0x0  }
0xb3: {  	[sflag:s13] =	ssyncadd.s32 $0xFFFFD800  }
0xb4: {  	_ =	swait.ge [sflag:s13], $0x2800  }
0xb5: {  	[sflag:s13] =	ssyncset.done $0x0  }
0xb6: {  	[sflag:s13] =	ssyncadd.s32 $0xFFFFD800  }
0xb7: {  	_ =	swait.ge [sflag:s13], $0x2800  }
0xb8: {  	[sflag:s13] =	ssyncset.done $0x0  }
0xb9: {  	[sflag:s13] =	ssyncadd.s32 $0xFFFFD800  }
0xba: {  	_ =	swait.ge [sflag:s13], $0x2800  }
0xbb: {  	[sflag:s13] =	ssyncset.done $0x0  }
0xbc: {  	[sflag:s13] =	ssyncadd.s32 $0xFFFFD800  }
0xbd: {  	_ =	swait.ge [sflag:s13], $0x2800  }
0xbe: {  	[sflag:s13] =	ssyncset.done $0x0  }
0xbf: {  	[sflag:s13] =	ssyncadd.s32 $0xFFFFD800  }
0xc0: {  	_ =	swait.ge [sflag:s13], $0x2800  }
0xc1: {  	[sflag:s13] =	ssyncset.done $0x0  }
0xc2: {  	s31 =	simm.s32 $0x12C0;
	[sflag:s13] =	ssyncadd.s32 $0xFFFFD800  }
0xc3: {  	[tilespmem:s15], [sflag:$0x1] =	stream.indirect.gather [hbm4b:s4+s11], $0x80, s31, s11, $0xb8;
	[tilespmem:$0x1A400] =	vst v63  }
0xc4: {  	_ = 	snop  }
0xc5: {  	[tilespmem:s17], [sflag:$0x1] =	stream.indirect.gather [hbm4b:s4+s11], $0x80, s16, s11, $0xb8;
	[tilespmem:$0x1A400] =	vst v63  }
0xc6: {  	_ = 	snop  }
0xc7: {  	[tilespmem:s20], [sflag:$0x1] =	stream.indirect.gather [hbm4b:s4+s18], $0x80, s19, s18, $0xb8;
	[tilespmem:$0x1A400] =	vst v63  }
0xc8: {  	_ =	swait.ge [sflag:s12], $0x2800  }
0xc9: {  	[sflag:s12] =	ssyncset.done $0x0  }
0xca: {  	[sflag:s12] =	ssyncadd.s32 $0xFFFFD800  }
0xcb: {  	_ =	swait.ge [sflag:s12], $0x2800  }
0xcc: {  	[sflag:s12] =	ssyncset.done $0x0  }
0xcd: {  	[sflag:s12] =	ssyncadd.s32 $0xFFFFD800  }
0xce: {  	_ =	swait.ge [sflag:s12], $0x1400  }
0xcf: {  	[sflag:s12] =	ssyncset.done $0x0  }
0xd0: {  	[sflag:s12] =	ssyncadd.s32 $0xFFFFEC00  }
0xd1: {  	[hbm4b:s5+s2] =	stream.linear.scatter [tilespmem:s15], [sflag:$0x2], $0x2800, $0x38;
	[tilespmem:$0x1A400] =	vst v63  }
0xd2: {  	_ = 	snop  }
0xd3: {  	[hbm4b:s6+s2] =	stream.linear.scatter [tilespmem:s17], [sflag:$0x2], $0x2800, $0x38;
	[tilespmem:$0x1A400] =	vst v63  }
0xd4: {  	_ = 	snop  }
0xd5: {  	[hbm4b:s7+s2] =	stream.linear.scatter [tilespmem:s20], [sflag:$0x2], $0x1400, $0x38;
	[tilespmem:$0x1A400] =	vst v63  }
0xd6: {  	_ =	swait.ge [sflag:s13], $0x2800  }
0xd7: {  	[sflag:s13] =	ssyncset.done $0x0  }
0xd8: {  	s21 =	sadd.s32 $0x1, s21;
	[sflag:s13] =	ssyncadd.s32 $0xFFFFD800  }
0xd9: {  	p0 =	sne.s32 s21, s8;
	_ =	swait.ge [sflag:s13], $0x2800  }
.Ltmp1:
0xda: {  	[sflag:s13] =	ssyncset.done $0x0;
	(pc) =	sbr.rel @p0 .LBB2_1-.Ltmp1, $4  }
0xdb: {  	[sflag:s13] =	ssyncadd.s32 $0xFFFFD800  }
0xdc: {  	_ =	swait.ge [sflag:s13], $0x1400  }
0xdd: {  	[sflag:s13] =	ssyncset.done $0x0  }
0xde: {  	[sflag:s13] =	ssyncadd.s32 $0xFFFFEC00  }
0xdf: {  	_ =	sfence.sel $0x180000  }
0xe0: {  	[bflag:$0x0] =	sbarrier.arrive $0xFFFF  }
0xe1: {  	_ =	strace $0x90000047  }
0xe2: {  	s0 =	stileid.u32;
	[bflag:$0x2] =	sbarrier.arrive $0xFFFF  }
0xe3: {  	p0 =	sne.s32 s0, $0x0;
	s0 =	rddreg [dreg:$0x2]  }
0xe4: {  	s0 =	sadd.s32 @!p0 $0x100000, s0  }
0xe5: {  	[sflag:s0] =	ssyncadd.tile.s32 @!p0 $0x1;
	_ =	shalt  }
.Lfunc_end2:
_tile_overlayer_lowered:
.L_overlay_start_2:
0xe6: {  	(tag) =	ssettag $0x2  }
0xe7: {  	s0 =	rddreg [dreg:$0x0];
	s2 =	stileid.u32  }
0xe8: {  	s1 =	rddreg [dreg:$0x1];
	p0 =	sne.s32 s2, $0x0  }
0xe9: {  	s3 =	rddreg [dreg:$0x2];
	[bflag:$0x3] =	sbarrier.arrive $0xFFFF;
	s2 =	simm.s32 @!p0 $0x1C03  }
0xea: {  	[timem:s3], [sflag:s2] =	dma.local @!p0 [hbm:s0], s1  }
0xeb: {  	s0 =	simm.s32 @!p0 $0x3  }
0xec: {  	_ =	swait.ge @!p0 [sflag:s0], s1  }
0xed: {  	s1 =	ssub.s32 @!p0 $0x0, s1;
	[sflag:s0] =	ssyncset.done @!p0 $0x0  }
0xee: {  	[sflag:s0] =	ssyncadd.s32 @!p0 s1  }
0xef: {  	[bflag:$0x3] =	sbarrier.arrive $0xFFFF  }
0xf0: {  	_ =	shalt  }

// kernel: kernel.7.cloned.1.call-start
scs
__scs_entry_jumppad:
0x0: {  	(pc) =	sbr.rel $0x88, $3  }
0x1: {  	(tag) =	ssettag $0x0;
	lr =	simm.s32 $0x1  }
0x2: {  	[smem:$0x3F98] =	sst lr;
	_ =	strace $0xD0000000  }
0x3: {  	_ = 	snop  }
0x4: {  	_ = 	snop  }
0x5: {  	_ = 	snop  }
0x6: {  	_ = 	snop  }
0x7: {  	_ = 	snop  }
__scs_overlays_trampoline_lowered:
0x8: {  	[smem:$0x3FA7] =	sst s0  }
0x9: {  	[smem:$0x3FA8] =	sst s1  }
0xa: {  	[smem:$0x3FA9] =	sst s2  }
0xb: {  	[smem:$0x3FAA] =	sst s3  }
0xc: {  	[smem:$0x3FAB] =	sst s4  }
0xd: {  	[smem:$0x3FAC] =	sst s5  }
0xe: {  	[smem:$0x3FAD] =	sst s6  }
0xf: {  	[smem:$0x3FAE] =	sst s7  }
0x10: {  	[smem:$0x3FAF] =	sst s8  }
0x11: {  	[smem:$0x3FB0] =	sst s9;
	s0 =	simm.s32 @!p0 $0x0  }
0x12: {  	s1 =	sld [smem:$0x3F96];
	s0 =	simm.s32 @p0 $0x1  }
0x13: {  	[smem:$0x3FB1] =	sst s0;
	s0 =	simm.s32 @!p1 $0x0  }
0x14: {  	s2 =	sld [smem:$0x3F95];
	s0 =	simm.s32 @p1 $0x1  }
0x15: {  	[smem:$0x3FB2] =	sst s0;
	s0 =	simm.s32 @!p2 $0x0  }
0x16: {  	s3 =	sld [smem:$0x3FDB];
	s0 =	simm.s32 @p2 $0x1  }
0x17: {  	s4 =	simm.s32 $0x1BF5;
	[smem:$0x3FB4] =	sst s0  }
0x18: {  	s0 =	sld [smem:$0x3F97];
	_ =	swait.ge [sflag:s4], $0x0  }
0x19: {  	s7 =	sld [smem:$0x3F98]  }
0x1a: {  	s8 =	sadd.s32 $0xFFFFE003, lr  }
0x1b: {  	s9 =	sadd.s32 $0xFFFFFEF7, lr;
	s5 =	simm.s32 $0xFFFFFFFF;
	p2 =	slt.u32 s8, $0xFFFFF086  }
0x1c: {  	p1 =	slt.u32 s9, $0xF7A;
	s5 =	simm.s32 @!p2 $0x0  }
0x1d: {  	s5 =	simm.s32 @p1 $0x1;
	p0 =	seq.s32 s7, s2  }
0x1e: {  	s7 =	smul.u32 @!p0 $0xF7A, s2;
	p2 =	seq.s32 @!p0 s5, $0x0  }
0x1f: {  	s9 =	smul.u32 $0xF7A, s1;
	s8 =	simm.s32 @!p0 $0x1BF5;
	p2 =	por !p2, p0  }
0x20: {  	[sflag:s8] =	ssyncset.s32 @!p0 $0xFFFFF086;
	s6 =	sadd.s32 @!p0 s3, s7;
	s7 =	simm.s32 @!p0 $0x108  }
0x21: {  	s3 =	sadd.s32 s3, s9;
	s6 =	sadd.s32 @!p0 $0x88, s6;
	s7 =	simm.s32 @p2 $0x1082  }
0x22: {  	[simem:s7], [sflag:s8] =	dma.local @!p0 [hbm:s6], $0xF7A  }
0x23: {  	s9 =	sor.u32 $0xD0000000, s2;
	s6 =	simm.s32 $0x108;
	_ =	swait.ge @!p0 [sflag:s8], $0x0  }
0x24: {  	s3 =	sadd.s32 $0x88, s3;
	s6 =	simm.s32 @!p1 $0x1082;
	[sflag:s4] =	ssyncset.s32 $0xFFFFF086  }
0x25: {  	[simem:s6], [sflag:s4] =	dma.local [hbm:s3], $0xF7A  }
0x26: {  	[smem:$0x3F98] =	sst s1;
	(tag) =	ssettag s2;
	_ =	strace s9  }
0x27: {  	s1 =	sld [smem:$0x3FA8]  }
0x28: {  	s2 =	sld [smem:$0x3FA9]  }
0x29: {  	s4 =	sld [smem:$0x3FAB]  }
0x2a: {  	p0 =	seq.s32 s5, $0x0;
	s5 =	sld [smem:$0x3FAC]  }
0x2b: {  	s6 =	sld [smem:$0x3FAD]  }
0x2c: {  	s7 =	sld [smem:$0x3FAE]  }
0x2d: {  	s3 =	simm.s32 $0x108;
	s8 =	sld [smem:$0x3FAF]  }
0x2e: {  	s3 =	simm.s32 @!p0 $0x1082;
	s9 =	sld [smem:$0x3FB0]  }
0x2f: {  	lr =	sadd.s32 s0, s3;
	s0 =	sld [smem:$0x3FA7]  }
0x30: {  	s3 =	sld [smem:$0x3FAA]  }
0x31: {  	[smem:$0x3FB3] =	sst s10  }
0x32: {  	s10 =	sld [smem:$0x3FB1];
	_ =	sdelay $0x3  }
0x33: {  	p0 =	seq.s32 s10, $0x1;
	s10 =	sld [smem:$0x3FB3];
	_ =	sdelay $0x3  }
0x34: {  	[smem:$0x3FB3] =	sst s10  }
0x35: {  	s10 =	sld [smem:$0x3FB2];
	_ =	sdelay $0x3  }
0x36: {  	p1 =	seq.s32 s10, $0x1;
	s10 =	sld [smem:$0x3FB3];
	_ =	sdelay $0x3  }
0x37: {  	[smem:$0x3FB3] =	sst s10  }
0x38: {  	s10 =	sld [smem:$0x3FB4]  }
0x39: {  	_ = 	snop;
	(pc) =	sbr.ind lr, $3  }
0x3a: {  	_ = 	snop  }
0x3b: {  	_ = 	snop  }
0x3c: {  	p2 =	seq.s32 s10, $0x1;
	s10 =	sld [smem:$0x3FB3]  }
0x3d: {  	_ =	shalt  }
0x3e: {  	_ =	shalt  }
0x3f: {  	_ =	shalt  }
0x40: {  	_ =	shalt  }
0x41: {  	_ =	shalt  }
0x42: {  	_ =	shalt  }
0x43: {  	_ =	shalt  }
0x44: {  	_ =	shalt  }
0x45: {  	_ =	shalt  }
0x46: {  	_ =	shalt  }
0x47: {  	_ =	shalt  }
0x48: {  	_ =	shalt  }
0x49: {  	_ =	shalt  }
0x4a: {  	_ =	shalt  }
0x4b: {  	_ =	shalt  }
0x4c: {  	_ =	shalt  }
0x4d: {  	_ =	shalt  }
0x4e: {  	_ =	shalt  }
0x4f: {  	_ =	shalt  }
0x50: {  	_ =	shalt  }
0x51: {  	_ =	shalt  }
0x52: {  	_ =	shalt  }
0x53: {  	_ =	shalt  }
0x54: {  	_ =	shalt  }
0x55: {  	_ =	shalt  }
0x56: {  	_ =	shalt  }
0x57: {  	_ =	shalt  }
0x58: {  	_ =	shalt  }
0x59: {  	_ =	shalt  }
0x5a: {  	_ =	shalt  }
0x5b: {  	_ =	shalt  }
0x5c: {  	_ =	shalt  }
0x5d: {  	_ =	shalt  }
0x5e: {  	_ =	shalt  }
0x5f: {  	_ =	shalt  }
0x60: {  	_ =	shalt  }
0x61: {  	_ =	shalt  }
0x62: {  	_ =	shalt  }
0x63: {  	_ =	shalt  }
0x64: {  	_ =	shalt  }
0x65: {  	_ =	shalt  }
0x66: {  	_ =	shalt  }
0x67: {  	_ =	shalt  }
0x68: {  	_ =	shalt  }
0x69: {  	_ =	shalt  }
0x6a: {  	_ =	shalt  }
0x6b: {  	_ =	shalt  }
0x6c: {  	_ =	shalt  }
0x6d: {  	_ =	shalt  }
0x6e: {  	_ =	shalt  }
0x6f: {  	_ =	shalt  }
0x70: {  	_ =	shalt  }
0x71: {  	_ =	shalt  }
0x72: {  	_ =	shalt  }
0x73: {  	_ =	shalt  }
0x74: {  	_ =	shalt  }
0x75: {  	_ =	shalt  }
0x76: {  	_ =	shalt  }
0x77: {  	_ =	shalt  }
0x78: {  	_ =	shalt  }
0x79: {  	_ =	shalt  }
0x7a: {  	_ =	shalt  }
0x7b: {  	_ =	shalt  }
0x7c: {  	_ =	shalt  }
0x7d: {  	_ =	shalt  }
0x7e: {  	_ =	shalt  }
0x7f: {  	_ =	shalt  }
0x80: {  	_ =	shalt  }
0x81: {  	_ =	shalt  }
0x82: {  	_ =	shalt  }
0x83: {  	_ =	shalt  }
0x84: {  	_ =	shalt  }
0x85: {  	_ =	shalt  }
0x86: {  	_ =	shalt  }
0x87: {  	_ =	shalt  }
.Lfunc_end0:
.L_simem_size_0:
called_computation_lowered:
.L_overlay_start_0:
0x88: {  	s2 =	sld [smem:$0x3FD9]  }
0x89: {  	s3 =	sld [smem:$0x3FFE];
	_ =	sdelay $0x1  }
0x8a: {  	s1 =	srdreg.scid  }
0x8b: {  	s0 =	sand.u32 $0x1, s1  }
0x8c: {  	s17 =	sshll.u32 s0, $0xA;
	s2 =	sadd.s32 s3, s2  }
0x8d: {  	s2 =	sadd.s32 s2, s17  }
0x8e: {  	[smem:$0x3FBF] =	sst s2  }
0x8f: {  	_ = 	snop  }
0x90: {  	s18 =	sld [smem:$0x3FD0];
	(tm) =	ssettm $0x1  }
0x91: {  	s19 =	sld [smem:$0x3FFB];
	_ =	sdelay $0x3  }
0x92: {  	_ =	strace s19  }
0x93: {  	s2 =	sld [smem:$0x3FFC];
	_ =	sdelay $0x3  }
0x94: {  	_ =	strace s2  }
0x95: {  	s2 =	sld [smem:$0x3FFD];
	_ =	sdelay $0x3  }
0x96: {  	_ =	strace s2  }
0x97: {  	_ =	strace $0x8FFFFFFF  }
0x98: {  	s20 =	sld [smem:$0x3FDB];
	_ =	sdelay $0x1  }
0x99: {  	s4 =	simm.s32 $_scs_section_size  }
0x9a: {  	s5 =	simm.s32 $_size__tile_overlayer_lowered;
	s6 =	simm.s32 $_tile_overlayer_lowered  }
0x9b: {  	s7 =	simm.s32 $0x1BFF;
	s21 =	sshll.u32 s6, $0x1;
	s4 =	sadd.s32 s4, s20  }
0x9c: {  	s22 =	simm.s32 $0x0;
	s5 =	sshll.u32 s5, $0x1;
	s6 =	sadd.s32 s21, s4  }
0x9d: {  	[timem:s22], [sflag:s7] =	dma.local [hbm:s6], s5  }
0x9e: {  	_ =	swait.ge [sflag:s7], s5  }
0x9f: {  	s5 =	ssub.s32 $0x0, s5;
	[sflag:s7] =	ssyncset.done $0x0  }
0xa0: {  	[sflag:s7] =	ssyncadd.s32 s5;
	_ =	sdelay $0x1  }
0xa1: {  	s23 =	simm.s32 $0x1B8B  }
0xa2: {  	_ =	swait.ge [sflag:s23], $0x1  }
0xa3: {  	[sflag:s23] =	ssyncset.done $0x0  }
0xa4: {  	[sflag:s23] =	ssyncadd.s32 $0xFFFFFFFF  }
0xa5: {  	s5 =	sld [smem:$0x0]  }
0xa6: {  	s6 =	sand.u32 $0xFFFFFFFE, s1  }
0xa7: {  	p0 =	sne.s32 s1, s6  }
0xa8: {  	s6 =	sshll.u32 @p0 s6, $0xE  }
0xa9: {  	s6 =	sadd.s32 @p0 $0x11B8D, s6;
	s7 =	sshll.u32 @p0 s5, $0x11  }
0xaa: {  	s6 =	sor.u32 @p0 s7, s6  }
0xab: {  	[sflag:s6] =	ssyncadd.remote.s32 @p0 $0x1;
	_ =	sdelay $0x1  }
0xac: {  	s6 =	simm.s32 @p0 $0x1B8D  }
0xad: {  	_ =	swait.eq @p0 [sflag:s6], $0x1  }
0xae: {  	[sflag:s6] =	ssyncadd.s32 @p0 $0xFFFFFFFF  }
0xaf: {  	s7 =	sshll.u32 @!p0 s1, $0xE  }
0xb0: {  	s7 =	sor.u32 @!p0 $0x4000, s7;
	s6 =	simm.s32 @!p0 $0x1B8D  }
0xb1: {  	s5 =	sshll.u32 @!p0 s5, $0x11;
	s7 =	sadd.s32 @!p0 $0x11B8D, s7;
	_ =	swait.eq @!p0 [sflag:s6], $0x1  }
0xb2: {  	s5 =	sor.u32 @!p0 s5, s7;
	[sflag:s6] =	ssyncadd.s32 @!p0 $0xFFFFFFFF  }
0xb3: {  	s25 =	simm.s32 $0x1B8E;
	s24 =	sld [smem:$0x3FFE];
	[sflag:s5] =	ssyncadd.remote.s32 @!p0 $0x1  }
0xb4: {  	s26 =	simm.s32 $execute0_lowered;
	[smem:$0x3FD2] =	sst s25  }
0xb5: {  	s6 =	sshll.u32 s26, $0x1;
	_ =	strace $0x80000049;
	[dreg:$0x1] =	wrdreg $0xFFFFFFFF  }
0xb6: {  	s28 =	simm.s32 $_size_execute0_lowered;
	s4 =	sadd.s32 s4, s6;
	[dreg:$0x0] =	wrdreg $0x0  }
0xb7: {  	s6 =	sshll.u32 s28, $0x1;
	[dreg:$0x2] =	wrdreg s4  }
0xb8: {  	[dreg:$0x3] =	wrdreg s6  }
0xb9: {  	[dreg:$0x4] =	wrdreg $0xC0  }
0xba: {  	_ =	task [dreg:s22], $0x5FFFF  }
0xbb: {  	[dreg:$0x1] =	wrdreg $0xFFFFFFFF  }
0xbc: {  	[dreg:$0x0] =	wrdreg $0x60  }
0xbd: {  	[dreg:$0x2] =	wrdreg s24  }
0xbe: {  	[dreg:$0x3] =	wrdreg s18  }
0xbf: {  	[dreg:$0x4] =	wrdreg $0x9  }
0xc0: {  	_ =	task.clear_ibuf [dreg:s22], $0x5FFFF;
	_ =	strace $0x90000049  }
0xc1: {  	s29 =	simm.s32 $0x9;
	_ =	strace $0x8000004B  }
0xc2: {  	_ =	swait.ge [sflag:s29], $0x1  }
0xc3: {  	[sflag:s29] =	ssyncadd.s32 $0xFFFFFFFF  }
0xc4: {  	_ =	strace $0x9000004B  }
0xc5: {  	_ =	sfence  }
0xc6: {  	s30 =	sld [smem:$0x0];
	_ =	sdelay $0x2  }
0xc7: {  	s31 =	sshll.u32 s1, $0xD;
	s1 =	sshrl.u32 s1, $0x2  }
0xc8: {  	s4 =	sand.u32 $0x4000, s31;
	s1 =	sadd.s32 s1, s30  }
0xc9: {  	s0 =	sor.u32 s4, s0;
	s1 =	sshll.u32 s1, $0x11  }
0xca: {  	s0 =	sor.u32 s1, s0  }
0xcb: {  	s0 =	sadd.s32 $0x8F2B, s0  }
0xcc: {  	[sflag:s0] =	ssyncadd.remote.s32 $0x1  }
0xcd: {  	_ =	sfence.sel $0xFFFF  }
0xce: {  	[dreg:$0x0] =	wrdreg $0xFFFFFFFF;
	(pc) =	sbr.abs _section_cstart, $3  }
0xcf: {  	[dreg:$0x1] =	wrdreg $0xFFFFFFFF  }
0xd0: {  	_ =	task.clear_ibuf [dreg:s22], $0x2FFFF;
	_ =	strace $0x9FFFFFFF  }
0xd1: {  	(tm) =	ssettm $0x7FFFFFFF  }
tec
execute0_lowered:
.L_overlay_start_1:
0x0: {  	(tag) =	ssettag $0x1  }
0x1: {  	s4 =	rddreg [dreg:$0x0];
	s1 =	srdreg.scid  }
0x2: {  	s0 =	stileid.u32;
	s2 =	rddreg [dreg:$0x1]  }
0x3: {  	s3 =	simm.s32 $0x0;
	s12 =	simm.s32 $0x1;
	s13 =	simm.s32 $0x2  }
0x4: {  	s15 =	simm.s32 $0x1400;
	s16 =	simm.s32 $0x1310;
	s17 =	simm.s32 $0x3C00  }
0x5: {  	s18 =	simm.s32 $0x28;
	s19 =	simm.s32 $0x1360;
	s20 =	simm.s32 $0x6400  }
0x6: {  	s21 =	simm.s32 $0x0;
	s5 =	sand.u32 $0x1, s1;
	s6 =	sshll.u32 s0, $0x1  }
0x7: {  	[smem:$0x7FF] =	sst s3;
	s10 =	smul.u32 $0x27100, s0;
	s6 =	sor.u32 s5, s6  }
0x8: {  	s9 =	sadd.s32 $0x2CB000, s4;
	s8 =	ssub.s32 $0x2, s5;
	s7 =	smul.u32 $0x1388, s6  }
0x9: {  	_ =	strace $0x8000004A;
	s6 =	smul.u32 $0x9C400, s6;
	s30 =	sshrl.u32 s8, $0x1  }
0xa: {  	s11 =	smul.u32 $0x13880, s5;
	s8 =	ssub.s32 s8, s30;
	s7 =	sshrl.u32 s7, $0x3  }
0xb: {  	s6 =	sshrl.u32 s6, $0x3;
	s8 =	smax.u32 s8, $0x1;
	s7 =	sadd.s32 s7, s4  }
0xc: {  	s31 =	sadd.s32 s9, s6;
	s9 =	sadd.s32 s10, s9;
	s10 =	simm.s32 $0x3  }
0xd: {  	s4 =	sadd.s32 $0x2C6000, s7;
	s5 =	sadd.s32 $0x12C00, s31;
	s6 =	sadd.s32 $0x13100, s31  }
0xe: {  	s7 =	sadd.s32 $0x13600, s31;
	s9 =	sadd.s32 s11, s9;
	s11 =	simm.s32 $0x50  }
.LBB2_1:
0xf: {  	[tilespmem:s3], [sflag:$0x3] =	stream.linear.gather [hbm4b:s4+s3], $0x1388, $0x38;
	[tilespmem:$0x1A400] =	vst v63  }
0x10: {  	p0 =	por $0x1, $0x1;
	_ =	swait.ge [sflag:s10], $0x1388  }
0x11: {  	p0 =	por p0, p0;
	[sflag:s10] =	ssyncset.done $0x0  }
0x12: {  	s22 =	simm.s32 @!p0 $0x2;
	[sflag:s10] =	ssyncadd.s32 $0xFFFFEC78  }
0x13: {  	_ =	swait.ge @!p0 [sflag:s22], $0x2800  }
0x14: {  	[sflag:s22] =	ssyncset.done @!p0 $0x0  }
0x15: {  	[sflag:s22] =	ssyncadd.s32 @!p0 $0xFFFFD800  }
0x16: {  	_ =	swait.ge @!p0 [sflag:s22], $0x2800  }
0x17: {  	[sflag:s22] =	ssyncset.done @!p0 $0x0  }
0x18: {  	[sflag:s22] =	ssyncadd.s32 @!p0 $0xFFFFD800  }
0x19: {  	_ =	swait.ge @!p0 [sflag:s22], $0x2800  }
0x1a: {  	[sflag:s22] =	ssyncset.done @!p0 $0x0  }
0x1b: {  	[sflag:s22] =	ssyncadd.s32 @!p0 $0xFFFFD800  }
0x1c: {  	_ =	swait.ge @!p0 [sflag:s22], $0x2800  }
0x1d: {  	[sflag:s22] =	ssyncset.done @!p0 $0x0  }
0x1e: {  	s23 =	sand.u32 $0x1, s3;
	[sflag:s22] =	ssyncadd.s32 @!p0 $0xFFFFD800  }
0x1f: {  	p1 =	seq.s32 s23, $0x1;
	s23 =	simm.s32 $0xC800;
	_ =	swait.ge @!p0 [sflag:s22], $0x2800  }
0x20: {  	s23 =	simm.s32 @!p1 $0x0;
	[sflag:s22] =	ssyncset.done @!p0 $0x0  }
0x21: {  	s24 =	simm.s32 $0x0;
	s14 =	sor.u32 $0x1400, s23;
	[sflag:s22] =	ssyncadd.s32 @!p0 $0xFFFFD800  }
0x22: {  	[tilespmem:s14], [sflag:$0x1] =	stream.indirect.gather [hbm4b:s2+s11], $0x80, s24, s11, $0xb8;
	[tilespmem:$0x1A400] =	vst v63  }
0x23: {  	s25 =	simm.s32 $0x50;
	s30 =	sadd.s32 $0x3C00, s23  }
0x24: {  	[tilespmem:s30], [sflag:$0x1] =	stream.indirect.gather [hbm4b:s2+s11], $0x80, s25, s11, $0xb8;
	[tilespmem:$0x1A400] =	vst v63  }
0x25: {  	s26 =	simm.s32 $0xA0;
	s31 =	sadd.s32 $0x6400, s23  }
0x26: {  	[tilespmem:s31], [sflag:$0x1] =	stream.indirect.gather [hbm4b:s2+s11], $0x80, s26, s11, $0xb8;
	[tilespmem:$0x1A400] =	vst v63  }
0x27: {  	s28 =	simm.s32 $0xF0;
	s0 =	sadd.s32 $0x8C00, s23  }
0x28: {  	[tilespmem:s0], [sflag:$0x1] =	stream.indirect.gather [hbm4b:s2+s11], $0x80, s28, s11, $0xb8;
	[tilespmem:$0x1A400] =	vst v63  }
0x29: {  	s29 =	sadd.s32 $0xB400, s23;
	s28 =	simm.s32 $0x140  }
0x2a: {  	[tilespmem:s29], [sflag:$0x1] =	stream.indirect.gather [hbm4b:s2+s11], $0x80, s28, s11, $0xb8;
	[tilespmem:$0x1A400] =	vst v63  }
0x2b: {  	_ =	swait.ge [sflag:s12], $0x2800  }
0x2c: {  	[sflag:s12] =	ssyncset.done $0x0  }
0x2d: {  	[sflag:s12] =	ssyncadd.s32 $0xFFFFD800  }
0x2e: {  	_ =	swait.ge [sflag:s12], $0x2800  }
0x2f: {  	[sflag:s12] =	ssyncset.done $0x0  }
0x30: {  	[sflag:s12] =	ssyncadd.s32 $0xFFFFD800  }
0x31: {  	_ =	swait.ge [sflag:s12], $0x2800  }
0x32: {  	[sflag:s12] =	ssyncset.done $0x0  }
0x33: {  	[sflag:s12] =	ssyncadd.s32 $0xFFFFD800  }
0x34: {  	_ =	swait.ge [sflag:s12], $0x2800  }
0x35: {  	[sflag:s12] =	ssyncset.done $0x0  }
0x36: {  	[sflag:s12] =	ssyncadd.s32 $0xFFFFD800  }
0x37: {  	_ =	swait.ge [sflag:s12], $0x2800  }
0x38: {  	s1 =	sadd.s32 $0x0, s9;
	[sflag:s12] =	ssyncset.done $0x0  }
0x39: {  	p6 =	por $0x1, $0x1;
	s23 =	simm.s32 $0x2D0;
	[sflag:s12] =	ssyncadd.s32 $0xFFFFD800  }
0x3a: {  	[hbm4b:s1+s3] =	stream.linear.scatter [tilespmem:s14], [sflag:$0x2], $0x2800, $0x38;
	[tilespmem:$0x1A400] =	vst v63  }
0x3b: {  	s22 =	simm.s32 $0x1900;
	p0 =	por p6, p6;
	s14 =	sadd.s32 $0x500, s1  }
0x3c: {  	[hbm4b:s14+s3] =	stream.linear.scatter [tilespmem:s30], [sflag:$0x2], $0x2800, $0x38;
	[tilespmem:$0x1A400] =	vst v63  }
0x3d: {  	s24 =	simm.s32 $0x1;
	s25 =	simm.s32 $0x3200;
	s30 =	sadd.s32 $0xA00, s1  }
0x3e: {  	[hbm4b:s30+s3] =	stream.linear.scatter [tilespmem:s31], [sflag:$0x2], $0x2800, $0x38;
	[tilespmem:$0x1A400] =	vst v63  }
0x3f: {  	s26 =	simm.s32 $0x2;
	s28 =	sadd.s32 $0x1400, s1;
	s31 =	sadd.s32 $0xF00, s1  }
0x40: {  	[hbm4b:s31+s3] =	stream.linear.scatter [tilespmem:s0], [sflag:$0x2], $0x2800, $0x38;
	[tilespmem:$0x1A400] =	vst v63  }
.LBB2_2:
0x41: {  	[hbm4b:s28+s3] =	stream.linear.scatter [tilespmem:s29], [sflag:$0x2], $0x2800, $0x38;
	[tilespmem:$0x1A400] =	vst v63  }
0x42: {  	s28 =	smov.u32 s25  }
0x43: {  	p2 =	slt.u32 s26, $0x2;
	s25 =	sadd.s32 $0x1900, s25;
	s29 =	simm.s32 @!p0 $0x2  }
0x44: {  	p1 =	sne.s32 s25, $0x12C00;
	_ =	swait.ge @!p0 [sflag:s29], $0x2800  }
0x45: {  	[sflag:s29] =	ssyncset.done @!p0 $0x0  }
0x46: {  	[sflag:s29] =	ssyncadd.s32 @!p0 $0xFFFFD800  }
0x47: {  	_ =	swait.ge @!p0 [sflag:s29], $0x2800  }
0x48: {  	[sflag:s29] =	ssyncset.done @!p0 $0x0  }
0x49: {  	[sflag:s29] =	ssyncadd.s32 @!p0 $0xFFFFD800  }
0x4a: {  	_ =	swait.ge @!p0 [sflag:s29], $0x2800  }
0x4b: {  	[sflag:s29] =	ssyncset.done @!p0 $0x0  }
0x4c: {  	[sflag:s29] =	ssyncadd.s32 @!p0 $0xFFFFD800  }
0x4d: {  	_ =	swait.ge @!p0 [sflag:s29], $0x2800  }
0x4e: {  	[sflag:s29] =	ssyncset.done @!p0 $0x0  }
0x4f: {  	s30 =	sand.u32 $0x1, s24;
	s24 =	smov.u32 s26;
	[sflag:s29] =	ssyncadd.s32 @!p0 $0xFFFFD800  }
0x50: {  	p3 =	seq.s32 s30, $0x1;
	s30 =	simm.s32 $0xC800;
	_ =	swait.ge @!p0 [sflag:s29], $0x2800  }
0x51: {  	s30 =	simm.s32 @!p3 $0x0;
	[sflag:s29] =	ssyncset.done @!p0 $0x0  }
0x52: {  	s31 =	sor.u32 $0x1400, s30;
	[sflag:s29] =	ssyncadd.s32 @!p0 $0xFFFFD800;
	s29 =	sadd.s32 $0xFFFFFEC0, s23  }
0x53: {  	[tilespmem:s31], [sflag:$0x1] =	stream.indirect.gather [hbm4b:s2+s11], $0x80, s29, s11, $0xb8;
	[tilespmem:$0x1A400] =	vst v63  }
0x54: {  	s1 =	sadd.s32 $0x3C00, s30;
	p0 =	por p2, p2;
	s29 =	sadd.s32 $0xFFFFFF10, s23  }
0x55: {  	[tilespmem:s1], [sflag:$0x1] =	stream.indirect.gather [hbm4b:s2+s11], $0x80, s29, s11, $0xb8;
	[tilespmem:$0x1A400] =	vst v63  }
0x56: {  	s0 =	sadd.s32 $0x6400, s30;
	s29 =	sadd.s32 $0xFFFFFF60, s23  }
0x57: {  	[tilespmem:s0], [sflag:$0x1] =	stream.indirect.gather [hbm4b:s2+s11], $0x80, s29, s11, $0xb8;
	[tilespmem:$0x1A400] =	vst v63  }
0x58: {  	s14 =	sadd.s32 $0x8C00, s30;
	s29 =	sadd.s32 $0xFFFFFFB0, s23  }
0x59: {  	[tilespmem:s14], [sflag:$0x1] =	stream.indirect.gather [hbm4b:s2+s11], $0x80, s29, s11, $0xb8;
	[tilespmem:$0x1A400] =	vst v63  }
0x5a: {  	s29 =	sadd.s32 $0xB400, s30  }
0x5b: {  	[tilespmem:s29], [sflag:$0x1] =	stream.indirect.gather [hbm4b:s2+s11], $0x80, s23, s11, $0xb8;
	[tilespmem:$0x1A400] =	vst v63  }
0x5c: {  	_ =	swait.ge [sflag:s12], $0x2800  }
0x5d: {  	[sflag:s12] =	ssyncset.done $0x0  }
0x5e: {  	[sflag:s12] =	ssyncadd.s32 $0xFFFFD800  }
0x5f: {  	_ =	swait.ge [sflag:s12], $0x2800  }
0x60: {  	[sflag:s12] =	ssyncset.done $0x0  }
0x61: {  	[sflag:s12] =	ssyncadd.s32 $0xFFFFD800  }
0x62: {  	_ =	swait.ge [sflag:s12], $0x2800  }
0x63: {  	[sflag:s12] =	ssyncset.done $0x0  }
0x64: {  	[sflag:s12] =	ssyncadd.s32 $0xFFFFD800  }
0x65: {  	_ =	swait.ge [sflag:s12], $0x2800  }
0x66: {  	[sflag:s12] =	ssyncset.done $0x0  }
0x67: {  	[sflag:s12] =	ssyncadd.s32 $0xFFFFD800  }
0x68: {  	_ =	swait.ge [sflag:s12], $0x2800  }
0x69: {  	[sflag:s12] =	ssyncset.done $0x0  }
0x6a: {  	s30 =	sadd.s32 s22, s9;
	s22 =	smov.u32 s28;
	[sflag:s12] =	ssyncadd.s32 $0xFFFFD800  }
0x6b: {  	[hbm4b:s30+s3] =	stream.linear.scatter [tilespmem:s31], [sflag:$0x2], $0x2800, $0x38;
	[tilespmem:$0x1A400] =	vst v63  }
0x6c: {  	s28 =	sadd.s32 $0x500, s30  }
0x6d: {  	[hbm4b:s28+s3] =	stream.linear.scatter [tilespmem:s1], [sflag:$0x2], $0x2800, $0x38;
	[tilespmem:$0x1A400] =	vst v63  }
.Ltmp0:
0x6e: {  	s1 =	sadd.s32 $0xA00, s30;
	(pc) =	sbr.rel @p1 .LBB2_2-.Ltmp0, $4  }
0x6f: {  	[hbm4b:s1+s3] =	stream.linear.scatter [tilespmem:s0], [sflag:$0x2], $0x2800, $0x38;
	[tilespmem:$0x1A400] =	vst v63  }
0x70: {  	s0 =	sadd.s32 $0xF00, s30  }
0x71: {  	[hbm4b:s0+s3] =	stream.linear.scatter [tilespmem:s14], [sflag:$0x2], $0x2800, $0x38;
	[tilespmem:$0x1A400] =	vst v63  }
0x72: {  	s26 =	sadd.s32 $0x1, s26;
	s23 =	sadd.s32 $0x190, s23;
	s28 =	sadd.s32 $0x1400, s30  }
0x73: {  	[hbm4b:s28+s3] =	stream.linear.scatter [tilespmem:s29], [sflag:$0x2], $0x2800, $0x38;
	[tilespmem:$0x1A400] =	vst v63  }
0x74: {  	s0 =	simm.s32 @!p0 $0x2  }
0x75: {  	_ =	swait.ge @!p0 [sflag:s0], $0x2800  }
0x76: {  	[sflag:s0] =	ssyncset.done @!p0 $0x0  }
0x77: {  	[sflag:s0] =	ssyncadd.s32 @!p0 $0xFFFFD800  }
0x78: {  	_ =	swait.ge @!p0 [sflag:s0], $0x2800  }
0x79: {  	[sflag:s0] =	ssyncset.done @!p0 $0x0  }
0x7a: {  	[sflag:s0] =	ssyncadd.s32 @!p0 $0xFFFFD800  }
0x7b: {  	_ =	swait.ge @!p0 [sflag:s0], $0x2800  }
0x7c: {  	[sflag:s0] =	ssyncset.done @!p0 $0x0  }
0x7d: {  	[sflag:s0] =	ssyncadd.s32 @!p0 $0xFFFFD800  }
0x7e: {  	_ =	swait.ge @!p0 [sflag:s0], $0x2800  }
0x7f: {  	[sflag:s0] =	ssyncset.done @!p0 $0x0  }
0x80: {  	s1 =	sand.u32 $0x1, s24;
	[sflag:s0] =	ssyncadd.s32 @!p0 $0xFFFFD800  }
0x81: {  	p1 =	seq.s32 s1, $0x1;
	s1 =	simm.s32 $0xC800;
	_ =	swait.ge @!p0 [sflag:s0], $0x2800  }
0x82: {  	s1 =	simm.s32 @!p1 $0x0;
	[sflag:s0] =	ssyncset.done @!p0 $0x0  }
0x83: {  	s14 =	sadd.s32 $0xFFFFFEC0, s23;
	[sflag:s0] =	ssyncadd.s32 @!p0 $0xFFFFD800;
	s0 =	sor.u32 $0x1400, s1  }
0x84: {  	[tilespmem:s0], [sflag:$0x1] =	stream.indirect.gather [hbm4b:s2+s11], $0x80, s14, s11, $0xb8;
	[tilespmem:$0x1A400] =	vst v63  }
0x85: {  	s29 =	sadd.s32 $0xFFFFFF10, s23;
	s28 =	sadd.s32 $0x3C00, s1  }
0x86: {  	[tilespmem:s28], [sflag:$0x1] =	stream.indirect.gather [hbm4b:s2+s11], $0x80, s29, s11, $0xb8;
	[tilespmem:$0x1A400] =	vst v63  }
0x87: {  	s25 =	sadd.s32 $0xFFFFFF60, s23;
	s30 =	sadd.s32 $0x6400, s1  }
0x88: {  	[tilespmem:s30], [sflag:$0x1] =	stream.indirect.gather [hbm4b:s2+s11], $0x80, s25, s11, $0xb8;
	[tilespmem:$0x1A400] =	vst v63  }
0x89: {  	s26 =	sadd.s32 $0xFFFFFFB0, s23;
	s31 =	sadd.s32 $0x8C00, s1  }
0x8a: {  	[tilespmem:s31], [sflag:$0x1] =	stream.indirect.gather [hbm4b:s2+s11], $0x80, s26, s11, $0xb8;
	[tilespmem:$0x1A400] =	vst v63  }
0x8b: {  	s1 =	sadd.s32 $0xB400, s1  }
0x8c: {  	[tilespmem:s1], [sflag:$0x1] =	stream.indirect.gather [hbm4b:s2+s11], $0x80, s23, s11, $0xb8;
	[tilespmem:$0x1A400] =	vst v63  }
0x8d: {  	_ =	swait.ge [sflag:s12], $0x2800  }
0x8e: {  	[sflag:s12] =	ssyncset.done $0x0  }
0x8f: {  	[sflag:s12] =	ssyncadd.s32 $0xFFFFD800  }
0x90: {  	_ =	swait.ge [sflag:s12], $0x2800  }
0x91: {  	[sflag:s12] =	ssyncset.done $0x0  }
0x92: {  	[sflag:s12] =	ssyncadd.s32 $0xFFFFD800  }
0x93: {  	_ =	swait.ge [sflag:s12], $0x2800  }
0x94: {  	[sflag:s12] =	ssyncset.done $0x0  }
0x95: {  	[sflag:s12] =	ssyncadd.s32 $0xFFFFD800  }
0x96: {  	_ =	swait.ge [sflag:s12], $0x2800  }
0x97: {  	[sflag:s12] =	ssyncset.done $0x0  }
0x98: {  	[sflag:s12] =	ssyncadd.s32 $0xFFFFD800  }
0x99: {  	_ =	swait.ge [sflag:s12], $0x2800  }
0x9a: {  	[sflag:s12] =	ssyncset.done $0x0  }
0x9b: {  	s22 =	sadd.s32 s22, s9;
	[sflag:s12] =	ssyncadd.s32 $0xFFFFD800  }
0x9c: {  	[hbm4b:s22+s3] =	stream.linear.scatter [tilespmem:s0], [sflag:$0x2], $0x2800, $0x38;
	[tilespmem:$0x1A400] =	vst v63  }
0x9d: {  	s26 =	sadd.s32 $0x500, s22  }
0x9e: {  	[hbm4b:s26+s3] =	stream.linear.scatter [tilespmem:s28], [sflag:$0x2], $0x2800, $0x38;
	[tilespmem:$0x1A400] =	vst v63  }
0x9f: {  	s28 =	sadd.s32 $0xA00, s22  }
0xa0: {  	[hbm4b:s28+s3] =	stream.linear.scatter [tilespmem:s30], [sflag:$0x2], $0x2800, $0x38;
	[tilespmem:$0x1A400] =	vst v63  }
0xa1: {  	s29 =	sadd.s32 $0xF00, s22  }
0xa2: {  	[hbm4b:s29+s3] =	stream.linear.scatter [tilespmem:s31], [sflag:$0x2], $0x2800, $0x38;
	[tilespmem:$0x1A400] =	vst v63  }
0xa3: {  	s30 =	sadd.s32 $0x1400, s22  }
0xa4: {  	[hbm4b:s30+s3] =	stream.linear.scatter [tilespmem:s1], [sflag:$0x2], $0x2800, $0x38;
	[tilespmem:$0x1A400] =	vst v63  }
0xa5: {  	_ =	swait.ge [sflag:s13], $0x2800  }
0xa6: {  	[sflag:s13] =	ssyncset.done $0x0  }
0xa7: {  	[sflag:s13] =	ssyncadd.s32 $0xFFFFD800  }
0xa8: {  	_ =	swait.ge [sflag:s13], $0x2800  }
0xa9: {  	[sflag:s13] =	ssyncset.done $0x0  }
0xaa: {  	[sflag:s13] =	ssyncadd.s32 $0xFFFFD800  }
0xab: {  	_ =	swait.ge [sflag:s13], $0x2800  }
0xac: {  	[sflag:s13] =	ssyncset.done $0x0  }
0xad: {  	[sflag:s13] =	ssyncadd.s32 $0xFFFFD800  }
0xae: {  	_ =	swait.ge [sflag:s13], $0x2800  }
0xaf: {  	[sflag:s13] =	ssyncset.done $0x0  }
0xb0: {  	[sflag:s13] =	ssyncadd.s32 $0xFFFFD800  }
0xb1: {  	_ =	swait.ge [sflag:s13], $0x2800  }
0xb2: {  	[sflag:s13] =	ssyncset.done $0x0  }
0xb3: {  	[sflag:s13] =	ssyncadd.s32 $0xFFFFD800  }
0xb4: {  	_ =	swait.ge [sflag:s13], $0x2800  }
0xb5: {  	[sflag:s13] =	ssyncset.done $0x0  }
0xb6: {  	[sflag:s13] =	ssyncadd.s32 $0xFFFFD800  }
0xb7: {  	_ =	swait.ge [sflag:s13], $0x2800  }
0xb8: {  	[sflag:s13] =	ssyncset.done $0x0  }
0xb9: {  	[sflag:s13] =	ssyncadd.s32 $0xFFFFD800  }
0xba: {  	_ =	swait.ge [sflag:s13], $0x2800  }
0xbb: {  	[sflag:s13] =	ssyncset.done $0x0  }
0xbc: {  	[sflag:s13] =	ssyncadd.s32 $0xFFFFD800  }
0xbd: {  	_ =	swait.ge [sflag:s13], $0x2800  }
0xbe: {  	[sflag:s13] =	ssyncset.done $0x0  }
0xbf: {  	[sflag:s13] =	ssyncadd.s32 $0xFFFFD800  }
0xc0: {  	_ =	swait.ge [sflag:s13], $0x2800  }
0xc1: {  	[sflag:s13] =	ssyncset.done $0x0  }
0xc2: {  	s31 =	simm.s32 $0x12C0;
	[sflag:s13] =	ssyncadd.s32 $0xFFFFD800  }
0xc3: {  	[tilespmem:s15], [sflag:$0x1] =	stream.indirect.gather [hbm4b:s2+s11], $0x80, s31, s11, $0xb8;
	[tilespmem:$0x1A400] =	vst v63  }
0xc4: {  	_ = 	snop  }
0xc5: {  	[tilespmem:s17], [sflag:$0x1] =	stream.indirect.gather [hbm4b:s2+s11], $0x80, s16, s11, $0xb8;
	[tilespmem:$0x1A400] =	vst v63  }
0xc6: {  	_ = 	snop  }
0xc7: {  	[tilespmem:s20], [sflag:$0x1] =	stream.indirect.gather [hbm4b:s2+s18], $0x80, s19, s18, $0xb8;
	[tilespmem:$0x1A400] =	vst v63  }
0xc8: {  	_ =	swait.ge [sflag:s12], $0x2800  }
0xc9: {  	[sflag:s12] =	ssyncset.done $0x0  }
0xca: {  	[sflag:s12] =	ssyncadd.s32 $0xFFFFD800  }
0xcb: {  	_ =	swait.ge [sflag:s12], $0x2800  }
0xcc: {  	[sflag:s12] =	ssyncset.done $0x0  }
0xcd: {  	[sflag:s12] =	ssyncadd.s32 $0xFFFFD800  }
0xce: {  	_ =	swait.ge [sflag:s12], $0x1400  }
0xcf: {  	[sflag:s12] =	ssyncset.done $0x0  }
0xd0: {  	[sflag:s12] =	ssyncadd.s32 $0xFFFFEC00  }
0xd1: {  	[hbm4b:s5+s3] =	stream.linear.scatter [tilespmem:s15], [sflag:$0x2], $0x2800, $0x38;
	[tilespmem:$0x1A400] =	vst v63  }
0xd2: {  	_ = 	snop  }
0xd3: {  	[hbm4b:s6+s3] =	stream.linear.scatter [tilespmem:s17], [sflag:$0x2], $0x2800, $0x38;
	[tilespmem:$0x1A400] =	vst v63  }
0xd4: {  	_ = 	snop  }
0xd5: {  	[hbm4b:s7+s3] =	stream.linear.scatter [tilespmem:s20], [sflag:$0x2], $0x1400, $0x38;
	[tilespmem:$0x1A400] =	vst v63  }
0xd6: {  	_ =	swait.ge [sflag:s13], $0x2800  }
0xd7: {  	[sflag:s13] =	ssyncset.done $0x0  }
0xd8: {  	s21 =	sadd.s32 $0x1, s21;
	[sflag:s13] =	ssyncadd.s32 $0xFFFFD800  }
0xd9: {  	p0 =	sne.s32 s21, s8;
	_ =	swait.ge [sflag:s13], $0x2800  }
.Ltmp1:
0xda: {  	[sflag:s13] =	ssyncset.done $0x0;
	(pc) =	sbr.rel @p0 .LBB2_1-.Ltmp1, $4  }
0xdb: {  	[sflag:s13] =	ssyncadd.s32 $0xFFFFD800  }
0xdc: {  	_ =	swait.ge [sflag:s13], $0x1400  }
0xdd: {  	[sflag:s13] =	ssyncset.done $0x0  }
0xde: {  	[sflag:s13] =	ssyncadd.s32 $0xFFFFEC00  }
0xdf: {  	_ =	sfence.sel $0x180000  }
0xe0: {  	[bflag:$0x0] =	sbarrier.arrive $0xFFFF  }
0xe1: {  	_ =	strace $0x9000004A  }
0xe2: {  	s0 =	stileid.u32;
	[bflag:$0x2] =	sbarrier.arrive $0xFFFF  }
0xe3: {  	p0 =	sne.s32 s0, $0x0;
	s0 =	rddreg [dreg:$0x2]  }
0xe4: {  	s0 =	sadd.s32 @!p0 $0x100000, s0  }
0xe5: {  	[sflag:s0] =	ssyncadd.tile.s32 @!p0 $0x1;
	_ =	shalt  }
.Lfunc_end2:
_tile_overlayer_lowered:
.L_overlay_start_2:
0xe6: {  	(tag) =	ssettag $0x2  }
0xe7: {  	s0 =	rddreg [dreg:$0x0];
	s2 =	stileid.u32  }
0xe8: {  	s1 =	rddreg [dreg:$0x1];
	p0 =	sne.s32 s2, $0x0  }
0xe9: {  	s3 =	rddreg [dreg:$0x2];
	[bflag:$0x3] =	sbarrier.arrive $0xFFFF;
	s2 =	simm.s32 @!p0 $0x1C03  }
0xea: {  	[timem:s3], [sflag:s2] =	dma.local @!p0 [hbm:s0], s1  }
0xeb: {  	s0 =	simm.s32 @!p0 $0x3  }
0xec: {  	_ =	swait.ge @!p0 [sflag:s0], s1  }
0xed: {  	s1 =	ssub.s32 @!p0 $0x0, s1;
	[sflag:s0] =	ssyncset.done @!p0 $0x0  }
0xee: {  	[sflag:s0] =	ssyncadd.s32 @!p0 s1  }
0xef: {  	[bflag:$0x3] =	sbarrier.arrive $0xFFFF  }
0xf0: {  	_ =	shalt  }

</sc_bundles>
